<compile_context>
chip_gen: v7x
topology: tpu7x:2x2x1
jax: 0.10.2.dev20260603
libtpu: 0.0.44.dev20260713+nightly
codegen_flags: <defaults>
</compile_context>

<pallas_src>
import functools

import jax
import jax.numpy as jnp
from jax import lax
from jax.experimental import pallas as pl
from jax.experimental.pallas import tpu as pltpu
from jax.experimental.pallas import tpu_sc as plsc

B, D, N = 1024, 128, 16384
MULT = N // B
ROW = D * MULT
L = 16
NC, NS = 2, 16
NW = NC * NS
RPW = B // NW
ND = D // L
NV_ROW = ROW // L
NV_N = N // L
ZERO_POINT = 1e-10
FN = float(N)
FM = float(MULT)


def _body(zm_hbm, zv_hbm, x_hbm, eps_hbm, out_hbm,
          hist, zrow, idxrow, zm_all, zv_all,
          eps_v0, x_v0, o_v0,
          eps_v1, x_v1, o_v1,
          psem, isem0, isem1, osem0, osem1):
    cid = lax.axis_index("c")
    sid = lax.axis_index("s")
    wid = sid * NC + cid
    row0 = wid * RPW

    bufs = ((eps_v0, x_v0, o_v0, isem0, osem0),
            (eps_v1, x_v1, o_v1, isem1, osem1))

    zeros16 = jnp.zeros((L,), jnp.float32)

    pltpu.async_copy(zm_hbm.at[pl.ds(row0, RPW)], zm_all, psem)
    pltpu.async_copy(zv_hbm.at[pl.ds(row0, RPW)], zv_all, psem)

    @plsc.parallel_loop(0, NV_N, unroll=8)
    def _zero(i):
        hist[pl.ds(i * L, L)] = zeros16

    def _start_in(b, bb):
        eps_v, x_v, _, isem, _ = bufs[bb]
        pltpu.async_copy(eps_hbm.at[pl.ds(b * MULT, MULT)], eps_v, isem)
        pltpu.async_copy(x_hbm.at[b], x_v, isem)

    _start_in(row0, 0)
    _start_in(row0 + 1, 1)

    pltpu.make_async_copy(zm_hbm.at[pl.ds(row0, RPW)], zm_all, psem).wait()
    pltpu.make_async_copy(zv_hbm.at[pl.ds(row0, RPW)], zv_all, psem).wait()

    def _pair(g, carry):
        for bb in (0, 1):
            eps_v, x_v, o_v, isem, osem = bufs[bb]
            r = 2 * g + bb
            b = row0 + r

            pltpu.make_async_copy(eps_hbm.at[pl.ds(b * MULT, MULT)],
                                  eps_v, isem).wait()

            zmv = [zm_all[r, pl.ds(d * L, L)] for d in range(ND)]
            emv = [jnp.exp(0.5 * zv_all[r, pl.ds(d * L, L)])
                   for d in range(ND)]

            inf16 = jnp.full((L,), jnp.inf, jnp.float32)

            def _zk(k, mm):
                mn0, mn1, mx0, mx1 = mm
                for d in range(ND):
                    z = zmv[d] + emv[d] * eps_v[k, pl.ds(d * L, L)]
                    zrow[pl.ds(k * D + d * L, L)] = z
                    if d % 2 == 0:
                        mn0 = jnp.minimum(mn0, z)
                        mx0 = jnp.maximum(mx0, z)
                    else:
                        mn1 = jnp.minimum(mn1, z)
                        mx1 = jnp.maximum(mx1, z)
                return mn0, mn1, mx0, mx1

            mn0, mn1, mx0, mx1 = plsc.parallel_loop(
                0, MULT, unroll=4,
                carry=(inf16, inf16, -inf16, -inf16))(_zk)
            vmin = -jnp.max(-jnp.minimum(mn0, mn1))
            vmax = jnp.max(jnp.maximum(mx0, mx1))
            vminv = jnp.broadcast_to(vmin, (L,))
            vmaxv = jnp.broadcast_to(vmax, (L,))
            widthv = (vmaxv - vminv) / FN

            ones16 = zeros16 + 1.0

            @plsc.parallel_loop(0, NV_ROW, unroll=8)
            def _hk(j):
                off = j * L
                z = zrow[pl.ds(off, L)]
                ii = ((z - vminv) / widthv).astype(jnp.int32)
                ii = jnp.clip(ii, 0, N - 1)
                idxrow[pl.ds(off, L)] = ii
                plsc.addupdate_scatter(hist, [ii], ones16)

            def _g1(j, mm):
                m0, m1 = mm
                off = j * (2 * L)
                c0 = plsc.load_gather(hist, [idxrow[pl.ds(off, L)]])
                c1 = plsc.load_gather(hist, [idxrow[pl.ds(off + L, L)]])
                zrow[pl.ds(off, L)] = c0
                zrow[pl.ds(off + L, L)] = c1
                return jnp.maximum(m0, c0), jnp.maximum(m1, c1)
            m0, m1 = plsc.parallel_loop(
                0, NV_ROW // 2, unroll=4, carry=(zeros16, zeros16))(_g1)
            cmaxv = jnp.broadcast_to(jnp.max(jnp.maximum(m0, m1)), (L,))

            def _g2(j, acc):
                a10, a11, a20, a21 = acc
                off = j * (2 * L)
                cc0 = zrow[pl.ds(off, L)]
                cc1 = zrow[pl.ds(off + L, L)]
                e0 = jnp.exp(cc0 - cmaxv)
                e1 = jnp.exp(cc1 - cmaxv)
                zrow[pl.ds(off, L)] = e0
                zrow[pl.ds(off + L, L)] = e1
                r0 = 1.0 / cc0
                r1 = 1.0 / cc1
                return a10 + e0 * r0, a11 + e1 * r1, a20 + r0, a21 + r1
            a10, a11, a20, a21 = plsc.parallel_loop(
                0, NV_ROW // 2, unroll=4, carry=(zeros16,) * 4)(_g2)
            e0v = jnp.exp(zeros16 - cmaxv)
            denomv = (jnp.broadcast_to(jnp.sum(a10 + a11), (L,))
                      + (FN - jnp.broadcast_to(jnp.sum(a20 + a21), (L,)))
                      * e0v)
            invdenomv = 1.0 / denomv
            p0v = e0v * invdenomv
            sv = jnp.where(p0v < ZERO_POINT, 0.0, FM * p0v)

            pltpu.make_async_copy(x_hbm.at[b], x_v, isem).wait()

            @pl.when(g > 0)
            def _wait_out():
                pltpu.make_async_copy(o_v, out_hbm.at[b], osem).wait()

            @plsc.parallel_loop(0, NV_N, unroll=8)
            def _dk(j):
                off = j * L
                o_v[pl.ds(off, L)] = x_v[pl.ds(off, L)] * sv

            @plsc.parallel_loop(0, NV_ROW, unroll=4)
            def _ck(j):
                off = j * L
                ii = idxrow[pl.ds(off, L)]
                e = zrow[pl.ds(off, L)]
                p = e * invdenomv
                p = jnp.where(p < ZERO_POINT, 0.0, p)
                xg = plsc.load_gather(x_v, [ii])
                plsc.store_scatter(o_v, [ii], xg * (FM * p))
                plsc.store_scatter(hist, [ii], zeros16)

            pltpu.async_copy(o_v, out_hbm.at[b], osem)

            @pl.when(g < RPW // 2 - 1)
            def _prefetch():
                _start_in(b + 2, bb)
        return carry

    lax.fori_loop(0, RPW // 2, _pair, 0)

    pltpu.make_async_copy(o_v0, out_hbm.at[row0 + RPW - 2], osem0).wait()
    pltpu.make_async_copy(o_v1, out_hbm.at[row0 + RPW - 1], osem1).wait()


@jax.jit
def _run(z_mean, z_var, x, epsilon):
    mesh = plsc.VectorSubcoreMesh(core_axis_name="c", subcore_axis_name="s")
    dbl = [
        pltpu.VMEM((MULT, D), jnp.float32),
        pltpu.VMEM((N,), jnp.float32),
        pltpu.VMEM((N,), jnp.float32),
    ]
    f = functools.partial(
        pl.kernel,
        out_type=jax.ShapeDtypeStruct((B, N), jnp.float32),
        mesh=mesh,
        scratch_types=[
            pltpu.VMEM((N,), jnp.float32),
            pltpu.VMEM((ROW,), jnp.float32),
            pltpu.VMEM((ROW,), jnp.int32),
            pltpu.VMEM((RPW, D), jnp.float32),
            pltpu.VMEM((RPW, D), jnp.float32),
        ] + dbl + dbl + [
            pltpu.SemaphoreType.DMA,
            pltpu.SemaphoreType.DMA,
            pltpu.SemaphoreType.DMA,
            pltpu.SemaphoreType.DMA,
            pltpu.SemaphoreType.DMA,
        ],
        compiler_params=pltpu.CompilerParams(needs_layout_passes=False),
    )(_body)
    return f(z_mean, z_var, x, epsilon)


def kernel(z_mean, z_var, x, epsilon):
    return _run(z_mean, z_var, x, epsilon)

# --- scband reference (transcript-rebuilt; emitter-appended) ---
"""Pipeline reference for scband-probability-dropout-15264313770625 (READ-ONLY COPY).

The authoritative reference and input builder live on the scoring server;
editing this copy changes nothing except your own understanding.
"""

import jax, jax.numpy as jnp
import numpy as np

ZERO_POINT = 1e-10


def setup_inputs(seed: int = 0) -> dict:
    key = jax.random.key(seed)
    k1, k2, k3, k4 = jax.random.split(key, 4)
    B, D, N = 1024, 128, 16384
    z_mean = jax.random.normal(k1, (B, D), dtype=jnp.float32)
    z_var = jax.random.normal(k2, (B, D), dtype=jnp.float32) * 0.1
    x = jax.random.normal(k3, (B, N), dtype=jnp.float32)
    multiplier = N // B
    # epsilon is the reparameterization noise drawn inside the Keras layer's call;
    # materialized here so the reference is deterministic.
    epsilon = jax.random.normal(k4, (B * multiplier, D), dtype=jnp.float32)
    return {"z_mean": z_mean, "z_var": z_var, "x": x, "epsilon": epsilon}


def _hist_softmax(p, nbins):
    # tf.histogram_fixed_width with value_range = [min(p), max(p)]
    vmin = jnp.min(p)
    vmax = jnp.max(p)
    width = (vmax - vmin) / nbins
    idx = ((p - vmin) / width).astype(jnp.int32)
    idx = jnp.clip(idx, 0, nbins - 1)
    hist = jnp.bincount(idx, length=nbins).astype(jnp.float32)
    return jax.nn.softmax(hist)


def reference(z_mean, z_var, x, epsilon):
    B, D = z_mean.shape
    N = x.shape[-1]
    multiplier = N // B
    zm = jnp.repeat(z_mean, multiplier, axis=0)
    zv = jnp.repeat(z_var, multiplier, axis=0)
    z = zm + jnp.exp(0.5 * zv) * epsilon
    z = z.reshape(B, D * multiplier)
    probs = jax.vmap(lambda p: _hist_softmax(p, N))(z)
    probs = jnp.where(probs < ZERO_POINT, jnp.zeros_like(probs), probs)
    scale_factor = 1.0 / multiplier
    return x * probs / scale_factor

if __name__ == "__main__":
    import jax
    _d = setup_inputs()
    print(jax.jit(kernel)(*tuple(_d.values())))

</pallas_src>

<mosaic_0001>
#map = affine_map<(d0, d1) -> (0, 0)>
module attributes {stable_mosaic.version = 14 : i64} {
  func.func @_body(%arg0: i32, %arg1: i32, %arg2: memref<1024x128xf32, #tpu.memory_space<hbm>>, %arg3: memref<1024x128xf32, #tpu.memory_space<hbm>>, %arg4: memref<1024x16384xf32, #tpu.memory_space<hbm>>, %arg5: memref<16384x128xf32, #tpu.memory_space<hbm>>, %arg6: memref<1024x16384xf32, #tpu.memory_space<hbm>>, %arg7: memref<16384xf32, #tpu.memory_space<vmem>>, %arg8: memref<2048xf32, #tpu.memory_space<vmem>>, %arg9: memref<2048xi32, #tpu.memory_space<vmem>>, %arg10: memref<32x128xf32, #tpu.memory_space<vmem>>, %arg11: memref<32x128xf32, #tpu.memory_space<vmem>>, %arg12: memref<16x128xf32, #tpu.memory_space<vmem>>, %arg13: memref<16384xf32, #tpu.memory_space<vmem>>, %arg14: memref<16384xf32, #tpu.memory_space<vmem>>, %arg15: memref<16x128xf32, #tpu.memory_space<vmem>>, %arg16: memref<16384xf32, #tpu.memory_space<vmem>>, %arg17: memref<16384xf32, #tpu.memory_space<vmem>>, %arg18: memref<!tpu.dma_semaphore, #tpu.memory_space<semaphore_mem>>, %arg19: memref<!tpu.dma_semaphore, #tpu.memory_space<semaphore_mem>>, %arg20: memref<!tpu.dma_semaphore, #tpu.memory_space<semaphore_mem>>, %arg21: memref<!tpu.dma_semaphore, #tpu.memory_space<semaphore_mem>>, %arg22: memref<!tpu.dma_semaphore, #tpu.memory_space<semaphore_mem>>) attributes {dimension_semantics = [#tpu.dimension_semantics<core_parallel>, #tpu.dimension_semantics<subcore_parallel>], iteration_bounds = array<i64: 2, 16>, scalar_prefetch = 0 : i64, scratch_operands = 16 : i64, tpu.core_type = #tpu.core_type<sc_vector_subcore>, window_params = [{transform_indices = #map}, {transform_indices = #map}, {transform_indices = #map}, {transform_indices = #map}, {transform_indices = #map}]} {
    %mul3A = arith.constant 2 : i32
    %mul3A_0 = arith.muli %arg1, %mul3A : i32
    %add3A = arith.addi %mul3A_0, %arg0 : i32
    %mul3A_1 = arith.constant 32 : i32
    %mul3A_2 = arith.muli %add3A, %mul3A_1 : i32
    %broadcast_in_dim3A = arith.constant 0.000000e+00 : f32
    %broadcast_in_dim3A_3 = vector.broadcast %broadcast_in_dim3A : f32 to vector<16xf32>
    %dma_start3A = arith.constant 0 : i32
    %dma_start3A_4 = tpu.memref_slice %arg2[%mul3A_2, %dma_start3A] : memref<1024x128xf32, #tpu.memory_space<hbm>> -> memref<32x128xf32, #tpu.memory_space<hbm>>
    %dma_start3A_5 = arith.constant 0 : i32
    %dma_start3A_6 = tpu.memref_slice %arg2[%mul3A_2, %dma_start3A_5] : memref<1024x128xf32, #tpu.memory_space<hbm>> -> memref<32x128xf32, #tpu.memory_space<hbm>>
    tpu.enqueue_dma source(%dma_start3A_6 : memref<32x128xf32, #tpu.memory_space<hbm>>) target(%arg10 : memref<32x128xf32, #tpu.memory_space<vmem>>) target_semaphore(%arg18 : memref<!tpu.dma_semaphore, #tpu.memory_space<semaphore_mem>>)
    %dma_start3A_7 = arith.constant 0 : i32
    %dma_start3A_8 = tpu.memref_slice %arg3[%mul3A_2, %dma_start3A_7] : memref<1024x128xf32, #tpu.memory_space<hbm>> -> memref<32x128xf32, #tpu.memory_space<hbm>>
    %dma_start3A_9 = arith.constant 0 : i32
    %dma_start3A_10 = tpu.memref_slice %arg3[%mul3A_2, %dma_start3A_9] : memref<1024x128xf32, #tpu.memory_space<hbm>> -> memref<32x128xf32, #tpu.memory_space<hbm>>
    tpu.enqueue_dma source(%dma_start3A_10 : memref<32x128xf32, #tpu.memory_space<hbm>>) target(%arg11 : memref<32x128xf32, #tpu.memory_space<vmem>>) target_semaphore(%arg18 : memref<!tpu.dma_semaphore, #tpu.memory_space<semaphore_mem>>)
    %parallel_loop3A = arith.constant 0 : i32
    %parallel_loop3A_11 = arith.constant 1024 : i32
    %parallel_loop3A_12 = arith.constant 1 : i32
    scf.for %parallel_loop3A_70 = %parallel_loop3A to %parallel_loop3A_11 step %parallel_loop3A_12  : i32 {
      %parallel_loop3A_71 = arith.constant 16 : i32
      %parallel_loop3A_72 = arith.muli %parallel_loop3A_70, %parallel_loop3A_71 : i32
      %parallel_loop3A_73 = arith.index_cast %parallel_loop3A_72 : i32 to index
      %parallel_loop3A_74 = tpu.vector_load %arg7[%parallel_loop3A_73] {strides = array<i32>} : memref<16384xf32, #tpu.memory_space<vmem>>, vector<16xf32>,
      tpu.vector_store %arg7[%parallel_loop3A_73], %broadcast_in_dim3A_3 {strides = array<i32>} : memref<16384xf32, #tpu.memory_space<vmem>>, vector<16xf32>,
    } {sc.loop_unroll_factor = 8 : i64, sc.parallel_access}
    %mul3A_13 = arith.constant 16 : i32
    %mul3A_14 = arith.muli %mul3A_2, %mul3A_13 : i32
    %dma_start3A_15 = arith.constant 0 : i32
    %dma_start3A_16 = tpu.memref_slice %arg5[%mul3A_14, %dma_start3A_15] : memref<16384x128xf32, #tpu.memory_space<hbm>> -> memref<16x128xf32, #tpu.memory_space<hbm>>
    %dma_start3A_17 = arith.constant 0 : i32
    %dma_start3A_18 = tpu.memref_slice %arg5[%mul3A_14, %dma_start3A_17] : memref<16384x128xf32, #tpu.memory_space<hbm>> -> memref<16x128xf32, #tpu.memory_space<hbm>>
    tpu.enqueue_dma source(%dma_start3A_18 : memref<16x128xf32, #tpu.memory_space<hbm>>) target(%arg12 : memref<16x128xf32, #tpu.memory_space<vmem>>) target_semaphore(%arg19 : memref<!tpu.dma_semaphore, #tpu.memory_space<semaphore_mem>>)
    %dma_start3A_19 = arith.constant 0 : i32
    %dma_start3A_20 = tpu.memref_slice %arg4[%mul3A_2, %dma_start3A_19] : memref<1024x16384xf32, #tpu.memory_space<hbm>> -> memref<1x16384xf32, #tpu.memory_space<hbm>>
    %dma_start3A_21 = tpu.memref_squeeze %dma_start3A_20 : memref<1x16384xf32, #tpu.memory_space<hbm>> -> memref<16384xf32, #tpu.memory_space<hbm>>
    %dma_start3A_22 = arith.constant 0 : i32
    %dma_start3A_23 = tpu.memref_slice %arg4[%mul3A_2, %dma_start3A_22] : memref<1024x16384xf32, #tpu.memory_space<hbm>> -> memref<1x16384xf32, #tpu.memory_space<hbm>>
    %dma_start3A_24 = tpu.memref_squeeze %dma_start3A_23 : memref<1x16384xf32, #tpu.memory_space<hbm>> -> memref<16384xf32, #tpu.memory_space<hbm>>
    tpu.enqueue_dma source(%dma_start3A_24 : memref<16384xf32, #tpu.memory_space<hbm>>) target(%arg13 : memref<16384xf32, #tpu.memory_space<vmem>>) target_semaphore(%arg19 : memref<!tpu.dma_semaphore, #tpu.memory_space<semaphore_mem>>)
    %add3A_25 = arith.constant 1 : i32
    %add3A_26 = arith.addi %mul3A_2, %add3A_25 : i32
    %mul3A_27 = arith.constant 16 : i32
    %mul3A_28 = arith.muli %add3A_26, %mul3A_27 : i32
    %dma_start3A_29 = arith.constant 0 : i32
    %dma_start3A_30 = tpu.memref_slice %arg5[%mul3A_28, %dma_start3A_29] : memref<16384x128xf32, #tpu.memory_space<hbm>> -> memref<16x128xf32, #tpu.memory_space<hbm>>
    %dma_start3A_31 = arith.constant 0 : i32
    %dma_start3A_32 = tpu.memref_slice %arg5[%mul3A_28, %dma_start3A_31] : memref<16384x128xf32, #tpu.memory_space<hbm>> -> memref<16x128xf32, #tpu.memory_space<hbm>>
    tpu.enqueue_dma source(%dma_start3A_32 : memref<16x128xf32, #tpu.memory_space<hbm>>) target(%arg15 : memref<16x128xf32, #tpu.memory_space<vmem>>) target_semaphore(%arg20 : memref<!tpu.dma_semaphore, #tpu.memory_space<semaphore_mem>>)
    %dma_start3A_33 = arith.constant 0 : i32
    %dma_start3A_34 = tpu.memref_slice %arg4[%add3A_26, %dma_start3A_33] : memref<1024x16384xf32, #tpu.memory_space<hbm>> -> memref<1x16384xf32, #tpu.memory_space<hbm>>
    %dma_start3A_35 = tpu.memref_squeeze %dma_start3A_34 : memref<1x16384xf32, #tpu.memory_space<hbm>> -> memref<16384xf32, #tpu.memory_space<hbm>>
    %dma_start3A_36 = arith.constant 0 : i32
    %dma_start3A_37 = tpu.memref_slice %arg4[%add3A_26, %dma_start3A_36] : memref<1024x16384xf32, #tpu.memory_space<hbm>> -> memref<1x16384xf32, #tpu.memory_space<hbm>>
    %dma_start3A_38 = tpu.memref_squeeze %dma_start3A_37 : memref<1x16384xf32, #tpu.memory_space<hbm>> -> memref<16384xf32, #tpu.memory_space<hbm>>
    tpu.enqueue_dma source(%dma_start3A_38 : memref<16384xf32, #tpu.memory_space<hbm>>) target(%arg16 : memref<16384xf32, #tpu.memory_space<vmem>>) target_semaphore(%arg20 : memref<!tpu.dma_semaphore, #tpu.memory_space<semaphore_mem>>)
    %dma_wait3A = arith.constant 0 : i32
    %dma_wait3A_39 = tpu.memref_slice %arg2[%mul3A_2, %dma_wait3A] : memref<1024x128xf32, #tpu.memory_space<hbm>> -> memref<32x128xf32, #tpu.memory_space<hbm>>
    %dma_wait3A_40 = arith.constant 0 : i32
    %dma_wait3A_41 = tpu.memref_slice %arg2[%mul3A_2, %dma_wait3A_40] : memref<1024x128xf32, #tpu.memory_space<hbm>> -> memref<32x128xf32, #tpu.memory_space<hbm>>
    tpu.wait_dma2 semaphore(%arg18 : memref<!tpu.dma_semaphore, #tpu.memory_space<semaphore_mem>>) src(%dma_wait3A_41 : memref<32x128xf32, #tpu.memory_space<hbm>>) dst(%arg10 : memref<32x128xf32, #tpu.memory_space<vmem>>)
    %dma_wait3A_42 = arith.constant 0 : i32
    %dma_wait3A_43 = tpu.memref_slice %arg3[%mul3A_2, %dma_wait3A_42] : memref<1024x128xf32, #tpu.memory_space<hbm>> -> memref<32x128xf32, #tpu.memory_space<hbm>>
    %dma_wait3A_44 = arith.constant 0 : i32
    %dma_wait3A_45 = tpu.memref_slice %arg3[%mul3A_2, %dma_wait3A_44] : memref<1024x128xf32, #tpu.memory_space<hbm>> -> memref<32x128xf32, #tpu.memory_space<hbm>>
    tpu.wait_dma2 semaphore(%arg18 : memref<!tpu.dma_semaphore, #tpu.memory_space<semaphore_mem>>) src(%dma_wait3A_45 : memref<32x128xf32, #tpu.memory_space<hbm>>) dst(%arg11 : memref<32x128xf32, #tpu.memory_space<vmem>>)
    %scan3A = arith.constant 0 : i32
    %scan3A_46 = arith.constant 0 : i32
    %scan3A_47 = arith.constant 16 : i32
    %scan3A_48 = arith.addi %scan3A_46, %scan3A_47 : i32
    %scan3A_49 = arith.constant 1 : i32
    scf.for %scan3A_70 = %scan3A_46 to %scan3A_48 step %scan3A_49  : i32 {
      %mul3A_71 = arith.constant 2 : i32
      %mul3A_72 = arith.muli %mul3A_71, %scan3A_70 : i32
      %add3A_73 = arith.constant 0 : i32
      %add3A_74 = arith.addi %mul3A_72, %add3A_73 : i32
      %add3A_75 = arith.addi %mul3A_2, %add3A_74 : i32
      %mul3A_76 = arith.constant 16 : i32
      %mul3A_77 = arith.muli %add3A_75, %mul3A_76 : i32
      %dma_wait3A_78 = arith.constant 0 : i32
      %dma_wait3A_79 = tpu.memref_slice %arg5[%mul3A_77, %dma_wait3A_78] : memref<16384x128xf32, #tpu.memory_space<hbm>> -> memref<16x128xf32, #tpu.memory_space<hbm>>
      %dma_wait3A_80 = arith.constant 0 : i32
      %dma_wait3A_81 = tpu.memref_slice %arg5[%mul3A_77, %dma_wait3A_80] : memref<16384x128xf32, #tpu.memory_space<hbm>> -> memref<16x128xf32, #tpu.memory_space<hbm>>
      tpu.wait_dma2 semaphore(%arg19 : memref<!tpu.dma_semaphore, #tpu.memory_space<semaphore_mem>>) src(%dma_wait3A_81 : memref<16x128xf32, #tpu.memory_space<hbm>>) dst(%arg12 : memref<16x128xf32, #tpu.memory_space<vmem>>)
      %get3A = arith.index_cast %add3A_74 : i32 to index
      %get3A_82 = arith.constant 0 : index
      %get3A_83 = tpu.vector_load %arg10[%get3A, %get3A_82] {strides = array<i32>} : memref<32x128xf32, #tpu.memory_space<vmem>>, vector<16xf32>,
      %get3A_84 = arith.index_cast %add3A_74 : i32 to index
      %get3A_85 = arith.constant 16 : index
      %get3A_86 = tpu.vector_load %arg10[%get3A_84, %get3A_85] {strides = array<i32>} : memref<32x128xf32, #tpu.memory_space<vmem>>, vector<16xf32>,
      %get3A_87 = arith.index_cast %add3A_74 : i32 to index
      %get3A_88 = arith.constant 32 : index
      %get3A_89 = tpu.vector_load %arg10[%get3A_87, %get3A_88] {strides = array<i32>} : memref<32x128xf32, #tpu.memory_space<vmem>>, vector<16xf32>,
      %get3A_90 = arith.index_cast %add3A_74 : i32 to index
      %get3A_91 = arith.constant 48 : index
      %get3A_92 = tpu.vector_load %arg10[%get3A_90, %get3A_91] {strides = array<i32>} : memref<32x128xf32, #tpu.memory_space<vmem>>, vector<16xf32>,
      %get3A_93 = arith.index_cast %add3A_74 : i32 to index
      %get3A_94 = arith.constant 64 : index
      %get3A_95 = tpu.vector_load %arg10[%get3A_93, %get3A_94] {strides = array<i32>} : memref<32x128xf32, #tpu.memory_space<vmem>>, vector<16xf32>,
      %get3A_96 = arith.index_cast %add3A_74 : i32 to index
      %get3A_97 = arith.constant 80 : index
      %get3A_98 = tpu.vector_load %arg10[%get3A_96, %get3A_97] {strides = array<i32>} : memref<32x128xf32, #tpu.memory_space<vmem>>, vector<16xf32>,
      %get3A_99 = arith.index_cast %add3A_74 : i32 to index
      %get3A_100 = arith.constant 96 : index
      %get3A_101 = tpu.vector_load %arg10[%get3A_99, %get3A_100] {strides = array<i32>} : memref<32x128xf32, #tpu.memory_space<vmem>>, vector<16xf32>,
      %get3A_102 = arith.index_cast %add3A_74 : i32 to index
      %get3A_103 = arith.constant 112 : index
      %get3A_104 = tpu.vector_load %arg10[%get3A_102, %get3A_103] {strides = array<i32>} : memref<32x128xf32, #tpu.memory_space<vmem>>, vector<16xf32>,
      %get3A_105 = arith.index_cast %add3A_74 : i32 to index
      %get3A_106 = arith.constant 0 : index
      %get3A_107 = tpu.vector_load %arg11[%get3A_105, %get3A_106] {strides = array<i32>} : memref<32x128xf32, #tpu.memory_space<vmem>>, vector<16xf32>,
      %mul3A_108 = arith.constant 5.000000e-01 : f32
      %mul3A_109 = vector.broadcast %mul3A_108 : f32 to vector<16xf32>
      %mul3A_110 = arith.mulf %mul3A_109, %get3A_107 : vector<16xf32>
      %exp3A = math.exp %mul3A_110 : vector<16xf32>
      %get3A_111 = arith.index_cast %add3A_74 : i32 to index
      %get3A_112 = arith.constant 16 : index
      %get3A_113 = tpu.vector_load %arg11[%get3A_111, %get3A_112] {strides = array<i32>} : memref<32x128xf32, #tpu.memory_space<vmem>>, vector<16xf32>,
      %mul3A_114 = arith.constant 5.000000e-01 : f32
      %mul3A_115 = vector.broadcast %mul3A_114 : f32 to vector<16xf32>
      %mul3A_116 = arith.mulf %mul3A_115, %get3A_113 : vector<16xf32>
      %exp3A_117 = math.exp %mul3A_116 : vector<16xf32>
      %get3A_118 = arith.index_cast %add3A_74 : i32 to index
      %get3A_119 = arith.constant 32 : index
      %get3A_120 = tpu.vector_load %arg11[%get3A_118, %get3A_119] {strides = array<i32>} : memref<32x128xf32, #tpu.memory_space<vmem>>, vector<16xf32>,
      %mul3A_121 = arith.constant 5.000000e-01 : f32
      %mul3A_122 = vector.broadcast %mul3A_121 : f32 to vector<16xf32>
      %mul3A_123 = arith.mulf %mul3A_122, %get3A_120 : vector<16xf32>
      %exp3A_124 = math.exp %mul3A_123 : vector<16xf32>
      %get3A_125 = arith.index_cast %add3A_74 : i32 to index
      %get3A_126 = arith.constant 48 : index
      %get3A_127 = tpu.vector_load %arg11[%get3A_125, %get3A_126] {strides = array<i32>} : memref<32x128xf32, #tpu.memory_space<vmem>>, vector<16xf32>,
      %mul3A_128 = arith.constant 5.000000e-01 : f32
      %mul3A_129 = vector.broadcast %mul3A_128 : f32 to vector<16xf32>
      %mul3A_130 = arith.mulf %mul3A_129, %get3A_127 : vector<16xf32>
      %exp3A_131 = math.exp %mul3A_130 : vector<16xf32>
      %get3A_132 = arith.index_cast %add3A_74 : i32 to index
      %get3A_133 = arith.constant 64 : index
      %get3A_134 = tpu.vector_load %arg11[%get3A_132, %get3A_133] {strides = array<i32>} : memref<32x128xf32, #tpu.memory_space<vmem>>, vector<16xf32>,
      %mul3A_135 = arith.constant 5.000000e-01 : f32
      %mul3A_136 = vector.broadcast %mul3A_135 : f32 to vector<16xf32>
      %mul3A_137 = arith.mulf %mul3A_136, %get3A_134 : vector<16xf32>
      %exp3A_138 = math.exp %mul3A_137 : vector<16xf32>
      %get3A_139 = arith.index_cast %add3A_74 : i32 to index
      %get3A_140 = arith.constant 80 : index
      %get3A_141 = tpu.vector_load %arg11[%get3A_139, %get3A_140] {strides = array<i32>} : memref<32x128xf32, #tpu.memory_space<vmem>>, vector<16xf32>,
      %mul3A_142 = arith.constant 5.000000e-01 : f32
      %mul3A_143 = vector.broadcast %mul3A_142 : f32 to vector<16xf32>
      %mul3A_144 = arith.mulf %mul3A_143, %get3A_141 : vector<16xf32>
      %exp3A_145 = math.exp %mul3A_144 : vector<16xf32>
      %get3A_146 = arith.index_cast %add3A_74 : i32 to index
      %get3A_147 = arith.constant 96 : index
      %get3A_148 = tpu.vector_load %arg11[%get3A_146, %get3A_147] {strides = array<i32>} : memref<32x128xf32, #tpu.memory_space<vmem>>, vector<16xf32>,
      %mul3A_149 = arith.constant 5.000000e-01 : f32
      %mul3A_150 = vector.broadcast %mul3A_149 : f32 to vector<16xf32>
      %mul3A_151 = arith.mulf %mul3A_150, %get3A_148 : vector<16xf32>
      %exp3A_152 = math.exp %mul3A_151 : vector<16xf32>
      %get3A_153 = arith.index_cast %add3A_74 : i32 to index
      %get3A_154 = arith.constant 112 : index
      %get3A_155 = tpu.vector_load %arg11[%get3A_153, %get3A_154] {strides = array<i32>} : memref<32x128xf32, #tpu.memory_space<vmem>>, vector<16xf32>,
      %mul3A_156 = arith.constant 5.000000e-01 : f32
      %mul3A_157 = vector.broadcast %mul3A_156 : f32 to vector<16xf32>
      %mul3A_158 = arith.mulf %mul3A_157, %get3A_155 : vector<16xf32>
      %exp3A_159 = math.exp %mul3A_158 : vector<16xf32>
      %broadcast_in_dim3A_160 = arith.constant 0x7F800000 : f32
      %broadcast_in_dim3A_161 = vector.broadcast %broadcast_in_dim3A_160 : f32 to vector<16xf32>
      %neg3A = arith.constant 0.000000e+00 : f32
      %neg3A_162 = vector.broadcast %neg3A : f32 to vector<16xf32>
      %neg3A_163 = arith.subf %neg3A_162, %broadcast_in_dim3A_161 : vector<16xf32>
      %neg3A_164 = arith.constant 0.000000e+00 : f32
      %neg3A_165 = vector.broadcast %neg3A_164 : f32 to vector<16xf32>
      %neg3A_166 = arith.subf %neg3A_165, %broadcast_in_dim3A_161 : vector<16xf32>
      %parallel_loop3A_167 = arith.constant 0 : i32
      %parallel_loop3A_168 = arith.constant 16 : i32
      %parallel_loop3A_169 = arith.constant 1 : i32
      %parallel_loop3A_170:4 = scf.for %parallel_loop3A_465 = %parallel_loop3A_167 to %parallel_loop3A_168 step %parallel_loop3A_169 iter_args(%parallel_loop3A_466 = %broadcast_in_dim3A_161, %parallel_loop3A_467 = %broadcast_in_dim3A_161, %parallel_loop3A_468 = %neg3A_163, %parallel_loop3A_469 = %neg3A_166) -> (vector<16xf32>, vector<16xf32>, vector<16xf32>, vector<16xf32>)  : i32 {
        %parallel_loop3A_470 = arith.index_cast %parallel_loop3A_465 : i32 to index
        %parallel_loop3A_471 = arith.constant 0 : index
        %parallel_loop3A_472 = tpu.vector_load %arg12[%parallel_loop3A_470, %parallel_loop3A_471] {strides = array<i32>} : memref<16x128xf32, #tpu.memory_space<vmem>>, vector<16xf32>,
        %parallel_loop3A_473 = arith.mulf %exp3A, %parallel_loop3A_472 : vector<16xf32>
        %parallel_loop3A_474 = arith.addf %get3A_83, %parallel_loop3A_473 : vector<16xf32>
        %parallel_loop3A_475 = arith.constant 128 : i32
        %parallel_loop3A_476 = arith.muli %parallel_loop3A_465, %parallel_loop3A_475 : i32
        %parallel_loop3A_477 = arith.constant 0 : i32
        %parallel_loop3A_478 = arith.addi %parallel_loop3A_476, %parallel_loop3A_477 : i32
        %parallel_loop3A_479 = arith.index_cast %parallel_loop3A_478 : i32 to index
        %parallel_loop3A_480 = tpu.vector_load %arg8[%parallel_loop3A_479] {strides = array<i32>} : memref<2048xf32, #tpu.memory_space<vmem>>, vector<16xf32>,
        tpu.vector_store %arg8[%parallel_loop3A_479], %parallel_loop3A_474 {strides = array<i32>} : memref<2048xf32, #tpu.memory_space<vmem>>, vector<16xf32>,
        %parallel_loop3A_481 = arith.minimumf %parallel_loop3A_466, %parallel_loop3A_474 : vector<16xf32>
        %parallel_loop3A_482 = arith.maximumf %parallel_loop3A_468, %parallel_loop3A_474 : vector<16xf32>
        %parallel_loop3A_483 = arith.index_cast %parallel_loop3A_465 : i32 to index
        %parallel_loop3A_484 = arith.constant 16 : index
        %parallel_loop3A_485 = tpu.vector_load %arg12[%parallel_loop3A_483, %parallel_loop3A_484] {strides = array<i32>} : memref<16x128xf32, #tpu.memory_space<vmem>>, vector<16xf32>,
        %parallel_loop3A_486 = arith.mulf %exp3A_117, %parallel_loop3A_485 : vector<16xf32>
        %parallel_loop3A_487 = arith.addf %get3A_86, %parallel_loop3A_486 : vector<16xf32>
        %parallel_loop3A_488 = arith.constant 128 : i32
        %parallel_loop3A_489 = arith.muli %parallel_loop3A_465, %parallel_loop3A_488 : i32
        %parallel_loop3A_490 = arith.constant 16 : i32
        %parallel_loop3A_491 = arith.addi %parallel_loop3A_489, %parallel_loop3A_490 : i32
        %parallel_loop3A_492 = arith.index_cast %parallel_loop3A_491 : i32 to index
        %parallel_loop3A_493 = tpu.vector_load %arg8[%parallel_loop3A_492] {strides = array<i32>} : memref<2048xf32, #tpu.memory_space<vmem>>, vector<16xf32>,
        tpu.vector_store %arg8[%parallel_loop3A_492], %parallel_loop3A_487 {strides = array<i32>} : memref<2048xf32, #tpu.memory_space<vmem>>, vector<16xf32>,
        %parallel_loop3A_494 = arith.minimumf %parallel_loop3A_467, %parallel_loop3A_487 : vector<16xf32>
        %parallel_loop3A_495 = arith.maximumf %parallel_loop3A_469, %parallel_loop3A_487 : vector<16xf32>
        %parallel_loop3A_496 = arith.index_cast %parallel_loop3A_465 : i32 to index
        %parallel_loop3A_497 = arith.constant 32 : index
        %parallel_loop3A_498 = tpu.vector_load %arg12[%parallel_loop3A_496, %parallel_loop3A_497] {strides = array<i32>} : memref<16x128xf32, #tpu.memory_space<vmem>>, vector<16xf32>,
        %parallel_loop3A_499 = arith.mulf %exp3A_124, %parallel_loop3A_498 : vector<16xf32>
        %parallel_loop3A_500 = arith.addf %get3A_89, %parallel_loop3A_499 : vector<16xf32>
        %parallel_loop3A_501 = arith.constant 128 : i32
        %parallel_loop3A_502 = arith.muli %parallel_loop3A_465, %parallel_loop3A_501 : i32
        %parallel_loop3A_503 = arith.constant 32 : i32
        %parallel_loop3A_504 = arith.addi %parallel_loop3A_502, %parallel_loop3A_503 : i32
        %parallel_loop3A_505 = arith.index_cast %parallel_loop3A_504 : i32 to index
        %parallel_loop3A_506 = tpu.vector_load %arg8[%parallel_loop3A_505] {strides = array<i32>} : memref<2048xf32, #tpu.memory_space<vmem>>, vector<16xf32>,
        tpu.vector_store %arg8[%parallel_loop3A_505], %parallel_loop3A_500 {strides = array<i32>} : memref<2048xf32, #tpu.memory_space<vmem>>, vector<16xf32>,
        %parallel_loop3A_507 = arith.minimumf %parallel_loop3A_481, %parallel_loop3A_500 : vector<16xf32>
        %parallel_loop3A_508 = arith.maximumf %parallel_loop3A_482, %parallel_loop3A_500 : vector<16xf32>
        %parallel_loop3A_509 = arith.index_cast %parallel_loop3A_465 : i32 to index
        %parallel_loop3A_510 = arith.constant 48 : index
        %parallel_loop3A_511 = tpu.vector_load %arg12[%parallel_loop3A_509, %parallel_loop3A_510] {strides = array<i32>} : memref<16x128xf32, #tpu.memory_space<vmem>>, vector<16xf32>,
        %parallel_loop3A_512 = arith.mulf %exp3A_131, %parallel_loop3A_511 : vector<16xf32>
        %parallel_loop3A_513 = arith.addf %get3A_92, %parallel_loop3A_512 : vector<16xf32>
        %parallel_loop3A_514 = arith.constant 128 : i32
        %parallel_loop3A_515 = arith.muli %parallel_loop3A_465, %parallel_loop3A_514 : i32
        %parallel_loop3A_516 = arith.constant 48 : i32
        %parallel_loop3A_517 = arith.addi %parallel_loop3A_515, %parallel_loop3A_516 : i32
        %parallel_loop3A_518 = arith.index_cast %parallel_loop3A_517 : i32 to index
        %parallel_loop3A_519 = tpu.vector_load %arg8[%parallel_loop3A_518] {strides = array<i32>} : memref<2048xf32, #tpu.memory_space<vmem>>, vector<16xf32>,
        tpu.vector_store %arg8[%parallel_loop3A_518], %parallel_loop3A_513 {strides = array<i32>} : memref<2048xf32, #tpu.memory_space<vmem>>, vector<16xf32>,
        %parallel_loop3A_520 = arith.minimumf %parallel_loop3A_494, %parallel_loop3A_513 : vector<16xf32>
        %parallel_loop3A_521 = arith.maximumf %parallel_loop3A_495, %parallel_loop3A_513 : vector<16xf32>
        %parallel_loop3A_522 = arith.index_cast %parallel_loop3A_465 : i32 to index
        %parallel_loop3A_523 = arith.constant 64 : index
        %parallel_loop3A_524 = tpu.vector_load %arg12[%parallel_loop3A_522, %parallel_loop3A_523] {strides = array<i32>} : memref<16x128xf32, #tpu.memory_space<vmem>>, vector<16xf32>,
        %parallel_loop3A_525 = arith.mulf %exp3A_138, %parallel_loop3A_524 : vector<16xf32>
        %parallel_loop3A_526 = arith.addf %get3A_95, %parallel_loop3A_525 : vector<16xf32>
        %parallel_loop3A_527 = arith.constant 128 : i32
        %parallel_loop3A_528 = arith.muli %parallel_loop3A_465, %parallel_loop3A_527 : i32
        %parallel_loop3A_529 = arith.constant 64 : i32
        %parallel_loop3A_530 = arith.addi %parallel_loop3A_528, %parallel_loop3A_529 : i32
        %parallel_loop3A_531 = arith.index_cast %parallel_loop3A_530 : i32 to index
        %parallel_loop3A_532 = tpu.vector_load %arg8[%parallel_loop3A_531] {strides = array<i32>} : memref<2048xf32, #tpu.memory_space<vmem>>, vector<16xf32>,
        tpu.vector_store %arg8[%parallel_loop3A_531], %parallel_loop3A_526 {strides = array<i32>} : memref<2048xf32, #tpu.memory_space<vmem>>, vector<16xf32>,
        %parallel_loop3A_533 = arith.minimumf %parallel_loop3A_507, %parallel_loop3A_526 : vector<16xf32>
        %parallel_loop3A_534 = arith.maximumf %parallel_loop3A_508, %parallel_loop3A_526 : vector<16xf32>
        %parallel_loop3A_535 = arith.index_cast %parallel_loop3A_465 : i32 to index
        %parallel_loop3A_536 = arith.constant 80 : index
        %parallel_loop3A_537 = tpu.vector_load %arg12[%parallel_loop3A_535, %parallel_loop3A_536] {strides = array<i32>} : memref<16x128xf32, #tpu.memory_space<vmem>>, vector<16xf32>,
        %parallel_loop3A_538 = arith.mulf %exp3A_145, %parallel_loop3A_537 : vector<16xf32>
        %parallel_loop3A_539 = arith.addf %get3A_98, %parallel_loop3A_538 : vector<16xf32>
        %parallel_loop3A_540 = arith.constant 128 : i32
        %parallel_loop3A_541 = arith.muli %parallel_loop3A_465, %parallel_loop3A_540 : i32
        %parallel_loop3A_542 = arith.constant 80 : i32
        %parallel_loop3A_543 = arith.addi %parallel_loop3A_541, %parallel_loop3A_542 : i32
        %parallel_loop3A_544 = arith.index_cast %parallel_loop3A_543 : i32 to index
        %parallel_loop3A_545 = tpu.vector_load %arg8[%parallel_loop3A_544] {strides = array<i32>} : memref<2048xf32, #tpu.memory_space<vmem>>, vector<16xf32>,
        tpu.vector_store %arg8[%parallel_loop3A_544], %parallel_loop3A_539 {strides = array<i32>} : memref<2048xf32, #tpu.memory_space<vmem>>, vector<16xf32>,
        %parallel_loop3A_546 = arith.minimumf %parallel_loop3A_520, %parallel_loop3A_539 : vector<16xf32>
        %parallel_loop3A_547 = arith.maximumf %parallel_loop3A_521, %parallel_loop3A_539 : vector<16xf32>
        %parallel_loop3A_548 = arith.index_cast %parallel_loop3A_465 : i32 to index
        %parallel_loop3A_549 = arith.constant 96 : index
        %parallel_loop3A_550 = tpu.vector_load %arg12[%parallel_loop3A_548, %parallel_loop3A_549] {strides = array<i32>} : memref<16x128xf32, #tpu.memory_space<vmem>>, vector<16xf32>,
        %parallel_loop3A_551 = arith.mulf %exp3A_152, %parallel_loop3A_550 : vector<16xf32>
        %parallel_loop3A_552 = arith.addf %get3A_101, %parallel_loop3A_551 : vector<16xf32>
        %parallel_loop3A_553 = arith.constant 128 : i32
        %parallel_loop3A_554 = arith.muli %parallel_loop3A_465, %parallel_loop3A_553 : i32
        %parallel_loop3A_555 = arith.constant 96 : i32
        %parallel_loop3A_556 = arith.addi %parallel_loop3A_554, %parallel_loop3A_555 : i32
        %parallel_loop3A_557 = arith.index_cast %parallel_loop3A_556 : i32 to index
        %parallel_loop3A_558 = tpu.vector_load %arg8[%parallel_loop3A_557] {strides = array<i32>} : memref<2048xf32, #tpu.memory_space<vmem>>, vector<16xf32>,
        tpu.vector_store %arg8[%parallel_loop3A_557], %parallel_loop3A_552 {strides = array<i32>} : memref<2048xf32, #tpu.memory_space<vmem>>, vector<16xf32>,
        %parallel_loop3A_559 = arith.minimumf %parallel_loop3A_533, %parallel_loop3A_552 : vector<16xf32>
        %parallel_loop3A_560 = arith.maximumf %parallel_loop3A_534, %parallel_loop3A_552 : vector<16xf32>
        %parallel_loop3A_561 = arith.index_cast %parallel_loop3A_465 : i32 to index
        %parallel_loop3A_562 = arith.constant 112 : index
        %parallel_loop3A_563 = tpu.vector_load %arg12[%parallel_loop3A_561, %parallel_loop3A_562] {strides = array<i32>} : memref<16x128xf32, #tpu.memory_space<vmem>>, vector<16xf32>,
        %parallel_loop3A_564 = arith.mulf %exp3A_159, %parallel_loop3A_563 : vector<16xf32>
        %parallel_loop3A_565 = arith.addf %get3A_104, %parallel_loop3A_564 : vector<16xf32>
        %parallel_loop3A_566 = arith.constant 128 : i32
        %parallel_loop3A_567 = arith.muli %parallel_loop3A_465, %parallel_loop3A_566 : i32
        %parallel_loop3A_568 = arith.constant 112 : i32
        %parallel_loop3A_569 = arith.addi %parallel_loop3A_567, %parallel_loop3A_568 : i32
        %parallel_loop3A_570 = arith.index_cast %parallel_loop3A_569 : i32 to index
        %parallel_loop3A_571 = tpu.vector_load %arg8[%parallel_loop3A_570] {strides = array<i32>} : memref<2048xf32, #tpu.memory_space<vmem>>, vector<16xf32>,
        tpu.vector_store %arg8[%parallel_loop3A_570], %parallel_loop3A_565 {strides = array<i32>} : memref<2048xf32, #tpu.memory_space<vmem>>, vector<16xf32>,
        %parallel_loop3A_572 = arith.minimumf %parallel_loop3A_546, %parallel_loop3A_565 : vector<16xf32>
        %parallel_loop3A_573 = arith.maximumf %parallel_loop3A_547, %parallel_loop3A_565 : vector<16xf32>
        scf.yield %parallel_loop3A_559, %parallel_loop3A_572, %parallel_loop3A_560, %parallel_loop3A_573 : vector<16xf32>, vector<16xf32>, vector<16xf32>, vector<16xf32>
      } {sc.loop_unroll_factor = 4 : i64, sc.parallel_access}
      %min3A = arith.minimumf %parallel_loop3A_170#0, %parallel_loop3A_170#1 : vector<16xf32>
      %neg3A_171 = arith.constant 0.000000e+00 : f32
      %neg3A_172 = vector.broadcast %neg3A_171 : f32 to vector<16xf32>
      %neg3A_173 = arith.subf %neg3A_172, %min3A : vector<16xf32>
      %reduce_max3A = arith.constant true
      %reduce_max3A_174 = vector.broadcast %reduce_max3A : i1 to vector<16xi1>
      %reduce_max3A_175 = tpu.scan <max>, %neg3A_173 masked %reduce_max3A_174 : vector<16xf32>, vector<16xi1> -> vector<16xf32>
      %reduce_max3A_176 = vector.extract %reduce_max3A_175[15] : f32 from vector<16xf32>
      %neg3A_177 = arith.constant 0.000000e+00 : f32
      %neg3A_178 = arith.subf %neg3A_177, %reduce_max3A_176 : f32
      %max3A = arith.maximumf %parallel_loop3A_170#2, %parallel_loop3A_170#3 : vector<16xf32>
      %reduce_max3A_179 = arith.constant true
      %reduce_max3A_180 = vector.broadcast %reduce_max3A_179 : i1 to vector<16xi1>
      %reduce_max3A_181 = tpu.scan <max>, %max3A masked %reduce_max3A_180 : vector<16xf32>, vector<16xi1> -> vector<16xf32>
      %reduce_max3A_182 = vector.extract %reduce_max3A_181[15] : f32 from vector<16xf32>
      %broadcast_in_dim3A_183 = vector.broadcast %neg3A_178 : f32 to vector<16xf32>
      %broadcast_in_dim3A_184 = vector.broadcast %reduce_max3A_182 : f32 to vector<16xf32>
      %sub3A_185 = arith.subf %broadcast_in_dim3A_184, %broadcast_in_dim3A_183 : vector<16xf32>
      %div3A = arith.constant 1.638400e+04 : f32
      %div3A_186 = vector.broadcast %div3A : f32 to vector<16xf32>
      %div3A_187 = arith.divf %sub3A_185, %div3A_186 : vector<16xf32>
      %add3A_188 = arith.constant 1.000000e+00 : f32
      %add3A_189 = vector.broadcast %add3A_188 : f32 to vector<16xf32>
      %add3A_190 = arith.addf %broadcast_in_dim3A_3, %add3A_189 : vector<16xf32>
      %parallel_loop3A_191 = arith.constant 0 : i32
      %parallel_loop3A_192 = arith.constant 128 : i32
      %parallel_loop3A_193 = arith.constant 1 : i32
      scf.for %parallel_loop3A_465 = %parallel_loop3A_191 to %parallel_loop3A_192 step %parallel_loop3A_193  : i32 {
        %parallel_loop3A_466 = arith.constant 16 : i32
        %parallel_loop3A_467 = arith.muli %parallel_loop3A_465, %parallel_loop3A_466 : i32
        %parallel_loop3A_468 = arith.index_cast %parallel_loop3A_467 : i32 to index
        %parallel_loop3A_469 = tpu.vector_load %arg8[%parallel_loop3A_468] {strides = array<i32>} : memref<2048xf32, #tpu.memory_space<vmem>>, vector<16xf32>,
        %parallel_loop3A_470 = arith.subf %parallel_loop3A_469, %broadcast_in_dim3A_183 : vector<16xf32>
        %parallel_loop3A_471 = arith.divf %parallel_loop3A_470, %div3A_187 : vector<16xf32>
        %parallel_loop3A_472 = arith.fptosi %parallel_loop3A_471 : vector<16xf32> to vector<16xi32>
        %parallel_loop3A_473 = arith.constant 0 : i32
        %parallel_loop3A_474 = arith.constant 16383 : i32
        %parallel_loop3A_475 = vector.broadcast %parallel_loop3A_473 : i32 to vector<16xi32>
        %parallel_loop3A_476 = arith.maxsi %parallel_loop3A_475, %parallel_loop3A_472 : vector<16xi32>
        %parallel_loop3A_477 = vector.broadcast %parallel_loop3A_474 : i32 to vector<16xi32>
        %parallel_loop3A_478 = arith.minsi %parallel_loop3A_477, %parallel_loop3A_476 : vector<16xi32>
        %parallel_loop3A_479 = arith.index_cast %parallel_loop3A_467 : i32 to index
        %parallel_loop3A_480 = tpu.vector_load %arg9[%parallel_loop3A_479] {strides = array<i32>} : memref<2048xi32, #tpu.memory_space<vmem>>, vector<16xi32>,
        tpu.vector_store %arg9[%parallel_loop3A_479], %parallel_loop3A_478 {strides = array<i32>} : memref<2048xi32, #tpu.memory_space<vmem>>, vector<16xi32>,
        tpu.vector_store_idx %arg7[%parallel_loop3A_478], %add3A_190 {add = true} : memref<16384xf32, #tpu.memory_space<vmem>>[vector<16xi32>], vector<16xf32>,
      } {sc.loop_unroll_factor = 8 : i64, sc.parallel_access}
      %parallel_loop3A_194 = arith.constant 0 : i32
      %parallel_loop3A_195 = arith.constant 64 : i32
      %parallel_loop3A_196 = arith.constant 1 : i32
      %parallel_loop3A_197:2 = scf.for %parallel_loop3A_465 = %parallel_loop3A_194 to %parallel_loop3A_195 step %parallel_loop3A_196 iter_args(%parallel_loop3A_466 = %broadcast_in_dim3A_3, %parallel_loop3A_467 = %broadcast_in_dim3A_3) -> (vector<16xf32>, vector<16xf32>)  : i32 {
        %parallel_loop3A_468 = arith.constant 32 : i32
        %parallel_loop3A_469 = arith.muli %parallel_loop3A_465, %parallel_loop3A_468 : i32
        %parallel_loop3A_470 = arith.index_cast %parallel_loop3A_469 : i32 to index
        %parallel_loop3A_471 = tpu.vector_load %arg9[%parallel_loop3A_470] {strides = array<i32>} : memref<2048xi32, #tpu.memory_space<vmem>>, vector<16xi32>,
        %parallel_loop3A_472 = tpu.vector_load_idx %arg7[%parallel_loop3A_471] : memref<16384xf32, #tpu.memory_space<vmem>>[vector<16xi32>], vector<16xf32>,
        %parallel_loop3A_473 = arith.constant 16 : i32
        %parallel_loop3A_474 = arith.addi %parallel_loop3A_469, %parallel_loop3A_473 : i32
        %parallel_loop3A_475 = arith.index_cast %parallel_loop3A_474 : i32 to index
        %parallel_loop3A_476 = tpu.vector_load %arg9[%parallel_loop3A_475] {strides = array<i32>} : memref<2048xi32, #tpu.memory_space<vmem>>, vector<16xi32>,
        %parallel_loop3A_477 = tpu.vector_load_idx %arg7[%parallel_loop3A_476] : memref<16384xf32, #tpu.memory_space<vmem>>[vector<16xi32>], vector<16xf32>,
        %parallel_loop3A_478 = arith.index_cast %parallel_loop3A_469 : i32 to index
        %parallel_loop3A_479 = tpu.vector_load %arg8[%parallel_loop3A_478] {strides = array<i32>} : memref<2048xf32, #tpu.memory_space<vmem>>, vector<16xf32>,
        tpu.vector_store %arg8[%parallel_loop3A_478], %parallel_loop3A_472 {strides = array<i32>} : memref<2048xf32, #tpu.memory_space<vmem>>, vector<16xf32>,
        %parallel_loop3A_480 = arith.constant 16 : i32
        %parallel_loop3A_481 = arith.addi %parallel_loop3A_469, %parallel_loop3A_480 : i32
        %parallel_loop3A_482 = arith.index_cast %parallel_loop3A_481 : i32 to index
        %parallel_loop3A_483 = tpu.vector_load %arg8[%parallel_loop3A_482] {strides = array<i32>} : memref<2048xf32, #tpu.memory_space<vmem>>, vector<16xf32>,
        tpu.vector_store %arg8[%parallel_loop3A_482], %parallel_loop3A_477 {strides = array<i32>} : memref<2048xf32, #tpu.memory_space<vmem>>, vector<16xf32>,
        %parallel_loop3A_484 = arith.maximumf %parallel_loop3A_466, %parallel_loop3A_472 : vector<16xf32>
        %parallel_loop3A_485 = arith.maximumf %parallel_loop3A_467, %parallel_loop3A_477 : vector<16xf32>
        scf.yield %parallel_loop3A_484, %parallel_loop3A_485 : vector<16xf32>, vector<16xf32>
      } {sc.loop_unroll_factor = 4 : i64, sc.parallel_access}
      %max3A_198 = arith.maximumf %parallel_loop3A_197#0, %parallel_loop3A_197#1 : vector<16xf32>
      %reduce_max3A_199 = arith.constant true
      %reduce_max3A_200 = vector.broadcast %reduce_max3A_199 : i1 to vector<16xi1>
      %reduce_max3A_201 = tpu.scan <max>, %max3A_198 masked %reduce_max3A_200 : vector<16xf32>, vector<16xi1> -> vector<16xf32>
      %reduce_max3A_202 = vector.extract %reduce_max3A_201[15] : f32 from vector<16xf32>
      %broadcast_in_dim3A_203 = vector.broadcast %reduce_max3A_202 : f32 to vector<16xf32>
      %parallel_loop3A_204 = arith.constant 0 : i32
      %parallel_loop3A_205 = arith.constant 64 : i32
      %parallel_loop3A_206 = arith.constant 1 : i32
      %parallel_loop3A_207:4 = scf.for %parallel_loop3A_465 = %parallel_loop3A_204 to %parallel_loop3A_205 step %parallel_loop3A_206 iter_args(%parallel_loop3A_466 = %broadcast_in_dim3A_3, %parallel_loop3A_467 = %broadcast_in_dim3A_3, %parallel_loop3A_468 = %broadcast_in_dim3A_3, %parallel_loop3A_469 = %broadcast_in_dim3A_3) -> (vector<16xf32>, vector<16xf32>, vector<16xf32>, vector<16xf32>)  : i32 {
        %parallel_loop3A_470 = arith.constant 32 : i32
        %parallel_loop3A_471 = arith.muli %parallel_loop3A_465, %parallel_loop3A_470 : i32
        %parallel_loop3A_472 = arith.index_cast %parallel_loop3A_471 : i32 to index
        %parallel_loop3A_473 = tpu.vector_load %arg8[%parallel_loop3A_472] {strides = array<i32>} : memref<2048xf32, #tpu.memory_space<vmem>>, vector<16xf32>,
        %parallel_loop3A_474 = arith.constant 16 : i32
        %parallel_loop3A_475 = arith.addi %parallel_loop3A_471, %parallel_loop3A_474 : i32
        %parallel_loop3A_476 = arith.index_cast %parallel_loop3A_475 : i32 to index
        %parallel_loop3A_477 = tpu.vector_load %arg8[%parallel_loop3A_476] {strides = array<i32>} : memref<2048xf32, #tpu.memory_space<vmem>>, vector<16xf32>,
        %parallel_loop3A_478 = arith.subf %parallel_loop3A_473, %broadcast_in_dim3A_203 : vector<16xf32>
        %parallel_loop3A_479 = math.exp %parallel_loop3A_478 : vector<16xf32>
        %parallel_loop3A_480 = arith.subf %parallel_loop3A_477, %broadcast_in_dim3A_203 : vector<16xf32>
        %parallel_loop3A_481 = math.exp %parallel_loop3A_480 : vector<16xf32>
        %parallel_loop3A_482 = arith.index_cast %parallel_loop3A_471 : i32 to index
        %parallel_loop3A_483 = tpu.vector_load %arg8[%parallel_loop3A_482] {strides = array<i32>} : memref<2048xf32, #tpu.memory_space<vmem>>, vector<16xf32>,
        tpu.vector_store %arg8[%parallel_loop3A_482], %parallel_loop3A_479 {strides = array<i32>} : memref<2048xf32, #tpu.memory_space<vmem>>, vector<16xf32>,
        %parallel_loop3A_484 = arith.constant 16 : i32
        %parallel_loop3A_485 = arith.addi %parallel_loop3A_471, %parallel_loop3A_484 : i32
        %parallel_loop3A_486 = arith.index_cast %parallel_loop3A_485 : i32 to index
        %parallel_loop3A_487 = tpu.vector_load %arg8[%parallel_loop3A_486] {strides = array<i32>} : memref<2048xf32, #tpu.memory_space<vmem>>, vector<16xf32>,
        tpu.vector_store %arg8[%parallel_loop3A_486], %parallel_loop3A_481 {strides = array<i32>} : memref<2048xf32, #tpu.memory_space<vmem>>, vector<16xf32>,
        %parallel_loop3A_488 = arith.constant 1.000000e+00 : f32
        %parallel_loop3A_489 = vector.broadcast %parallel_loop3A_488 : f32 to vector<16xf32>
        %parallel_loop3A_490 = arith.divf %parallel_loop3A_489, %parallel_loop3A_473 : vector<16xf32>
        %parallel_loop3A_491 = arith.constant 1.000000e+00 : f32
        %parallel_loop3A_492 = vector.broadcast %parallel_loop3A_491 : f32 to vector<16xf32>
        %parallel_loop3A_493 = arith.divf %parallel_loop3A_492, %parallel_loop3A_477 : vector<16xf32>
        %parallel_loop3A_494 = arith.mulf %parallel_loop3A_479, %parallel_loop3A_490 : vector<16xf32>
        %parallel_loop3A_495 = arith.addf %parallel_loop3A_466, %parallel_loop3A_494 : vector<16xf32>
        %parallel_loop3A_496 = arith.mulf %parallel_loop3A_481, %parallel_loop3A_493 : vector<16xf32>
        %parallel_loop3A_497 = arith.addf %parallel_loop3A_467, %parallel_loop3A_496 : vector<16xf32>
        %parallel_loop3A_498 = arith.addf %parallel_loop3A_468, %parallel_loop3A_490 : vector<16xf32>
        %parallel_loop3A_499 = arith.addf %parallel_loop3A_469, %parallel_loop3A_493 : vector<16xf32>
        scf.yield %parallel_loop3A_495, %parallel_loop3A_497, %parallel_loop3A_498, %parallel_loop3A_499 : vector<16xf32>, vector<16xf32>, vector<16xf32>, vector<16xf32>
      } {sc.loop_unroll_factor = 4 : i64, sc.parallel_access}
      %sub3A_208 = arith.subf %broadcast_in_dim3A_3, %broadcast_in_dim3A_203 : vector<16xf32>
      %exp3A_209 = math.exp %sub3A_208 : vector<16xf32>
      %add3A_210 = arith.addf %parallel_loop3A_207#0, %parallel_loop3A_207#1 : vector<16xf32>
      %reduce_sum3A = arith.constant true
      %reduce_sum3A_211 = vector.broadcast %reduce_sum3A : i1 to vector<16xi1>
      %reduce_sum3A_212 = tpu.scan <sum>, %add3A_210 masked %reduce_sum3A_211 : vector<16xf32>, vector<16xi1> -> vector<16xf32>
      %reduce_sum3A_213 = vector.extract %reduce_sum3A_212[15] : f32 from vector<16xf32>
      %broadcast_in_dim3A_214 = vector.broadcast %reduce_sum3A_213 : f32 to vector<16xf32>
      %add3A_215 = arith.addf %parallel_loop3A_207#2, %parallel_loop3A_207#3 : vector<16xf32>
      %reduce_sum3A_216 = arith.constant true
      %reduce_sum3A_217 = vector.broadcast %reduce_sum3A_216 : i1 to vector<16xi1>
      %reduce_sum3A_218 = tpu.scan <sum>, %add3A_215 masked %reduce_sum3A_217 : vector<16xf32>, vector<16xi1> -> vector<16xf32>
      %reduce_sum3A_219 = vector.extract %reduce_sum3A_218[15] : f32 from vector<16xf32>
      %broadcast_in_dim3A_220 = vector.broadcast %reduce_sum3A_219 : f32 to vector<16xf32>
      %sub3A_221 = arith.constant 1.638400e+04 : f32
      %sub3A_222 = vector.broadcast %sub3A_221 : f32 to vector<16xf32>
      %sub3A_223 = arith.subf %sub3A_222, %broadcast_in_dim3A_220 : vector<16xf32>
      %mul3A_224 = arith.mulf %sub3A_223, %exp3A_209 : vector<16xf32>
      %add3A_225 = arith.addf %broadcast_in_dim3A_214, %mul3A_224 : vector<16xf32>
      %div3A_226 = arith.constant 1.000000e+00 : f32
      %div3A_227 = vector.broadcast %div3A_226 : f32 to vector<16xf32>
      %div3A_228 = arith.divf %div3A_227, %add3A_225 : vector<16xf32>
      %mul3A_229 = arith.mulf %exp3A_209, %div3A_228 : vector<16xf32>
      %lt3A = arith.constant 1.000000e-10 : f32
      %lt3A_230 = vector.broadcast %lt3A : f32 to vector<16xf32>
      %lt3A_231 = arith.cmpf olt, %mul3A_229, %lt3A_230 : vector<16xf32>
      %mul3A_232 = arith.constant 1.600000e+01 : f32
      %mul3A_233 = vector.broadcast %mul3A_232 : f32 to vector<16xf32>
      %mul3A_234 = arith.mulf %mul3A_233, %mul3A_229 : vector<16xf32>
      %jit3A = arith.constant 0.000000e+00 : f32
      %broadcast_in_dim3A_235 = vector.broadcast %jit3A : f32 to vector<16xf32>
      %select_n3A = arith.select %lt3A_231, %broadcast_in_dim3A_235, %mul3A_234 : vector<16xi1>, vector<16xf32>
      %dma_wait3A_236 = arith.constant 0 : i32
      %dma_wait3A_237 = tpu.memref_slice %arg4[%add3A_75, %dma_wait3A_236] : memref<1024x16384xf32, #tpu.memory_space<hbm>> -> memref<1x16384xf32, #tpu.memory_space<hbm>>
      %dma_wait3A_238 = tpu.memref_squeeze %dma_wait3A_237 : memref<1x16384xf32, #tpu.memory_space<hbm>> -> memref<16384xf32, #tpu.memory_space<hbm>>
      %dma_wait3A_239 = arith.constant 0 : i32
      %dma_wait3A_240 = tpu.memref_slice %arg4[%add3A_75, %dma_wait3A_239] : memref<1024x16384xf32, #tpu.memory_space<hbm>> -> memref<1x16384xf32, #tpu.memory_space<hbm>>
      %dma_wait3A_241 = tpu.memref_squeeze %dma_wait3A_240 : memref<1x16384xf32, #tpu.memory_space<hbm>> -> memref<16384xf32, #tpu.memory_space<hbm>>
      tpu.wait_dma2 semaphore(%arg19 : memref<!tpu.dma_semaphore, #tpu.memory_space<semaphore_mem>>) src(%dma_wait3A_241 : memref<16384xf32, #tpu.memory_space<hbm>>) dst(%arg13 : memref<16384xf32, #tpu.memory_space<vmem>>)
      %gt3A = arith.constant 0 : i32
      %gt3A_242 = arith.cmpi sgt, %scan3A_70, %gt3A : i32
      %convert_element_type3A = arith.extui %gt3A_242 : i1 to i32
      %cond3A = arith.constant 0 : i32
      %cond3A_243 = arith.cmpi ne, %convert_element_type3A, %cond3A : i32
      scf.if %cond3A_243 {
        %dma_wait3A_465 = arith.constant 0 : i32
        %dma_wait3A_466 = tpu.memref_slice %arg6[%add3A_75, %dma_wait3A_465] : memref<1024x16384xf32, #tpu.memory_space<hbm>> -> memref<1x16384xf32, #tpu.memory_space<hbm>>
        %dma_wait3A_467 = tpu.memref_squeeze %dma_wait3A_466 : memref<1x16384xf32, #tpu.memory_space<hbm>> -> memref<16384xf32, #tpu.memory_space<hbm>>
        %dma_wait3A_468 = arith.constant 0 : i32
        %dma_wait3A_469 = tpu.memref_slice %arg6[%add3A_75, %dma_wait3A_468] : memref<1024x16384xf32, #tpu.memory_space<hbm>> -> memref<1x16384xf32, #tpu.memory_space<hbm>>
        %dma_wait3A_470 = tpu.memref_squeeze %dma_wait3A_469 : memref<1x16384xf32, #tpu.memory_space<hbm>> -> memref<16384xf32, #tpu.memory_space<hbm>>
        tpu.wait_dma2 semaphore(%arg21 : memref<!tpu.dma_semaphore, #tpu.memory_space<semaphore_mem>>) src(%arg14 : memref<16384xf32, #tpu.memory_space<vmem>>) dst(%dma_wait3A_470 : memref<16384xf32, #tpu.memory_space<hbm>>)
      } else {
      }
      %parallel_loop3A_244 = arith.constant 0 : i32
      %parallel_loop3A_245 = arith.constant 1024 : i32
      %parallel_loop3A_246 = arith.constant 1 : i32
      scf.for %parallel_loop3A_465 = %parallel_loop3A_244 to %parallel_loop3A_245 step %parallel_loop3A_246  : i32 {
        %parallel_loop3A_466 = arith.constant 16 : i32
        %parallel_loop3A_467 = arith.muli %parallel_loop3A_465, %parallel_loop3A_466 : i32
        %parallel_loop3A_468 = arith.index_cast %parallel_loop3A_467 : i32 to index
        %parallel_loop3A_469 = tpu.vector_load %arg13[%parallel_loop3A_468] {strides = array<i32>} : memref<16384xf32, #tpu.memory_space<vmem>>, vector<16xf32>,
        %parallel_loop3A_470 = arith.mulf %parallel_loop3A_469, %select_n3A : vector<16xf32>
        %parallel_loop3A_471 = arith.index_cast %parallel_loop3A_467 : i32 to index
        %parallel_loop3A_472 = tpu.vector_load %arg14[%parallel_loop3A_471] {strides = array<i32>} : memref<16384xf32, #tpu.memory_space<vmem>>, vector<16xf32>,
        tpu.vector_store %arg14[%parallel_loop3A_471], %parallel_loop3A_470 {strides = array<i32>} : memref<16384xf32, #tpu.memory_space<vmem>>, vector<16xf32>,
      } {sc.loop_unroll_factor = 8 : i64, sc.parallel_access}
      %parallel_loop3A_247 = arith.constant 0 : i32
      %parallel_loop3A_248 = arith.constant 128 : i32
      %parallel_loop3A_249 = arith.constant 1 : i32
      scf.for %parallel_loop3A_465 = %parallel_loop3A_247 to %parallel_loop3A_248 step %parallel_loop3A_249  : i32 {
        %parallel_loop3A_466 = arith.constant 16 : i32
        %parallel_loop3A_467 = arith.muli %parallel_loop3A_465, %parallel_loop3A_466 : i32
        %parallel_loop3A_468 = arith.index_cast %parallel_loop3A_467 : i32 to index
        %parallel_loop3A_469 = tpu.vector_load %arg9[%parallel_loop3A_468] {strides = array<i32>} : memref<2048xi32, #tpu.memory_space<vmem>>, vector<16xi32>,
        %parallel_loop3A_470 = arith.index_cast %parallel_loop3A_467 : i32 to index
        %parallel_loop3A_471 = tpu.vector_load %arg8[%parallel_loop3A_470] {strides = array<i32>} : memref<2048xf32, #tpu.memory_space<vmem>>, vector<16xf32>,
        %parallel_loop3A_472 = arith.mulf %parallel_loop3A_471, %div3A_228 : vector<16xf32>
        %parallel_loop3A_473 = arith.constant 1.000000e-10 : f32
        %parallel_loop3A_474 = vector.broadcast %parallel_loop3A_473 : f32 to vector<16xf32>
        %parallel_loop3A_475 = arith.cmpf olt, %parallel_loop3A_472, %parallel_loop3A_474 : vector<16xf32>
        %parallel_loop3A_476 = arith.constant 0.000000e+00 : f32
        %parallel_loop3A_477 = vector.broadcast %parallel_loop3A_476 : f32 to vector<16xf32>
        %parallel_loop3A_478 = arith.select %parallel_loop3A_475, %parallel_loop3A_477, %parallel_loop3A_472 : vector<16xi1>, vector<16xf32>
        %parallel_loop3A_479 = tpu.vector_load_idx %arg13[%parallel_loop3A_469] : memref<16384xf32, #tpu.memory_space<vmem>>[vector<16xi32>], vector<16xf32>,
        %parallel_loop3A_480 = arith.constant 1.600000e+01 : f32
        %parallel_loop3A_481 = vector.broadcast %parallel_loop3A_480 : f32 to vector<16xf32>
        %parallel_loop3A_482 = arith.mulf %parallel_loop3A_481, %parallel_loop3A_478 : vector<16xf32>
        %parallel_loop3A_483 = arith.mulf %parallel_loop3A_479, %parallel_loop3A_482 : vector<16xf32>
        tpu.vector_store_idx %arg14[%parallel_loop3A_469], %parallel_loop3A_483 : memref<16384xf32, #tpu.memory_space<vmem>>[vector<16xi32>], vector<16xf32>,
        tpu.vector_store_idx %arg7[%parallel_loop3A_469], %broadcast_in_dim3A_3 : memref<16384xf32, #tpu.memory_space<vmem>>[vector<16xi32>], vector<16xf32>,
      } {sc.loop_unroll_factor = 4 : i64, sc.parallel_access}
      %dma_start3A_250 = arith.constant 0 : i32
      %dma_start3A_251 = tpu.memref_slice %arg6[%add3A_75, %dma_start3A_250] : memref<1024x16384xf32, #tpu.memory_space<hbm>> -> memref<1x16384xf32, #tpu.memory_space<hbm>>
      %dma_start3A_252 = tpu.memref_squeeze %dma_start3A_251 : memref<1x16384xf32, #tpu.memory_space<hbm>> -> memref<16384xf32, #tpu.memory_space<hbm>>
      %dma_start3A_253 = arith.constant 0 : i32
      %dma_start3A_254 = tpu.memref_slice %arg6[%add3A_75, %dma_start3A_253] : memref<1024x16384xf32, #tpu.memory_space<hbm>> -> memref<1x16384xf32, #tpu.memory_space<hbm>>
      %dma_start3A_255 = tpu.memref_squeeze %dma_start3A_254 : memref<1x16384xf32, #tpu.memory_space<hbm>> -> memref<16384xf32, #tpu.memory_space<hbm>>
      tpu.enqueue_dma source(%arg14 : memref<16384xf32, #tpu.memory_space<vmem>>) target(%dma_start3A_255 : memref<16384xf32, #tpu.memory_space<hbm>>) target_semaphore(%arg21 : memref<!tpu.dma_semaphore, #tpu.memory_space<semaphore_mem>>)
      %lt3A_256 = arith.constant 15 : i32
      %lt3A_257 = arith.cmpi slt, %scan3A_70, %lt3A_256 : i32
      %convert_element_type3A_258 = arith.extui %lt3A_257 : i1 to i32
      %cond3A_259 = arith.constant 0 : i32
      %cond3A_260 = arith.cmpi ne, %convert_element_type3A_258, %cond3A_259 : i32
      scf.if %cond3A_260 {
        %add3A_465 = arith.constant 2 : i32
        %add3A_466 = arith.addi %add3A_75, %add3A_465 : i32
        %mul3A_467 = arith.constant 16 : i32
        %mul3A_468 = arith.muli %add3A_466, %mul3A_467 : i32
        %dma_start3A_469 = arith.constant 0 : i32
        %dma_start3A_470 = tpu.memref_slice %arg5[%mul3A_468, %dma_start3A_469] : memref<16384x128xf32, #tpu.memory_space<hbm>> -> memref<16x128xf32, #tpu.memory_space<hbm>>
        %dma_start3A_471 = arith.constant 0 : i32
        %dma_start3A_472 = tpu.memref_slice %arg5[%mul3A_468, %dma_start3A_471] : memref<16384x128xf32, #tpu.memory_space<hbm>> -> memref<16x128xf32, #tpu.memory_space<hbm>>
        tpu.enqueue_dma source(%dma_start3A_472 : memref<16x128xf32, #tpu.memory_space<hbm>>) target(%arg12 : memref<16x128xf32, #tpu.memory_space<vmem>>) target_semaphore(%arg19 : memref<!tpu.dma_semaphore, #tpu.memory_space<semaphore_mem>>)
        %dma_start3A_473 = arith.constant 0 : i32
        %dma_start3A_474 = tpu.memref_slice %arg4[%add3A_466, %dma_start3A_473] : memref<1024x16384xf32, #tpu.memory_space<hbm>> -> memref<1x16384xf32, #tpu.memory_space<hbm>>
        %dma_start3A_475 = tpu.memref_squeeze %dma_start3A_474 : memref<1x16384xf32, #tpu.memory_space<hbm>> -> memref<16384xf32, #tpu.memory_space<hbm>>
        %dma_start3A_476 = arith.constant 0 : i32
        %dma_start3A_477 = tpu.memref_slice %arg4[%add3A_466, %dma_start3A_476] : memref<1024x16384xf32, #tpu.memory_space<hbm>> -> memref<1x16384xf32, #tpu.memory_space<hbm>>
        %dma_start3A_478 = tpu.memref_squeeze %dma_start3A_477 : memref<1x16384xf32, #tpu.memory_space<hbm>> -> memref<16384xf32, #tpu.memory_space<hbm>>
        tpu.enqueue_dma source(%dma_start3A_478 : memref<16384xf32, #tpu.memory_space<hbm>>) target(%arg13 : memref<16384xf32, #tpu.memory_space<vmem>>) target_semaphore(%arg19 : memref<!tpu.dma_semaphore, #tpu.memory_space<semaphore_mem>>)
      } else {
      }
      %mul3A_261 = arith.constant 2 : i32
      %mul3A_262 = arith.muli %mul3A_261, %scan3A_70 : i32
      %add3A_263 = arith.constant 1 : i32
      %add3A_264 = arith.addi %mul3A_262, %add3A_263 : i32
      %add3A_265 = arith.addi %mul3A_2, %add3A_264 : i32
      %mul3A_266 = arith.constant 16 : i32
      %mul3A_267 = arith.muli %add3A_265, %mul3A_266 : i32
      %dma_wait3A_268 = arith.constant 0 : i32
      %dma_wait3A_269 = tpu.memref_slice %arg5[%mul3A_267, %dma_wait3A_268] : memref<16384x128xf32, #tpu.memory_space<hbm>> -> memref<16x128xf32, #tpu.memory_space<hbm>>
      %dma_wait3A_270 = arith.constant 0 : i32
      %dma_wait3A_271 = tpu.memref_slice %arg5[%mul3A_267, %dma_wait3A_270] : memref<16384x128xf32, #tpu.memory_space<hbm>> -> memref<16x128xf32, #tpu.memory_space<hbm>>
      tpu.wait_dma2 semaphore(%arg20 : memref<!tpu.dma_semaphore, #tpu.memory_space<semaphore_mem>>) src(%dma_wait3A_271 : memref<16x128xf32, #tpu.memory_space<hbm>>) dst(%arg15 : memref<16x128xf32, #tpu.memory_space<vmem>>)
      %get3A_272 = arith.index_cast %add3A_264 : i32 to index
      %get3A_273 = arith.constant 0 : index
      %get3A_274 = tpu.vector_load %arg10[%get3A_272, %get3A_273] {strides = array<i32>} : memref<32x128xf32, #tpu.memory_space<vmem>>, vector<16xf32>,
      %get3A_275 = arith.index_cast %add3A_264 : i32 to index
      %get3A_276 = arith.constant 16 : index
      %get3A_277 = tpu.vector_load %arg10[%get3A_275, %get3A_276] {strides = array<i32>} : memref<32x128xf32, #tpu.memory_space<vmem>>, vector<16xf32>,
      %get3A_278 = arith.index_cast %add3A_264 : i32 to index
      %get3A_279 = arith.constant 32 : index
      %get3A_280 = tpu.vector_load %arg10[%get3A_278, %get3A_279] {strides = array<i32>} : memref<32x128xf32, #tpu.memory_space<vmem>>, vector<16xf32>,
      %get3A_281 = arith.index_cast %add3A_264 : i32 to index
      %get3A_282 = arith.constant 48 : index
      %get3A_283 = tpu.vector_load %arg10[%get3A_281, %get3A_282] {strides = array<i32>} : memref<32x128xf32, #tpu.memory_space<vmem>>, vector<16xf32>,
      %get3A_284 = arith.index_cast %add3A_264 : i32 to index
      %get3A_285 = arith.constant 64 : index
      %get3A_286 = tpu.vector_load %arg10[%get3A_284, %get3A_285] {strides = array<i32>} : memref<32x128xf32, #tpu.memory_space<vmem>>, vector<16xf32>,
      %get3A_287 = arith.index_cast %add3A_264 : i32 to index
      %get3A_288 = arith.constant 80 : index
      %get3A_289 = tpu.vector_load %arg10[%get3A_287, %get3A_288] {strides = array<i32>} : memref<32x128xf32, #tpu.memory_space<vmem>>, vector<16xf32>,
      %get3A_290 = arith.index_cast %add3A_264 : i32 to index
      %get3A_291 = arith.constant 96 : index
      %get3A_292 = tpu.vector_load %arg10[%get3A_290, %get3A_291] {strides = array<i32>} : memref<32x128xf32, #tpu.memory_space<vmem>>, vector<16xf32>,
      %get3A_293 = arith.index_cast %add3A_264 : i32 to index
      %get3A_294 = arith.constant 112 : index
      %get3A_295 = tpu.vector_load %arg10[%get3A_293, %get3A_294] {strides = array<i32>} : memref<32x128xf32, #tpu.memory_space<vmem>>, vector<16xf32>,
      %get3A_296 = arith.index_cast %add3A_264 : i32 to index
      %get3A_297 = arith.constant 0 : index
      %get3A_298 = tpu.vector_load %arg11[%get3A_296, %get3A_297] {strides = array<i32>} : memref<32x128xf32, #tpu.memory_space<vmem>>, vector<16xf32>,
      %mul3A_299 = arith.constant 5.000000e-01 : f32
      %mul3A_300 = vector.broadcast %mul3A_299 : f32 to vector<16xf32>
      %mul3A_301 = arith.mulf %mul3A_300, %get3A_298 : vector<16xf32>
      %exp3A_302 = math.exp %mul3A_301 : vector<16xf32>
      %get3A_303 = arith.index_cast %add3A_264 : i32 to index
      %get3A_304 = arith.constant 16 : index
      %get3A_305 = tpu.vector_load %arg11[%get3A_303, %get3A_304] {strides = array<i32>} : memref<32x128xf32, #tpu.memory_space<vmem>>, vector<16xf32>,
      %mul3A_306 = arith.constant 5.000000e-01 : f32
      %mul3A_307 = vector.broadcast %mul3A_306 : f32 to vector<16xf32>
      %mul3A_308 = arith.mulf %mul3A_307, %get3A_305 : vector<16xf32>
      %exp3A_309 = math.exp %mul3A_308 : vector<16xf32>
      %get3A_310 = arith.index_cast %add3A_264 : i32 to index
      %get3A_311 = arith.constant 32 : index
      %get3A_312 = tpu.vector_load %arg11[%get3A_310, %get3A_311] {strides = array<i32>} : memref<32x128xf32, #tpu.memory_space<vmem>>, vector<16xf32>,
      %mul3A_313 = arith.constant 5.000000e-01 : f32
      %mul3A_314 = vector.broadcast %mul3A_313 : f32 to vector<16xf32>
      %mul3A_315 = arith.mulf %mul3A_314, %get3A_312 : vector<16xf32>
      %exp3A_316 = math.exp %mul3A_315 : vector<16xf32>
      %get3A_317 = arith.index_cast %add3A_264 : i32 to index
      %get3A_318 = arith.constant 48 : index
      %get3A_319 = tpu.vector_load %arg11[%get3A_317, %get3A_318] {strides = array<i32>} : memref<32x128xf32, #tpu.memory_space<vmem>>, vector<16xf32>,
      %mul3A_320 = arith.constant 5.000000e-01 : f32
      %mul3A_321 = vector.broadcast %mul3A_320 : f32 to vector<16xf32>
      %mul3A_322 = arith.mulf %mul3A_321, %get3A_319 : vector<16xf32>
      %exp3A_323 = math.exp %mul3A_322 : vector<16xf32>
      %get3A_324 = arith.index_cast %add3A_264 : i32 to index
      %get3A_325 = arith.constant 64 : index
      %get3A_326 = tpu.vector_load %arg11[%get3A_324, %get3A_325] {strides = array<i32>} : memref<32x128xf32, #tpu.memory_space<vmem>>, vector<16xf32>,
      %mul3A_327 = arith.constant 5.000000e-01 : f32
      %mul3A_328 = vector.broadcast %mul3A_327 : f32 to vector<16xf32>
      %mul3A_329 = arith.mulf %mul3A_328, %get3A_326 : vector<16xf32>
      %exp3A_330 = math.exp %mul3A_329 : vector<16xf32>
      %get3A_331 = arith.index_cast %add3A_264 : i32 to index
      %get3A_332 = arith.constant 80 : index
      %get3A_333 = tpu.vector_load %arg11[%get3A_331, %get3A_332] {strides = array<i32>} : memref<32x128xf32, #tpu.memory_space<vmem>>, vector<16xf32>,
      %mul3A_334 = arith.constant 5.000000e-01 : f32
      %mul3A_335 = vector.broadcast %mul3A_334 : f32 to vector<16xf32>
      %mul3A_336 = arith.mulf %mul3A_335, %get3A_333 : vector<16xf32>
      %exp3A_337 = math.exp %mul3A_336 : vector<16xf32>
      %get3A_338 = arith.index_cast %add3A_264 : i32 to index
      %get3A_339 = arith.constant 96 : index
      %get3A_340 = tpu.vector_load %arg11[%get3A_338, %get3A_339] {strides = array<i32>} : memref<32x128xf32, #tpu.memory_space<vmem>>, vector<16xf32>,
      %mul3A_341 = arith.constant 5.000000e-01 : f32
      %mul3A_342 = vector.broadcast %mul3A_341 : f32 to vector<16xf32>
      %mul3A_343 = arith.mulf %mul3A_342, %get3A_340 : vector<16xf32>
      %exp3A_344 = math.exp %mul3A_343 : vector<16xf32>
      %get3A_345 = arith.index_cast %add3A_264 : i32 to index
      %get3A_346 = arith.constant 112 : index
      %get3A_347 = tpu.vector_load %arg11[%get3A_345, %get3A_346] {strides = array<i32>} : memref<32x128xf32, #tpu.memory_space<vmem>>, vector<16xf32>,
      %mul3A_348 = arith.constant 5.000000e-01 : f32
      %mul3A_349 = vector.broadcast %mul3A_348 : f32 to vector<16xf32>
      %mul3A_350 = arith.mulf %mul3A_349, %get3A_347 : vector<16xf32>
      %exp3A_351 = math.exp %mul3A_350 : vector<16xf32>
      %broadcast_in_dim3A_352 = arith.constant 0x7F800000 : f32
      %broadcast_in_dim3A_353 = vector.broadcast %broadcast_in_dim3A_352 : f32 to vector<16xf32>
      %neg3A_354 = arith.constant 0.000000e+00 : f32
      %neg3A_355 = vector.broadcast %neg3A_354 : f32 to vector<16xf32>
      %neg3A_356 = arith.subf %neg3A_355, %broadcast_in_dim3A_353 : vector<16xf32>
      %neg3A_357 = arith.constant 0.000000e+00 : f32
      %neg3A_358 = vector.broadcast %neg3A_357 : f32 to vector<16xf32>
      %neg3A_359 = arith.subf %neg3A_358, %broadcast_in_dim3A_353 : vector<16xf32>
      %parallel_loop3A_360 = arith.constant 0 : i32
      %parallel_loop3A_361 = arith.constant 16 : i32
      %parallel_loop3A_362 = arith.constant 1 : i32
      %parallel_loop3A_363:4 = scf.for %parallel_loop3A_465 = %parallel_loop3A_360 to %parallel_loop3A_361 step %parallel_loop3A_362 iter_args(%parallel_loop3A_466 = %broadcast_in_dim3A_353, %parallel_loop3A_467 = %broadcast_in_dim3A_353, %parallel_loop3A_468 = %neg3A_356, %parallel_loop3A_469 = %neg3A_359) -> (vector<16xf32>, vector<16xf32>, vector<16xf32>, vector<16xf32>)  : i32 {
        %parallel_loop3A_470 = arith.index_cast %parallel_loop3A_465 : i32 to index
        %parallel_loop3A_471 = arith.constant 0 : index
        %parallel_loop3A_472 = tpu.vector_load %arg15[%parallel_loop3A_470, %parallel_loop3A_471] {strides = array<i32>} : memref<16x128xf32, #tpu.memory_space<vmem>>, vector<16xf32>,
        %parallel_loop3A_473 = arith.mulf %exp3A_302, %parallel_loop3A_472 : vector<16xf32>
        %parallel_loop3A_474 = arith.addf %get3A_274, %parallel_loop3A_473 : vector<16xf32>
        %parallel_loop3A_475 = arith.constant 128 : i32
        %parallel_loop3A_476 = arith.muli %parallel_loop3A_465, %parallel_loop3A_475 : i32
        %parallel_loop3A_477 = arith.constant 0 : i32
        %parallel_loop3A_478 = arith.addi %parallel_loop3A_476, %parallel_loop3A_477 : i32
        %parallel_loop3A_479 = arith.index_cast %parallel_loop3A_478 : i32 to index
        %parallel_loop3A_480 = tpu.vector_load %arg8[%parallel_loop3A_479] {strides = array<i32>} : memref<2048xf32, #tpu.memory_space<vmem>>, vector<16xf32>,
        tpu.vector_store %arg8[%parallel_loop3A_479], %parallel_loop3A_474 {strides = array<i32>} : memref<2048xf32, #tpu.memory_space<vmem>>, vector<16xf32>,
        %parallel_loop3A_481 = arith.minimumf %parallel_loop3A_466, %parallel_loop3A_474 : vector<16xf32>
        %parallel_loop3A_482 = arith.maximumf %parallel_loop3A_468, %parallel_loop3A_474 : vector<16xf32>
        %parallel_loop3A_483 = arith.index_cast %parallel_loop3A_465 : i32 to index
        %parallel_loop3A_484 = arith.constant 16 : index
        %parallel_loop3A_485 = tpu.vector_load %arg15[%parallel_loop3A_483, %parallel_loop3A_484] {strides = array<i32>} : memref<16x128xf32, #tpu.memory_space<vmem>>, vector<16xf32>,
        %parallel_loop3A_486 = arith.mulf %exp3A_309, %parallel_loop3A_485 : vector<16xf32>
        %parallel_loop3A_487 = arith.addf %get3A_277, %parallel_loop3A_486 : vector<16xf32>
        %parallel_loop3A_488 = arith.constant 128 : i32
        %parallel_loop3A_489 = arith.muli %parallel_loop3A_465, %parallel_loop3A_488 : i32
        %parallel_loop3A_490 = arith.constant 16 : i32
        %parallel_loop3A_491 = arith.addi %parallel_loop3A_489, %parallel_loop3A_490 : i32
        %parallel_loop3A_492 = arith.index_cast %parallel_loop3A_491 : i32 to index
        %parallel_loop3A_493 = tpu.vector_load %arg8[%parallel_loop3A_492] {strides = array<i32>} : memref<2048xf32, #tpu.memory_space<vmem>>, vector<16xf32>,
        tpu.vector_store %arg8[%parallel_loop3A_492], %parallel_loop3A_487 {strides = array<i32>} : memref<2048xf32, #tpu.memory_space<vmem>>, vector<16xf32>,
        %parallel_loop3A_494 = arith.minimumf %parallel_loop3A_467, %parallel_loop3A_487 : vector<16xf32>
        %parallel_loop3A_495 = arith.maximumf %parallel_loop3A_469, %parallel_loop3A_487 : vector<16xf32>
        %parallel_loop3A_496 = arith.index_cast %parallel_loop3A_465 : i32 to index
        %parallel_loop3A_497 = arith.constant 32 : index
        %parallel_loop3A_498 = tpu.vector_load %arg15[%parallel_loop3A_496, %parallel_loop3A_497] {strides = array<i32>} : memref<16x128xf32, #tpu.memory_space<vmem>>, vector<16xf32>,
        %parallel_loop3A_499 = arith.mulf %exp3A_316, %parallel_loop3A_498 : vector<16xf32>
        %parallel_loop3A_500 = arith.addf %get3A_280, %parallel_loop3A_499 : vector<16xf32>
        %parallel_loop3A_501 = arith.constant 128 : i32
        %parallel_loop3A_502 = arith.muli %parallel_loop3A_465, %parallel_loop3A_501 : i32
        %parallel_loop3A_503 = arith.constant 32 : i32
        %parallel_loop3A_504 = arith.addi %parallel_loop3A_502, %parallel_loop3A_503 : i32
        %parallel_loop3A_505 = arith.index_cast %parallel_loop3A_504 : i32 to index
        %parallel_loop3A_506 = tpu.vector_load %arg8[%parallel_loop3A_505] {strides = array<i32>} : memref<2048xf32, #tpu.memory_space<vmem>>, vector<16xf32>,
        tpu.vector_store %arg8[%parallel_loop3A_505], %parallel_loop3A_500 {strides = array<i32>} : memref<2048xf32, #tpu.memory_space<vmem>>, vector<16xf32>,
        %parallel_loop3A_507 = arith.minimumf %parallel_loop3A_481, %parallel_loop3A_500 : vector<16xf32>
        %parallel_loop3A_508 = arith.maximumf %parallel_loop3A_482, %parallel_loop3A_500 : vector<16xf32>
        %parallel_loop3A_509 = arith.index_cast %parallel_loop3A_465 : i32 to index
        %parallel_loop3A_510 = arith.constant 48 : index
        %parallel_loop3A_511 = tpu.vector_load %arg15[%parallel_loop3A_509, %parallel_loop3A_510] {strides = array<i32>} : memref<16x128xf32, #tpu.memory_space<vmem>>, vector<16xf32>,
        %parallel_loop3A_512 = arith.mulf %exp3A_323, %parallel_loop3A_511 : vector<16xf32>
        %parallel_loop3A_513 = arith.addf %get3A_283, %parallel_loop3A_512 : vector<16xf32>
        %parallel_loop3A_514 = arith.constant 128 : i32
        %parallel_loop3A_515 = arith.muli %parallel_loop3A_465, %parallel_loop3A_514 : i32
        %parallel_loop3A_516 = arith.constant 48 : i32
        %parallel_loop3A_517 = arith.addi %parallel_loop3A_515, %parallel_loop3A_516 : i32
        %parallel_loop3A_518 = arith.index_cast %parallel_loop3A_517 : i32 to index
        %parallel_loop3A_519 = tpu.vector_load %arg8[%parallel_loop3A_518] {strides = array<i32>} : memref<2048xf32, #tpu.memory_space<vmem>>, vector<16xf32>,
        tpu.vector_store %arg8[%parallel_loop3A_518], %parallel_loop3A_513 {strides = array<i32>} : memref<2048xf32, #tpu.memory_space<vmem>>, vector<16xf32>,
        %parallel_loop3A_520 = arith.minimumf %parallel_loop3A_494, %parallel_loop3A_513 : vector<16xf32>
        %parallel_loop3A_521 = arith.maximumf %parallel_loop3A_495, %parallel_loop3A_513 : vector<16xf32>
        %parallel_loop3A_522 = arith.index_cast %parallel_loop3A_465 : i32 to index
        %parallel_loop3A_523 = arith.constant 64 : index
        %parallel_loop3A_524 = tpu.vector_load %arg15[%parallel_loop3A_522, %parallel_loop3A_523] {strides = array<i32>} : memref<16x128xf32, #tpu.memory_space<vmem>>, vector<16xf32>,
        %parallel_loop3A_525 = arith.mulf %exp3A_330, %parallel_loop3A_524 : vector<16xf32>
        %parallel_loop3A_526 = arith.addf %get3A_286, %parallel_loop3A_525 : vector<16xf32>
        %parallel_loop3A_527 = arith.constant 128 : i32
        %parallel_loop3A_528 = arith.muli %parallel_loop3A_465, %parallel_loop3A_527 : i32
        %parallel_loop3A_529 = arith.constant 64 : i32
        %parallel_loop3A_530 = arith.addi %parallel_loop3A_528, %parallel_loop3A_529 : i32
        %parallel_loop3A_531 = arith.index_cast %parallel_loop3A_530 : i32 to index
        %parallel_loop3A_532 = tpu.vector_load %arg8[%parallel_loop3A_531] {strides = array<i32>} : memref<2048xf32, #tpu.memory_space<vmem>>, vector<16xf32>,
        tpu.vector_store %arg8[%parallel_loop3A_531], %parallel_loop3A_526 {strides = array<i32>} : memref<2048xf32, #tpu.memory_space<vmem>>, vector<16xf32>,
        %parallel_loop3A_533 = arith.minimumf %parallel_loop3A_507, %parallel_loop3A_526 : vector<16xf32>
        %parallel_loop3A_534 = arith.maximumf %parallel_loop3A_508, %parallel_loop3A_526 : vector<16xf32>
        %parallel_loop3A_535 = arith.index_cast %parallel_loop3A_465 : i32 to index
        %parallel_loop3A_536 = arith.constant 80 : index
        %parallel_loop3A_537 = tpu.vector_load %arg15[%parallel_loop3A_535, %parallel_loop3A_536] {strides = array<i32>} : memref<16x128xf32, #tpu.memory_space<vmem>>, vector<16xf32>,
        %parallel_loop3A_538 = arith.mulf %exp3A_337, %parallel_loop3A_537 : vector<16xf32>
        %parallel_loop3A_539 = arith.addf %get3A_289, %parallel_loop3A_538 : vector<16xf32>
        %parallel_loop3A_540 = arith.constant 128 : i32
        %parallel_loop3A_541 = arith.muli %parallel_loop3A_465, %parallel_loop3A_540 : i32
        %parallel_loop3A_542 = arith.constant 80 : i32
        %parallel_loop3A_543 = arith.addi %parallel_loop3A_541, %parallel_loop3A_542 : i32
        %parallel_loop3A_544 = arith.index_cast %parallel_loop3A_543 : i32 to index
        %parallel_loop3A_545 = tpu.vector_load %arg8[%parallel_loop3A_544] {strides = array<i32>} : memref<2048xf32, #tpu.memory_space<vmem>>, vector<16xf32>,
        tpu.vector_store %arg8[%parallel_loop3A_544], %parallel_loop3A_539 {strides = array<i32>} : memref<2048xf32, #tpu.memory_space<vmem>>, vector<16xf32>,
        %parallel_loop3A_546 = arith.minimumf %parallel_loop3A_520, %parallel_loop3A_539 : vector<16xf32>
        %parallel_loop3A_547 = arith.maximumf %parallel_loop3A_521, %parallel_loop3A_539 : vector<16xf32>
        %parallel_loop3A_548 = arith.index_cast %parallel_loop3A_465 : i32 to index
        %parallel_loop3A_549 = arith.constant 96 : index
        %parallel_loop3A_550 = tpu.vector_load %arg15[%parallel_loop3A_548, %parallel_loop3A_549] {strides = array<i32>} : memref<16x128xf32, #tpu.memory_space<vmem>>, vector<16xf32>,
        %parallel_loop3A_551 = arith.mulf %exp3A_344, %parallel_loop3A_550 : vector<16xf32>
        %parallel_loop3A_552 = arith.addf %get3A_292, %parallel_loop3A_551 : vector<16xf32>
        %parallel_loop3A_553 = arith.constant 128 : i32
        %parallel_loop3A_554 = arith.muli %parallel_loop3A_465, %parallel_loop3A_553 : i32
        %parallel_loop3A_555 = arith.constant 96 : i32
        %parallel_loop3A_556 = arith.addi %parallel_loop3A_554, %parallel_loop3A_555 : i32
        %parallel_loop3A_557 = arith.index_cast %parallel_loop3A_556 : i32 to index
        %parallel_loop3A_558 = tpu.vector_load %arg8[%parallel_loop3A_557] {strides = array<i32>} : memref<2048xf32, #tpu.memory_space<vmem>>, vector<16xf32>,
        tpu.vector_store %arg8[%parallel_loop3A_557], %parallel_loop3A_552 {strides = array<i32>} : memref<2048xf32, #tpu.memory_space<vmem>>, vector<16xf32>,
        %parallel_loop3A_559 = arith.minimumf %parallel_loop3A_533, %parallel_loop3A_552 : vector<16xf32>
        %parallel_loop3A_560 = arith.maximumf %parallel_loop3A_534, %parallel_loop3A_552 : vector<16xf32>
        %parallel_loop3A_561 = arith.index_cast %parallel_loop3A_465 : i32 to index
        %parallel_loop3A_562 = arith.constant 112 : index
        %parallel_loop3A_563 = tpu.vector_load %arg15[%parallel_loop3A_561, %parallel_loop3A_562] {strides = array<i32>} : memref<16x128xf32, #tpu.memory_space<vmem>>, vector<16xf32>,
        %parallel_loop3A_564 = arith.mulf %exp3A_351, %parallel_loop3A_563 : vector<16xf32>
        %parallel_loop3A_565 = arith.addf %get3A_295, %parallel_loop3A_564 : vector<16xf32>
        %parallel_loop3A_566 = arith.constant 128 : i32
        %parallel_loop3A_567 = arith.muli %parallel_loop3A_465, %parallel_loop3A_566 : i32
        %parallel_loop3A_568 = arith.constant 112 : i32
        %parallel_loop3A_569 = arith.addi %parallel_loop3A_567, %parallel_loop3A_568 : i32
        %parallel_loop3A_570 = arith.index_cast %parallel_loop3A_569 : i32 to index
        %parallel_loop3A_571 = tpu.vector_load %arg8[%parallel_loop3A_570] {strides = array<i32>} : memref<2048xf32, #tpu.memory_space<vmem>>, vector<16xf32>,
        tpu.vector_store %arg8[%parallel_loop3A_570], %parallel_loop3A_565 {strides = array<i32>} : memref<2048xf32, #tpu.memory_space<vmem>>, vector<16xf32>,
        %parallel_loop3A_572 = arith.minimumf %parallel_loop3A_546, %parallel_loop3A_565 : vector<16xf32>
        %parallel_loop3A_573 = arith.maximumf %parallel_loop3A_547, %parallel_loop3A_565 : vector<16xf32>
        scf.yield %parallel_loop3A_559, %parallel_loop3A_572, %parallel_loop3A_560, %parallel_loop3A_573 : vector<16xf32>, vector<16xf32>, vector<16xf32>, vector<16xf32>
      } {sc.loop_unroll_factor = 4 : i64, sc.parallel_access}
      %min3A_364 = arith.minimumf %parallel_loop3A_363#0, %parallel_loop3A_363#1 : vector<16xf32>
      %neg3A_365 = arith.constant 0.000000e+00 : f32
      %neg3A_366 = vector.broadcast %neg3A_365 : f32 to vector<16xf32>
      %neg3A_367 = arith.subf %neg3A_366, %min3A_364 : vector<16xf32>
      %reduce_max3A_368 = arith.constant true
      %reduce_max3A_369 = vector.broadcast %reduce_max3A_368 : i1 to vector<16xi1>
      %reduce_max3A_370 = tpu.scan <max>, %neg3A_367 masked %reduce_max3A_369 : vector<16xf32>, vector<16xi1> -> vector<16xf32>
      %reduce_max3A_371 = vector.extract %reduce_max3A_370[15] : f32 from vector<16xf32>
      %neg3A_372 = arith.constant 0.000000e+00 : f32
      %neg3A_373 = arith.subf %neg3A_372, %reduce_max3A_371 : f32
      %max3A_374 = arith.maximumf %parallel_loop3A_363#2, %parallel_loop3A_363#3 : vector<16xf32>
      %reduce_max3A_375 = arith.constant true
      %reduce_max3A_376 = vector.broadcast %reduce_max3A_375 : i1 to vector<16xi1>
      %reduce_max3A_377 = tpu.scan <max>, %max3A_374 masked %reduce_max3A_376 : vector<16xf32>, vector<16xi1> -> vector<16xf32>
      %reduce_max3A_378 = vector.extract %reduce_max3A_377[15] : f32 from vector<16xf32>
      %broadcast_in_dim3A_379 = vector.broadcast %neg3A_373 : f32 to vector<16xf32>
      %broadcast_in_dim3A_380 = vector.broadcast %reduce_max3A_378 : f32 to vector<16xf32>
      %sub3A_381 = arith.subf %broadcast_in_dim3A_380, %broadcast_in_dim3A_379 : vector<16xf32>
      %div3A_382 = arith.constant 1.638400e+04 : f32
      %div3A_383 = vector.broadcast %div3A_382 : f32 to vector<16xf32>
      %div3A_384 = arith.divf %sub3A_381, %div3A_383 : vector<16xf32>
      %add3A_385 = arith.constant 1.000000e+00 : f32
      %add3A_386 = vector.broadcast %add3A_385 : f32 to vector<16xf32>
      %add3A_387 = arith.addf %broadcast_in_dim3A_3, %add3A_386 : vector<16xf32>
      %parallel_loop3A_388 = arith.constant 0 : i32
      %parallel_loop3A_389 = arith.constant 128 : i32
      %parallel_loop3A_390 = arith.constant 1 : i32
      scf.for %parallel_loop3A_465 = %parallel_loop3A_388 to %parallel_loop3A_389 step %parallel_loop3A_390  : i32 {
        %parallel_loop3A_466 = arith.constant 16 : i32
        %parallel_loop3A_467 = arith.muli %parallel_loop3A_465, %parallel_loop3A_466 : i32
        %parallel_loop3A_468 = arith.index_cast %parallel_loop3A_467 : i32 to index
        %parallel_loop3A_469 = tpu.vector_load %arg8[%parallel_loop3A_468] {strides = array<i32>} : memref<2048xf32, #tpu.memory_space<vmem>>, vector<16xf32>,
        %parallel_loop3A_470 = arith.subf %parallel_loop3A_469, %broadcast_in_dim3A_379 : vector<16xf32>
        %parallel_loop3A_471 = arith.divf %parallel_loop3A_470, %div3A_384 : vector<16xf32>
        %parallel_loop3A_472 = arith.fptosi %parallel_loop3A_471 : vector<16xf32> to vector<16xi32>
        %parallel_loop3A_473 = arith.constant 0 : i32
        %parallel_loop3A_474 = arith.constant 16383 : i32
        %parallel_loop3A_475 = vector.broadcast %parallel_loop3A_473 : i32 to vector<16xi32>
        %parallel_loop3A_476 = arith.maxsi %parallel_loop3A_475, %parallel_loop3A_472 : vector<16xi32>
        %parallel_loop3A_477 = vector.broadcast %parallel_loop3A_474 : i32 to vector<16xi32>
        %parallel_loop3A_478 = arith.minsi %parallel_loop3A_477, %parallel_loop3A_476 : vector<16xi32>
        %parallel_loop3A_479 = arith.index_cast %parallel_loop3A_467 : i32 to index
        %parallel_loop3A_480 = tpu.vector_load %arg9[%parallel_loop3A_479] {strides = array<i32>} : memref<2048xi32, #tpu.memory_space<vmem>>, vector<16xi32>,
        tpu.vector_store %arg9[%parallel_loop3A_479], %parallel_loop3A_478 {strides = array<i32>} : memref<2048xi32, #tpu.memory_space<vmem>>, vector<16xi32>,
        tpu.vector_store_idx %arg7[%parallel_loop3A_478], %add3A_387 {add = true} : memref<16384xf32, #tpu.memory_space<vmem>>[vector<16xi32>], vector<16xf32>,
      } {sc.loop_unroll_factor = 8 : i64, sc.parallel_access}
      %parallel_loop3A_391 = arith.constant 0 : i32
      %parallel_loop3A_392 = arith.constant 64 : i32
      %parallel_loop3A_393 = arith.constant 1 : i32
      %parallel_loop3A_394:2 = scf.for %parallel_loop3A_465 = %parallel_loop3A_391 to %parallel_loop3A_392 step %parallel_loop3A_393 iter_args(%parallel_loop3A_466 = %broadcast_in_dim3A_3, %parallel_loop3A_467 = %broadcast_in_dim3A_3) -> (vector<16xf32>, vector<16xf32>)  : i32 {
        %parallel_loop3A_468 = arith.constant 32 : i32
        %parallel_loop3A_469 = arith.muli %parallel_loop3A_465, %parallel_loop3A_468 : i32
        %parallel_loop3A_470 = arith.index_cast %parallel_loop3A_469 : i32 to index
        %parallel_loop3A_471 = tpu.vector_load %arg9[%parallel_loop3A_470] {strides = array<i32>} : memref<2048xi32, #tpu.memory_space<vmem>>, vector<16xi32>,
        %parallel_loop3A_472 = tpu.vector_load_idx %arg7[%parallel_loop3A_471] : memref<16384xf32, #tpu.memory_space<vmem>>[vector<16xi32>], vector<16xf32>,
        %parallel_loop3A_473 = arith.constant 16 : i32
        %parallel_loop3A_474 = arith.addi %parallel_loop3A_469, %parallel_loop3A_473 : i32
        %parallel_loop3A_475 = arith.index_cast %parallel_loop3A_474 : i32 to index
        %parallel_loop3A_476 = tpu.vector_load %arg9[%parallel_loop3A_475] {strides = array<i32>} : memref<2048xi32, #tpu.memory_space<vmem>>, vector<16xi32>,
        %parallel_loop3A_477 = tpu.vector_load_idx %arg7[%parallel_loop3A_476] : memref<16384xf32, #tpu.memory_space<vmem>>[vector<16xi32>], vector<16xf32>,
        %parallel_loop3A_478 = arith.index_cast %parallel_loop3A_469 : i32 to index
        %parallel_loop3A_479 = tpu.vector_load %arg8[%parallel_loop3A_478] {strides = array<i32>} : memref<2048xf32, #tpu.memory_space<vmem>>, vector<16xf32>,
        tpu.vector_store %arg8[%parallel_loop3A_478], %parallel_loop3A_472 {strides = array<i32>} : memref<2048xf32, #tpu.memory_space<vmem>>, vector<16xf32>,
        %parallel_loop3A_480 = arith.constant 16 : i32
        %parallel_loop3A_481 = arith.addi %parallel_loop3A_469, %parallel_loop3A_480 : i32
        %parallel_loop3A_482 = arith.index_cast %parallel_loop3A_481 : i32 to index
        %parallel_loop3A_483 = tpu.vector_load %arg8[%parallel_loop3A_482] {strides = array<i32>} : memref<2048xf32, #tpu.memory_space<vmem>>, vector<16xf32>,
        tpu.vector_store %arg8[%parallel_loop3A_482], %parallel_loop3A_477 {strides = array<i32>} : memref<2048xf32, #tpu.memory_space<vmem>>, vector<16xf32>,
        %parallel_loop3A_484 = arith.maximumf %parallel_loop3A_466, %parallel_loop3A_472 : vector<16xf32>
        %parallel_loop3A_485 = arith.maximumf %parallel_loop3A_467, %parallel_loop3A_477 : vector<16xf32>
        scf.yield %parallel_loop3A_484, %parallel_loop3A_485 : vector<16xf32>, vector<16xf32>
      } {sc.loop_unroll_factor = 4 : i64, sc.parallel_access}
      %max3A_395 = arith.maximumf %parallel_loop3A_394#0, %parallel_loop3A_394#1 : vector<16xf32>
      %reduce_max3A_396 = arith.constant true
      %reduce_max3A_397 = vector.broadcast %reduce_max3A_396 : i1 to vector<16xi1>
      %reduce_max3A_398 = tpu.scan <max>, %max3A_395 masked %reduce_max3A_397 : vector<16xf32>, vector<16xi1> -> vector<16xf32>
      %reduce_max3A_399 = vector.extract %reduce_max3A_398[15] : f32 from vector<16xf32>
      %broadcast_in_dim3A_400 = vector.broadcast %reduce_max3A_399 : f32 to vector<16xf32>
      %parallel_loop3A_401 = arith.constant 0 : i32
      %parallel_loop3A_402 = arith.constant 64 : i32
      %parallel_loop3A_403 = arith.constant 1 : i32
      %parallel_loop3A_404:4 = scf.for %parallel_loop3A_465 = %parallel_loop3A_401 to %parallel_loop3A_402 step %parallel_loop3A_403 iter_args(%parallel_loop3A_466 = %broadcast_in_dim3A_3, %parallel_loop3A_467 = %broadcast_in_dim3A_3, %parallel_loop3A_468 = %broadcast_in_dim3A_3, %parallel_loop3A_469 = %broadcast_in_dim3A_3) -> (vector<16xf32>, vector<16xf32>, vector<16xf32>, vector<16xf32>)  : i32 {
        %parallel_loop3A_470 = arith.constant 32 : i32
        %parallel_loop3A_471 = arith.muli %parallel_loop3A_465, %parallel_loop3A_470 : i32
        %parallel_loop3A_472 = arith.index_cast %parallel_loop3A_471 : i32 to index
        %parallel_loop3A_473 = tpu.vector_load %arg8[%parallel_loop3A_472] {strides = array<i32>} : memref<2048xf32, #tpu.memory_space<vmem>>, vector<16xf32>,
        %parallel_loop3A_474 = arith.constant 16 : i32
        %parallel_loop3A_475 = arith.addi %parallel_loop3A_471, %parallel_loop3A_474 : i32
        %parallel_loop3A_476 = arith.index_cast %parallel_loop3A_475 : i32 to index
        %parallel_loop3A_477 = tpu.vector_load %arg8[%parallel_loop3A_476] {strides = array<i32>} : memref<2048xf32, #tpu.memory_space<vmem>>, vector<16xf32>,
        %parallel_loop3A_478 = arith.subf %parallel_loop3A_473, %broadcast_in_dim3A_400 : vector<16xf32>
        %parallel_loop3A_479 = math.exp %parallel_loop3A_478 : vector<16xf32>
        %parallel_loop3A_480 = arith.subf %parallel_loop3A_477, %broadcast_in_dim3A_400 : vector<16xf32>
        %parallel_loop3A_481 = math.exp %parallel_loop3A_480 : vector<16xf32>
        %parallel_loop3A_482 = arith.index_cast %parallel_loop3A_471 : i32 to index
        %parallel_loop3A_483 = tpu.vector_load %arg8[%parallel_loop3A_482] {strides = array<i32>} : memref<2048xf32, #tpu.memory_space<vmem>>, vector<16xf32>,
        tpu.vector_store %arg8[%parallel_loop3A_482], %parallel_loop3A_479 {strides = array<i32>} : memref<2048xf32, #tpu.memory_space<vmem>>, vector<16xf32>,
        %parallel_loop3A_484 = arith.constant 16 : i32
        %parallel_loop3A_485 = arith.addi %parallel_loop3A_471, %parallel_loop3A_484 : i32
        %parallel_loop3A_486 = arith.index_cast %parallel_loop3A_485 : i32 to index
        %parallel_loop3A_487 = tpu.vector_load %arg8[%parallel_loop3A_486] {strides = array<i32>} : memref<2048xf32, #tpu.memory_space<vmem>>, vector<16xf32>,
        tpu.vector_store %arg8[%parallel_loop3A_486], %parallel_loop3A_481 {strides = array<i32>} : memref<2048xf32, #tpu.memory_space<vmem>>, vector<16xf32>,
        %parallel_loop3A_488 = arith.constant 1.000000e+00 : f32
        %parallel_loop3A_489 = vector.broadcast %parallel_loop3A_488 : f32 to vector<16xf32>
        %parallel_loop3A_490 = arith.divf %parallel_loop3A_489, %parallel_loop3A_473 : vector<16xf32>
        %parallel_loop3A_491 = arith.constant 1.000000e+00 : f32
        %parallel_loop3A_492 = vector.broadcast %parallel_loop3A_491 : f32 to vector<16xf32>
        %parallel_loop3A_493 = arith.divf %parallel_loop3A_492, %parallel_loop3A_477 : vector<16xf32>
        %parallel_loop3A_494 = arith.mulf %parallel_loop3A_479, %parallel_loop3A_490 : vector<16xf32>
        %parallel_loop3A_495 = arith.addf %parallel_loop3A_466, %parallel_loop3A_494 : vector<16xf32>
        %parallel_loop3A_496 = arith.mulf %parallel_loop3A_481, %parallel_loop3A_493 : vector<16xf32>
        %parallel_loop3A_497 = arith.addf %parallel_loop3A_467, %parallel_loop3A_496 : vector<16xf32>
        %parallel_loop3A_498 = arith.addf %parallel_loop3A_468, %parallel_loop3A_490 : vector<16xf32>
        %parallel_loop3A_499 = arith.addf %parallel_loop3A_469, %parallel_loop3A_493 : vector<16xf32>
        scf.yield %parallel_loop3A_495, %parallel_loop3A_497, %parallel_loop3A_498, %parallel_loop3A_499 : vector<16xf32>, vector<16xf32>, vector<16xf32>, vector<16xf32>
      } {sc.loop_unroll_factor = 4 : i64, sc.parallel_access}
      %sub3A_405 = arith.subf %broadcast_in_dim3A_3, %broadcast_in_dim3A_400 : vector<16xf32>
      %exp3A_406 = math.exp %sub3A_405 : vector<16xf32>
      %add3A_407 = arith.addf %parallel_loop3A_404#0, %parallel_loop3A_404#1 : vector<16xf32>
      %reduce_sum3A_408 = arith.constant true
      %reduce_sum3A_409 = vector.broadcast %reduce_sum3A_408 : i1 to vector<16xi1>
      %reduce_sum3A_410 = tpu.scan <sum>, %add3A_407 masked %reduce_sum3A_409 : vector<16xf32>, vector<16xi1> -> vector<16xf32>
      %reduce_sum3A_411 = vector.extract %reduce_sum3A_410[15] : f32 from vector<16xf32>
      %broadcast_in_dim3A_412 = vector.broadcast %reduce_sum3A_411 : f32 to vector<16xf32>
      %add3A_413 = arith.addf %parallel_loop3A_404#2, %parallel_loop3A_404#3 : vector<16xf32>
      %reduce_sum3A_414 = arith.constant true
      %reduce_sum3A_415 = vector.broadcast %reduce_sum3A_414 : i1 to vector<16xi1>
      %reduce_sum3A_416 = tpu.scan <sum>, %add3A_413 masked %reduce_sum3A_415 : vector<16xf32>, vector<16xi1> -> vector<16xf32>
      %reduce_sum3A_417 = vector.extract %reduce_sum3A_416[15] : f32 from vector<16xf32>
      %broadcast_in_dim3A_418 = vector.broadcast %reduce_sum3A_417 : f32 to vector<16xf32>
      %sub3A_419 = arith.constant 1.638400e+04 : f32
      %sub3A_420 = vector.broadcast %sub3A_419 : f32 to vector<16xf32>
      %sub3A_421 = arith.subf %sub3A_420, %broadcast_in_dim3A_418 : vector<16xf32>
      %mul3A_422 = arith.mulf %sub3A_421, %exp3A_406 : vector<16xf32>
      %add3A_423 = arith.addf %broadcast_in_dim3A_412, %mul3A_422 : vector<16xf32>
      %div3A_424 = arith.constant 1.000000e+00 : f32
      %div3A_425 = vector.broadcast %div3A_424 : f32 to vector<16xf32>
      %div3A_426 = arith.divf %div3A_425, %add3A_423 : vector<16xf32>
      %mul3A_427 = arith.mulf %exp3A_406, %div3A_426 : vector<16xf32>
      %lt3A_428 = arith.constant 1.000000e-10 : f32
      %lt3A_429 = vector.broadcast %lt3A_428 : f32 to vector<16xf32>
      %lt3A_430 = arith.cmpf olt, %mul3A_427, %lt3A_429 : vector<16xf32>
      %mul3A_431 = arith.constant 1.600000e+01 : f32
      %mul3A_432 = vector.broadcast %mul3A_431 : f32 to vector<16xf32>
      %mul3A_433 = arith.mulf %mul3A_432, %mul3A_427 : vector<16xf32>
      %jit3A_434 = arith.constant 0.000000e+00 : f32
      %broadcast_in_dim3A_435 = vector.broadcast %jit3A_434 : f32 to vector<16xf32>
      %select_n3A_436 = arith.select %lt3A_430, %broadcast_in_dim3A_435, %mul3A_433 : vector<16xi1>, vector<16xf32>
      %dma_wait3A_437 = arith.constant 0 : i32
      %dma_wait3A_438 = tpu.memref_slice %arg4[%add3A_265, %dma_wait3A_437] : memref<1024x16384xf32, #tpu.memory_space<hbm>> -> memref<1x16384xf32, #tpu.memory_space<hbm>>
      %dma_wait3A_439 = tpu.memref_squeeze %dma_wait3A_438 : memref<1x16384xf32, #tpu.memory_space<hbm>> -> memref<16384xf32, #tpu.memory_space<hbm>>
      %dma_wait3A_440 = arith.constant 0 : i32
      %dma_wait3A_441 = tpu.memref_slice %arg4[%add3A_265, %dma_wait3A_440] : memref<1024x16384xf32, #tpu.memory_space<hbm>> -> memref<1x16384xf32, #tpu.memory_space<hbm>>
      %dma_wait3A_442 = tpu.memref_squeeze %dma_wait3A_441 : memref<1x16384xf32, #tpu.memory_space<hbm>> -> memref<16384xf32, #tpu.memory_space<hbm>>
      tpu.wait_dma2 semaphore(%arg20 : memref<!tpu.dma_semaphore, #tpu.memory_space<semaphore_mem>>) src(%dma_wait3A_442 : memref<16384xf32, #tpu.memory_space<hbm>>) dst(%arg16 : memref<16384xf32, #tpu.memory_space<vmem>>)
      %gt3A_443 = arith.constant 0 : i32
      %gt3A_444 = arith.cmpi sgt, %scan3A_70, %gt3A_443 : i32
      %convert_element_type3A_445 = arith.extui %gt3A_444 : i1 to i32
      %cond3A_446 = arith.constant 0 : i32
      %cond3A_447 = arith.cmpi ne, %convert_element_type3A_445, %cond3A_446 : i32
      scf.if %cond3A_447 {
        %dma_wait3A_465 = arith.constant 0 : i32
        %dma_wait3A_466 = tpu.memref_slice %arg6[%add3A_265, %dma_wait3A_465] : memref<1024x16384xf32, #tpu.memory_space<hbm>> -> memref<1x16384xf32, #tpu.memory_space<hbm>>
        %dma_wait3A_467 = tpu.memref_squeeze %dma_wait3A_466 : memref<1x16384xf32, #tpu.memory_space<hbm>> -> memref<16384xf32, #tpu.memory_space<hbm>>
        %dma_wait3A_468 = arith.constant 0 : i32
        %dma_wait3A_469 = tpu.memref_slice %arg6[%add3A_265, %dma_wait3A_468] : memref<1024x16384xf32, #tpu.memory_space<hbm>> -> memref<1x16384xf32, #tpu.memory_space<hbm>>
        %dma_wait3A_470 = tpu.memref_squeeze %dma_wait3A_469 : memref<1x16384xf32, #tpu.memory_space<hbm>> -> memref<16384xf32, #tpu.memory_space<hbm>>
        tpu.wait_dma2 semaphore(%arg22 : memref<!tpu.dma_semaphore, #tpu.memory_space<semaphore_mem>>) src(%arg17 : memref<16384xf32, #tpu.memory_space<vmem>>) dst(%dma_wait3A_470 : memref<16384xf32, #tpu.memory_space<hbm>>)
      } else {
      }
      %parallel_loop3A_448 = arith.constant 0 : i32
      %parallel_loop3A_449 = arith.constant 1024 : i32
      %parallel_loop3A_450 = arith.constant 1 : i32
      scf.for %parallel_loop3A_465 = %parallel_loop3A_448 to %parallel_loop3A_449 step %parallel_loop3A_450  : i32 {
        %parallel_loop3A_466 = arith.constant 16 : i32
        %parallel_loop3A_467 = arith.muli %parallel_loop3A_465, %parallel_loop3A_466 : i32
        %parallel_loop3A_468 = arith.index_cast %parallel_loop3A_467 : i32 to index
        %parallel_loop3A_469 = tpu.vector_load %arg16[%parallel_loop3A_468] {strides = array<i32>} : memref<16384xf32, #tpu.memory_space<vmem>>, vector<16xf32>,
        %parallel_loop3A_470 = arith.mulf %parallel_loop3A_469, %select_n3A_436 : vector<16xf32>
        %parallel_loop3A_471 = arith.index_cast %parallel_loop3A_467 : i32 to index
        %parallel_loop3A_472 = tpu.vector_load %arg17[%parallel_loop3A_471] {strides = array<i32>} : memref<16384xf32, #tpu.memory_space<vmem>>, vector<16xf32>,
        tpu.vector_store %arg17[%parallel_loop3A_471], %parallel_loop3A_470 {strides = array<i32>} : memref<16384xf32, #tpu.memory_space<vmem>>, vector<16xf32>,
      } {sc.loop_unroll_factor = 8 : i64, sc.parallel_access}
      %parallel_loop3A_451 = arith.constant 0 : i32
      %parallel_loop3A_452 = arith.constant 128 : i32
      %parallel_loop3A_453 = arith.constant 1 : i32
      scf.for %parallel_loop3A_465 = %parallel_loop3A_451 to %parallel_loop3A_452 step %parallel_loop3A_453  : i32 {
        %parallel_loop3A_466 = arith.constant 16 : i32
        %parallel_loop3A_467 = arith.muli %parallel_loop3A_465, %parallel_loop3A_466 : i32
        %parallel_loop3A_468 = arith.index_cast %parallel_loop3A_467 : i32 to index
        %parallel_loop3A_469 = tpu.vector_load %arg9[%parallel_loop3A_468] {strides = array<i32>} : memref<2048xi32, #tpu.memory_space<vmem>>, vector<16xi32>,
        %parallel_loop3A_470 = arith.index_cast %parallel_loop3A_467 : i32 to index
        %parallel_loop3A_471 = tpu.vector_load %arg8[%parallel_loop3A_470] {strides = array<i32>} : memref<2048xf32, #tpu.memory_space<vmem>>, vector<16xf32>,
        %parallel_loop3A_472 = arith.mulf %parallel_loop3A_471, %div3A_426 : vector<16xf32>
        %parallel_loop3A_473 = arith.constant 1.000000e-10 : f32
        %parallel_loop3A_474 = vector.broadcast %parallel_loop3A_473 : f32 to vector<16xf32>
        %parallel_loop3A_475 = arith.cmpf olt, %parallel_loop3A_472, %parallel_loop3A_474 : vector<16xf32>
        %parallel_loop3A_476 = arith.constant 0.000000e+00 : f32
        %parallel_loop3A_477 = vector.broadcast %parallel_loop3A_476 : f32 to vector<16xf32>
        %parallel_loop3A_478 = arith.select %parallel_loop3A_475, %parallel_loop3A_477, %parallel_loop3A_472 : vector<16xi1>, vector<16xf32>
        %parallel_loop3A_479 = tpu.vector_load_idx %arg16[%parallel_loop3A_469] : memref<16384xf32, #tpu.memory_space<vmem>>[vector<16xi32>], vector<16xf32>,
        %parallel_loop3A_480 = arith.constant 1.600000e+01 : f32
        %parallel_loop3A_481 = vector.broadcast %parallel_loop3A_480 : f32 to vector<16xf32>
        %parallel_loop3A_482 = arith.mulf %parallel_loop3A_481, %parallel_loop3A_478 : vector<16xf32>
        %parallel_loop3A_483 = arith.mulf %parallel_loop3A_479, %parallel_loop3A_482 : vector<16xf32>
        tpu.vector_store_idx %arg17[%parallel_loop3A_469], %parallel_loop3A_483 : memref<16384xf32, #tpu.memory_space<vmem>>[vector<16xi32>], vector<16xf32>,
        tpu.vector_store_idx %arg7[%parallel_loop3A_469], %broadcast_in_dim3A_3 : memref<16384xf32, #tpu.memory_space<vmem>>[vector<16xi32>], vector<16xf32>,
      } {sc.loop_unroll_factor = 4 : i64, sc.parallel_access}
      %dma_start3A_454 = arith.constant 0 : i32
      %dma_start3A_455 = tpu.memref_slice %arg6[%add3A_265, %dma_start3A_454] : memref<1024x16384xf32, #tpu.memory_space<hbm>> -> memref<1x16384xf32, #tpu.memory_space<hbm>>
      %dma_start3A_456 = tpu.memref_squeeze %dma_start3A_455 : memref<1x16384xf32, #tpu.memory_space<hbm>> -> memref<16384xf32, #tpu.memory_space<hbm>>
      %dma_start3A_457 = arith.constant 0 : i32
      %dma_start3A_458 = tpu.memref_slice %arg6[%add3A_265, %dma_start3A_457] : memref<1024x16384xf32, #tpu.memory_space<hbm>> -> memref<1x16384xf32, #tpu.memory_space<hbm>>
      %dma_start3A_459 = tpu.memref_squeeze %dma_start3A_458 : memref<1x16384xf32, #tpu.memory_space<hbm>> -> memref<16384xf32, #tpu.memory_space<hbm>>
      tpu.enqueue_dma source(%arg17 : memref<16384xf32, #tpu.memory_space<vmem>>) target(%dma_start3A_459 : memref<16384xf32, #tpu.memory_space<hbm>>) target_semaphore(%arg22 : memref<!tpu.dma_semaphore, #tpu.memory_space<semaphore_mem>>)
      %lt3A_460 = arith.constant 15 : i32
      %lt3A_461 = arith.cmpi slt, %scan3A_70, %lt3A_460 : i32
      %convert_element_type3A_462 = arith.extui %lt3A_461 : i1 to i32
      %cond3A_463 = arith.constant 0 : i32
      %cond3A_464 = arith.cmpi ne, %convert_element_type3A_462, %cond3A_463 : i32
      scf.if %cond3A_464 {
        %add3A_465 = arith.constant 2 : i32
        %add3A_466 = arith.addi %add3A_265, %add3A_465 : i32
        %mul3A_467 = arith.constant 16 : i32
        %mul3A_468 = arith.muli %add3A_466, %mul3A_467 : i32
        %dma_start3A_469 = arith.constant 0 : i32
        %dma_start3A_470 = tpu.memref_slice %arg5[%mul3A_468, %dma_start3A_469] : memref<16384x128xf32, #tpu.memory_space<hbm>> -> memref<16x128xf32, #tpu.memory_space<hbm>>
        %dma_start3A_471 = arith.constant 0 : i32
        %dma_start3A_472 = tpu.memref_slice %arg5[%mul3A_468, %dma_start3A_471] : memref<16384x128xf32, #tpu.memory_space<hbm>> -> memref<16x128xf32, #tpu.memory_space<hbm>>
        tpu.enqueue_dma source(%dma_start3A_472 : memref<16x128xf32, #tpu.memory_space<hbm>>) target(%arg15 : memref<16x128xf32, #tpu.memory_space<vmem>>) target_semaphore(%arg20 : memref<!tpu.dma_semaphore, #tpu.memory_space<semaphore_mem>>)
        %dma_start3A_473 = arith.constant 0 : i32
        %dma_start3A_474 = tpu.memref_slice %arg4[%add3A_466, %dma_start3A_473] : memref<1024x16384xf32, #tpu.memory_space<hbm>> -> memref<1x16384xf32, #tpu.memory_space<hbm>>
        %dma_start3A_475 = tpu.memref_squeeze %dma_start3A_474 : memref<1x16384xf32, #tpu.memory_space<hbm>> -> memref<16384xf32, #tpu.memory_space<hbm>>
        %dma_start3A_476 = arith.constant 0 : i32
        %dma_start3A_477 = tpu.memref_slice %arg4[%add3A_466, %dma_start3A_476] : memref<1024x16384xf32, #tpu.memory_space<hbm>> -> memref<1x16384xf32, #tpu.memory_space<hbm>>
        %dma_start3A_478 = tpu.memref_squeeze %dma_start3A_477 : memref<1x16384xf32, #tpu.memory_space<hbm>> -> memref<16384xf32, #tpu.memory_space<hbm>>
        tpu.enqueue_dma source(%dma_start3A_478 : memref<16384xf32, #tpu.memory_space<hbm>>) target(%arg16 : memref<16384xf32, #tpu.memory_space<vmem>>) target_semaphore(%arg20 : memref<!tpu.dma_semaphore, #tpu.memory_space<semaphore_mem>>)
      } else {
      }
    }
    %scan3A_50 = arith.constant 16 : i32
    %add3A_51 = arith.constant 32 : i32
    %add3A_52 = arith.addi %mul3A_2, %add3A_51 : i32
    %sub3A = arith.constant 2 : i32
    %sub3A_53 = arith.subi %add3A_52, %sub3A : i32
    %dma_wait3A_54 = arith.constant 0 : i32
    %dma_wait3A_55 = tpu.memref_slice %arg6[%sub3A_53, %dma_wait3A_54] : memref<1024x16384xf32, #tpu.memory_space<hbm>> -> memref<1x16384xf32, #tpu.memory_space<hbm>>
    %dma_wait3A_56 = tpu.memref_squeeze %dma_wait3A_55 : memref<1x16384xf32, #tpu.memory_space<hbm>> -> memref<16384xf32, #tpu.memory_space<hbm>>
    %dma_wait3A_57 = arith.constant 0 : i32
    %dma_wait3A_58 = tpu.memref_slice %arg6[%sub3A_53, %dma_wait3A_57] : memref<1024x16384xf32, #tpu.memory_space<hbm>> -> memref<1x16384xf32, #tpu.memory_space<hbm>>
    %dma_wait3A_59 = tpu.memref_squeeze %dma_wait3A_58 : memref<1x16384xf32, #tpu.memory_space<hbm>> -> memref<16384xf32, #tpu.memory_space<hbm>>
    tpu.wait_dma2 semaphore(%arg21 : memref<!tpu.dma_semaphore, #tpu.memory_space<semaphore_mem>>) src(%arg14 : memref<16384xf32, #tpu.memory_space<vmem>>) dst(%dma_wait3A_59 : memref<16384xf32, #tpu.memory_space<hbm>>)
    %add3A_60 = arith.constant 32 : i32
    %add3A_61 = arith.addi %mul3A_2, %add3A_60 : i32
    %sub3A_62 = arith.constant 1 : i32
    %sub3A_63 = arith.subi %add3A_61, %sub3A_62 : i32
    %dma_wait3A_64 = arith.constant 0 : i32
    %dma_wait3A_65 = tpu.memref_slice %arg6[%sub3A_63, %dma_wait3A_64] : memref<1024x16384xf32, #tpu.memory_space<hbm>> -> memref<1x16384xf32, #tpu.memory_space<hbm>>
    %dma_wait3A_66 = tpu.memref_squeeze %dma_wait3A_65 : memref<1x16384xf32, #tpu.memory_space<hbm>> -> memref<16384xf32, #tpu.memory_space<hbm>>
    %dma_wait3A_67 = arith.constant 0 : i32
    %dma_wait3A_68 = tpu.memref_slice %arg6[%sub3A_63, %dma_wait3A_67] : memref<1024x16384xf32, #tpu.memory_space<hbm>> -> memref<1x16384xf32, #tpu.memory_space<hbm>>
    %dma_wait3A_69 = tpu.memref_squeeze %dma_wait3A_68 : memref<1x16384xf32, #tpu.memory_space<hbm>> -> memref<16384xf32, #tpu.memory_space<hbm>>
    tpu.wait_dma2 semaphore(%arg22 : memref<!tpu.dma_semaphore, #tpu.memory_space<semaphore_mem>>) src(%arg17 : memref<16384xf32, #tpu.memory_space<vmem>>) dst(%dma_wait3A_69 : memref<16384xf32, #tpu.memory_space<hbm>>)
    return
  }
}

</mosaic_0001>

<sc_bundles>
// kernel: _run.3.cloned.1.call-start
scs
__scs_entry_jumppad:
0x0: {  	(pc) =	sbr.rel $0x88, $3  }
0x1: {  	(tag) =	ssettag $0x0;
	lr =	simm.s32 $0x1  }
0x2: {  	[smem:$0x3F9D] =	sst lr;
	_ =	strace $0xD0000000  }
0x3: {  	_ = 	snop  }
0x4: {  	_ = 	snop  }
0x5: {  	_ = 	snop  }
0x6: {  	_ = 	snop  }
0x7: {  	_ = 	snop  }
__scs_overlays_trampoline_lowered:
0x8: {  	[smem:$0x3FAC] =	sst s0  }
0x9: {  	[smem:$0x3FAD] =	sst s1  }
0xa: {  	[smem:$0x3FAE] =	sst s2  }
0xb: {  	[smem:$0x3FAF] =	sst s3  }
0xc: {  	[smem:$0x3FB0] =	sst s4  }
0xd: {  	[smem:$0x3FB1] =	sst s5  }
0xe: {  	[smem:$0x3FB2] =	sst s6  }
0xf: {  	[smem:$0x3FB3] =	sst s7  }
0x10: {  	[smem:$0x3FB4] =	sst s8  }
0x11: {  	[smem:$0x3FB5] =	sst s9;
	s0 =	simm.s32 @!p0 $0x0  }
0x12: {  	s1 =	sld [smem:$0x3F9B];
	s0 =	simm.s32 @p0 $0x1  }
0x13: {  	[smem:$0x3FB6] =	sst s0;
	s0 =	simm.s32 @!p1 $0x0  }
0x14: {  	s2 =	sld [smem:$0x3F9A];
	s0 =	simm.s32 @p1 $0x1  }
0x15: {  	[smem:$0x3FB7] =	sst s0;
	s0 =	simm.s32 @!p2 $0x0  }
0x16: {  	s3 =	sld [smem:$0x3FDB];
	s0 =	simm.s32 @p2 $0x1  }
0x17: {  	s4 =	simm.s32 $0x1BF5;
	[smem:$0x3FB9] =	sst s0  }
0x18: {  	s0 =	sld [smem:$0x3F9C];
	_ =	swait.ge [sflag:s4], $0x0  }
0x19: {  	s7 =	sld [smem:$0x3F9D]  }
0x1a: {  	s8 =	sadd.s32 $0xFFFFE003, lr  }
0x1b: {  	s9 =	sadd.s32 $0xFFFFFEF7, lr;
	s5 =	simm.s32 $0xFFFFFFFF;
	p2 =	slt.u32 s8, $0xFFFFF086  }
0x1c: {  	p1 =	slt.u32 s9, $0xF7A;
	s5 =	simm.s32 @!p2 $0x0  }
0x1d: {  	s5 =	simm.s32 @p1 $0x1;
	p0 =	seq.s32 s7, s2  }
0x1e: {  	s7 =	smul.u32 @!p0 $0xF7A, s2;
	p2 =	seq.s32 @!p0 s5, $0x0  }
0x1f: {  	s9 =	smul.u32 $0xF7A, s1;
	s8 =	simm.s32 @!p0 $0x1BF5;
	p2 =	por !p2, p0  }
0x20: {  	[sflag:s8] =	ssyncset.s32 @!p0 $0xFFFFF086;
	s6 =	sadd.s32 @!p0 s3, s7;
	s7 =	simm.s32 @!p0 $0x108  }
0x21: {  	s3 =	sadd.s32 s3, s9;
	s6 =	sadd.s32 @!p0 $0x88, s6;
	s7 =	simm.s32 @p2 $0x1082  }
0x22: {  	[simem:s7], [sflag:s8] =	dma.local @!p0 [hbm:s6], $0xF7A  }
0x23: {  	s9 =	sor.u32 $0xD0000000, s2;
	s6 =	simm.s32 $0x108;
	_ =	swait.ge @!p0 [sflag:s8], $0x0  }
0x24: {  	s3 =	sadd.s32 $0x88, s3;
	s6 =	simm.s32 @!p1 $0x1082;
	[sflag:s4] =	ssyncset.s32 $0xFFFFF086  }
0x25: {  	[simem:s6], [sflag:s4] =	dma.local [hbm:s3], $0xF7A  }
0x26: {  	[smem:$0x3F9D] =	sst s1;
	(tag) =	ssettag s2;
	_ =	strace s9  }
0x27: {  	s1 =	sld [smem:$0x3FAD]  }
0x28: {  	s2 =	sld [smem:$0x3FAE]  }
0x29: {  	s4 =	sld [smem:$0x3FB0]  }
0x2a: {  	p0 =	seq.s32 s5, $0x0;
	s5 =	sld [smem:$0x3FB1]  }
0x2b: {  	s6 =	sld [smem:$0x3FB2]  }
0x2c: {  	s7 =	sld [smem:$0x3FB3]  }
0x2d: {  	s3 =	simm.s32 $0x108;
	s8 =	sld [smem:$0x3FB4]  }
0x2e: {  	s3 =	simm.s32 @!p0 $0x1082;
	s9 =	sld [smem:$0x3FB5]  }
0x2f: {  	lr =	sadd.s32 s0, s3;
	s0 =	sld [smem:$0x3FAC]  }
0x30: {  	s3 =	sld [smem:$0x3FAF]  }
0x31: {  	[smem:$0x3FB8] =	sst s10  }
0x32: {  	s10 =	sld [smem:$0x3FB6];
	_ =	sdelay $0x3  }
0x33: {  	p0 =	seq.s32 s10, $0x1;
	s10 =	sld [smem:$0x3FB8];
	_ =	sdelay $0x3  }
0x34: {  	[smem:$0x3FB8] =	sst s10  }
0x35: {  	s10 =	sld [smem:$0x3FB7];
	_ =	sdelay $0x3  }
0x36: {  	p1 =	seq.s32 s10, $0x1;
	s10 =	sld [smem:$0x3FB8];
	_ =	sdelay $0x3  }
0x37: {  	[smem:$0x3FB8] =	sst s10  }
0x38: {  	s10 =	sld [smem:$0x3FB9]  }
0x39: {  	_ = 	snop;
	(pc) =	sbr.ind lr, $3  }
0x3a: {  	_ = 	snop  }
0x3b: {  	_ = 	snop  }
0x3c: {  	p2 =	seq.s32 s10, $0x1;
	s10 =	sld [smem:$0x3FB8]  }
0x3d: {  	_ =	shalt  }
0x3e: {  	_ =	shalt  }
0x3f: {  	_ =	shalt  }
0x40: {  	_ =	shalt  }
0x41: {  	_ =	shalt  }
0x42: {  	_ =	shalt  }
0x43: {  	_ =	shalt  }
0x44: {  	_ =	shalt  }
0x45: {  	_ =	shalt  }
0x46: {  	_ =	shalt  }
0x47: {  	_ =	shalt  }
0x48: {  	_ =	shalt  }
0x49: {  	_ =	shalt  }
0x4a: {  	_ =	shalt  }
0x4b: {  	_ =	shalt  }
0x4c: {  	_ =	shalt  }
0x4d: {  	_ =	shalt  }
0x4e: {  	_ =	shalt  }
0x4f: {  	_ =	shalt  }
0x50: {  	_ =	shalt  }
0x51: {  	_ =	shalt  }
0x52: {  	_ =	shalt  }
0x53: {  	_ =	shalt  }
0x54: {  	_ =	shalt  }
0x55: {  	_ =	shalt  }
0x56: {  	_ =	shalt  }
0x57: {  	_ =	shalt  }
0x58: {  	_ =	shalt  }
0x59: {  	_ =	shalt  }
0x5a: {  	_ =	shalt  }
0x5b: {  	_ =	shalt  }
0x5c: {  	_ =	shalt  }
0x5d: {  	_ =	shalt  }
0x5e: {  	_ =	shalt  }
0x5f: {  	_ =	shalt  }
0x60: {  	_ =	shalt  }
0x61: {  	_ =	shalt  }
0x62: {  	_ =	shalt  }
0x63: {  	_ =	shalt  }
0x64: {  	_ =	shalt  }
0x65: {  	_ =	shalt  }
0x66: {  	_ =	shalt  }
0x67: {  	_ =	shalt  }
0x68: {  	_ =	shalt  }
0x69: {  	_ =	shalt  }
0x6a: {  	_ =	shalt  }
0x6b: {  	_ =	shalt  }
0x6c: {  	_ =	shalt  }
0x6d: {  	_ =	shalt  }
0x6e: {  	_ =	shalt  }
0x6f: {  	_ =	shalt  }
0x70: {  	_ =	shalt  }
0x71: {  	_ =	shalt  }
0x72: {  	_ =	shalt  }
0x73: {  	_ =	shalt  }
0x74: {  	_ =	shalt  }
0x75: {  	_ =	shalt  }
0x76: {  	_ =	shalt  }
0x77: {  	_ =	shalt  }
0x78: {  	_ =	shalt  }
0x79: {  	_ =	shalt  }
0x7a: {  	_ =	shalt  }
0x7b: {  	_ =	shalt  }
0x7c: {  	_ =	shalt  }
0x7d: {  	_ =	shalt  }
0x7e: {  	_ =	shalt  }
0x7f: {  	_ =	shalt  }
0x80: {  	_ =	shalt  }
0x81: {  	_ =	shalt  }
0x82: {  	_ =	shalt  }
0x83: {  	_ =	shalt  }
0x84: {  	_ =	shalt  }
0x85: {  	_ =	shalt  }
0x86: {  	_ =	shalt  }
0x87: {  	_ =	shalt  }
.Lfunc_end0:
.L_simem_size_0:
called_computation_lowered:
.L_overlay_start_0:
0x88: {  	s2 =	sld [smem:$0x3FD9]  }
0x89: {  	s3 =	sld [smem:$0x3FFE];
	_ =	sdelay $0x1  }
0x8a: {  	s1 =	srdreg.scid  }
0x8b: {  	s0 =	sand.u32 $0x1, s1  }
0x8c: {  	s18 =	sshll.u32 s0, $0xA;
	s2 =	sadd.s32 s3, s2  }
0x8d: {  	s2 =	sadd.s32 s2, s18  }
0x8e: {  	[smem:$0x3FC4] =	sst s2  }
0x8f: {  	_ = 	snop  }
0x90: {  	s2 =	sld [smem:$0x3FC9]  }
0x91: {  	s19 =	sld [smem:$0x3FC8]  }
0x92: {  	s4 =	sld [smem:$0x3FC7]  }
0x93: {  	s5 =	sld [smem:$0x3FC6]  }
0x94: {  	s6 =	sld [smem:$0x3FD0];
	(tm) =	ssettm $0x1  }
0x95: {  	s7 =	sld [smem:$0x3FFB];
	_ =	sdelay $0x3  }
0x96: {  	_ =	strace s7  }
0x97: {  	s7 =	sld [smem:$0x3FFC];
	_ =	sdelay $0x3  }
0x98: {  	_ =	strace s7  }
0x99: {  	s7 =	sld [smem:$0x3FFD];
	_ =	sdelay $0x3  }
0x9a: {  	_ =	strace s7  }
0x9b: {  	_ =	strace $0x8FFFFFFF  }
0x9c: {  	s20 =	sld [smem:$0x3FDB];
	_ =	sdelay $0x1  }
0x9d: {  	s8 =	simm.s32 $_scs_section_size  }
0x9e: {  	s9 =	simm.s32 $_size__tile_overlayer_lowered;
	s10 =	simm.s32 $_tile_overlayer_lowered  }
0x9f: {  	s23 =	simm.s32 $0x1BFF;
	s22 =	sshll.u32 s10, $0x1;
	s7 =	sadd.s32 s8, s20  }
0xa0: {  	s11 =	simm.s32 $0x0;
	s21 =	sshll.u32 s9, $0x1;
	s9 =	sadd.s32 s22, s7  }
0xa1: {  	[timem:s11], [sflag:s23] =	dma.local [hbm:s9], s21  }
0xa2: {  	_ =	swait.ge [sflag:s23], s21  }
0xa3: {  	s8 =	ssub.s32 $0x0, s21;
	[sflag:s23] =	ssyncset.done $0x0  }
0xa4: {  	[sflag:s23] =	ssyncadd.s32 s8;
	_ =	sdelay $0x1  }
0xa5: {  	s24 =	simm.s32 $0x1B8B  }
0xa6: {  	_ =	swait.ge [sflag:s24], $0x1  }
0xa7: {  	[sflag:s24] =	ssyncset.done $0x0  }
0xa8: {  	s25 =	simm.s32 $0x1B8E;
	[sflag:s24] =	ssyncadd.s32 $0xFFFFFFFF  }
0xa9: {  	s26 =	simm.s32 $execute0_lowered;
	[smem:$0x3FD2] =	sst s25  }
0xaa: {  	s8 =	sshll.u32 s26, $0x1;
	_ =	strace $0x80000046;
	[dreg:$0x1] =	wrdreg $0xFFFFFFFF  }
0xab: {  	s28 =	simm.s32 $_size_execute0_lowered;
	s7 =	sadd.s32 s7, s8;
	[dreg:$0x0] =	wrdreg $0x0  }
0xac: {  	s8 =	sshll.u32 s28, $0x1;
	[dreg:$0x2] =	wrdreg s7  }
0xad: {  	[dreg:$0x3] =	wrdreg s8  }
0xae: {  	[dreg:$0x4] =	wrdreg $0xC0  }
0xaf: {  	_ =	task [dreg:s11], $0x5FFFF  }
0xb0: {  	[dreg:$0x1] =	wrdreg $0xFFFFFFFF  }
0xb1: {  	[dreg:$0x0] =	wrdreg $0x60  }
0xb2: {  	[dreg:$0x2] =	wrdreg s2  }
0xb3: {  	[dreg:$0x3] =	wrdreg s19  }
0xb4: {  	[dreg:$0x4] =	wrdreg s4  }
0xb5: {  	[dreg:$0x5] =	wrdreg s5  }
0xb6: {  	[dreg:$0x6] =	wrdreg s6  }
0xb7: {  	[dreg:$0x7] =	wrdreg $0x9  }
0xb8: {  	_ =	task.clear_ibuf [dreg:s11], $0x8FFFF;
	_ =	strace $0x90000046  }
0xb9: {  	s29 =	simm.s32 $0x9;
	_ =	strace $0x80000048  }
0xba: {  	_ =	swait.ge [sflag:s29], $0x1  }
0xbb: {  	[sflag:s29] =	ssyncadd.s32 $0xFFFFFFFF  }
0xbc: {  	_ =	strace $0x90000048  }
0xbd: {  	_ =	sfence  }
0xbe: {  	s30 =	sld [smem:$0x0];
	_ =	sdelay $0x2  }
0xbf: {  	s31 =	sshll.u32 s1, $0xD;
	s1 =	sshrl.u32 s1, $0x2  }
0xc0: {  	s3 =	sand.u32 $0x4000, s31;
	s1 =	sadd.s32 s1, s30  }
0xc1: {  	s0 =	sor.u32 s3, s0;
	s1 =	sshll.u32 s1, $0x11  }
0xc2: {  	s0 =	sor.u32 s1, s0  }
0xc3: {  	s0 =	sadd.s32 $0x8F2B, s0  }
0xc4: {  	[sflag:s0] =	ssyncadd.remote.s32 $0x1  }
0xc5: {  	_ =	sfence.sel $0xFFFF  }
0xc6: {  	[dreg:$0x0] =	wrdreg $0xFFFFFFFF;
	(pc) =	sbr.abs _section_cstart, $3  }
0xc7: {  	[dreg:$0x1] =	wrdreg $0xFFFFFFFF  }
0xc8: {  	_ =	task.clear_ibuf [dreg:s11], $0x2FFFF;
	_ =	strace $0x9FFFFFFF  }
0xc9: {  	(tm) =	ssettm $0x7FFFFFFF  }
tec
execute0_lowered:
.L_overlay_start_1:
0x0: {  	(tag) =	ssettag $0x1  }
0x1: {  	s0 =	rddreg [dreg:$0x0]  }
0x2: {  	s4 =	rddreg [dreg:$0x1]  }
0x3: {  	s1 =	rddreg [dreg:$0x2]  }
0x4: {  	s2 =	rddreg [dreg:$0x3]  }
0x5: {  	s3 =	rddreg [dreg:$0x4];
	s6 =	srdreg.scid  }
0x6: {  	s5 =	simm.s32 $0x0;
	s9 =	stileid.u32;
	s17 =	simm.s32 $0x80  }
0x7: {  	s18 =	simm.s32 $0x400;
	s19 =	simm.s32 $0x7800;
	[smem:$0x7FF] =	sst s5  }
0x8: {  	v0 =	vimm.f32 $1.638400000e+04;
	s20 =	simm.s32 $0xF800;
	s21 =	simm.s32 $0x10000;
	_ =	strace $0x80000047  }
0x9: {  	s22 =	simm.s32 $0x1;
	s23 =	simm.s32 $0x2;
	s28 =	simm.s32 $0x4;
	(erf) = vrcp.f32 v0  }
0xa: {  	s29 =	simm.s32 $0x5;
	s6 =	sand.u32 $0x1, s6;
	s9 =	sshll.u32 s9, $0x1  }
0xb: {  	s30 =	simm.s32 $0x0;
	s7 =	ssub.s32 $0x2, s6;
	s9 =	sor.u32 s6, s9  }
0xc: {  	s8 =	sshrl.u32 s7, $0x1;
	s6 =	sshll.u32 s9, $0x5;
	s10 =	sshll.u32 s9, $0x9  }
0xd: {  	s24 =	sshll.u32 s9, $0xD;
	s25 =	sshll.u32 s9, $0x10;
	s7 =	ssub.s32 s7, s8  }
.Ltmp0:
0xe: {  	s0 =	sadd.s32 s0, s10;
	s8 =	sadd.s32 s2, s24;
	(pc) =	sbr.rel .LBB2_1-.Ltmp0, $4  }
0xf: {  	s4 =	sadd.s32 s4, s10;
	s10 =	sadd.s32 s1, s25;
	[dreg:$0x6] =	wrdreg s0  }
0x10: {  	s24 =	simm.s32 $0xB800;
	[dreg:$0x7] =	wrdreg s4;
	s26 =	sadd.s32 $0x100, s8  }
0x11: {  	s25 =	simm.s32 $0x3;
	s31 =	sadd.s32 $0x10, s10;
	[dreg:$0x8] =	wrdreg s26  }
0x12: {  	v1 =	vimm.f32 $0.0e+00;
	v2 =	vimm.f32 $1.000000000e+00;
	s13 =	smax.u32 s7, $0x1;
	[dreg:$0x9] =	wrdreg s31;
	s26 =	simm.s32 $0x14000;
	v0 =	vpop (erf)  }
.LBB2_30:
0x13: {  	s30 =	sadd.s32 $0x1, s30  }
0x14: {  	_ =	swait.ge [sflag:s28], $0x4000;
	p0 =	sne.s32 s30, s13  }
.Ltmp1:
0x15: {  	[sflag:s28] =	ssyncset.done $0x0;
	(pc) =	sbr.rel @!p0 .LBB2_31-.Ltmp1, $4  }
0x16: {  	[sflag:s28] =	ssyncadd.s32 $0xFFFFC000  }
0x17: {  	_ =	swait.ge [sflag:s29], $0x4000  }
0x18: {  	[sflag:s29] =	ssyncset.done $0x0  }
0x19: {  	[sflag:s29] =	ssyncadd.s32 $0xFFFFC000  }
.LBB2_1:
0x1a: {  	s0 =	rddreg [dreg:$0x6];
	s4 =	simm.s32 $0x5000  }
0x1b: {  	[tilespmem:s4], [sflag:$0x1] =	stream.linear.gather [hbm4b:s0+s5], $0x1000, $0x38;
	[tilespmem:$0x18000] =	vst v63  }
0x1c: {  	s16 =	rddreg [dreg:$0x7];
	s31 =	simm.s32 $0x6000;
	s0 =	simm.s32 $0x40  }
0x1d: {  	[tilespmem:s31], [sflag:$0x1] =	stream.linear.gather [hbm4b:s16+s5], $0x1000, $0x38;
	[tilespmem:$0x18000] =	vst v63  }
0x1e: {  	[tilespmem:s0+$0xFFFFFFC0] =	vst v1  }
0x1f: {  	[tilespmem:s0+$0x30] =	vst v1  }
0x20: {  	[tilespmem:s0+$0x20] =	vst v1  }
0x21: {  	[tilespmem:s0+$0x10] =	vst v1  }
0x22: {  	[tilespmem:s0+$0x0] =	vst v1  }
0x23: {  	[tilespmem:s0+$0xFFFFFFF0] =	vst v1  }
0x24: {  	s4 =	simm.s32 $0x0;
	[tilespmem:s0+$0xFFFFFFE0] =	vst v1  }
.LBB2_2:
0x25: {  	s4 =	sadd.s32 $0x8, s4;
	[tilespmem:s0+$0xFFFFFFD0] =	vst v1;
	s0 =	sadd.s32 $0x80, s0  }
0x26: {  	[tilespmem:s0+$0xFFFFFFC0] =	vst v1;
	p0 =	slt.u32 s4, $0x3F8  }
0x27: {  	[tilespmem:s0+$0x30] =	vst v1  }
.Ltmp2:
0x28: {  	[tilespmem:s0+$0x20] =	vst v1;
	(pc) =	sbr.rel @p0 .LBB2_2-.Ltmp2, $4  }
0x29: {  	[tilespmem:s0+$0x10] =	vst v1  }
0x2a: {  	[tilespmem:s0+$0x0] =	vst v1  }
0x2b: {  	[tilespmem:s0+$0xFFFFFFF0] =	vst v1  }
0x2c: {  	[tilespmem:s0+$0xFFFFFFE0] =	vst v1  }
0x2d: {  	[tilespmem:s0+$0xFFFFFFD0] =	vst v1;
	s31 =	simm.s32 $0x0;
	s14 =	simm.s32 $0x7000  }
0x2e: {  	[tilespmem:s14], [sflag:$0x2] =	stream.linear.gather [hbm4b:s8+s31], $0x800, $0x38;
	[tilespmem:$0x18000] =	vst v63  }
0x2f: {  	_ = 	snop  }
0x30: {  	[tilespmem:s19], [sflag:$0x2] =	stream.strided.gather [hbm4b:s10+s17], $0x4000, s18, s17, $0x38;
	[tilespmem:$0x18000] =	vst v63  }
0x31: {  	s15 =	rddreg [dreg:$0x8]  }
0x32: {  	[tilespmem:s20], [sflag:$0x3] =	stream.linear.gather [hbm4b:s15+s31], $0x800, $0x38;
	[tilespmem:$0x18000] =	vst v63  }
0x33: {  	s16 =	rddreg [dreg:$0x9]  }
0x34: {  	[tilespmem:s21], [sflag:$0x3] =	stream.strided.gather [hbm4b:s16+s17], $0x4000, s18, s17, $0x38;
	[tilespmem:$0x18000] =	vst v63  }
0x35: {  	_ =	swait.ge [sflag:s22], $0x1000  }
0x36: {  	[sflag:s22] =	ssyncset.done $0x0  }
0x37: {  	[sflag:s22] =	ssyncadd.s32 $0xFFFFF000  }
0x38: {  	_ =	swait.ge [sflag:s22], $0x1000  }
0x39: {  	[sflag:s22] =	ssyncset.done $0x0  }
0x3a: {  	[sflag:s22] =	ssyncadd.s32 $0xFFFFF000  }
.LBB2_4:
0x3b: {  	_ =	swait.ge [sflag:s23], $0x800  }
0x3c: {  	[sflag:s23] =	ssyncset.done $0x0  }
0x3d: {  	s0 =	sshll.u32 s31, $0x8;
	[sflag:s23] =	ssyncadd.s32 $0xFFFFF800  }
0x3e: {  	v3 =	vld [tilespmem:s0+$0x6000];
	_ =	sdelay $0x4  }
0x3f: {  	v12 =	vld [tilespmem:s0+$0x5000];
	v3 =	vmul.f32 $5.000000000e-01, v3  }
0x40: {  	v14 =	vld [tilespmem:s0+$0x5010]  }
0x41: {  	v15 =	vld [tilespmem:s0+$0x5020];
	v3 =	vmul.f32 $1.442695020e+00, v3  }
0x42: {  	v13 =	vld [tilespmem:s0+$0x5030]  }
0x43: {  	v9 =	vld [tilespmem:s0+$0x5040];
	(erf) = vpow2.f32 v3  }
0x44: {  	v5 =	vld [tilespmem:s0+$0x6010]  }
0x45: {  	v6 =	vld [tilespmem:s0+$0x5050]  }
0x46: {  	s7 =	simm.s32 $0x7100;
	v4 =	vld [tilespmem:s0+$0x5060]  }
0x47: {  	v7 =	vld [tilespmem:s7+$0xFFFFFF00]  }
0x48: {  	v8 =	vld [tilespmem:s7+$0x80]  }
0x49: {  	v10 =	vld [tilespmem:s7+$0xFFFFFF80];
	v5 =	vmul.f32 $5.000000000e-01, v5  }
0x4a: {  	v11 =	vld [tilespmem:s0+$0x6020]  }
0x4b: {  	v16 =	vld [tilespmem:s0+$0x6030];
	v5 =	vmul.f32 $1.442695020e+00, v5  }
0x4c: {  	v17 =	vld [tilespmem:s0+$0x6040];
	v19 =	vpop (erf)  }
0x4d: {  	v18 =	vld [tilespmem:s0+$0x6050];
	(erf) = vpow2.f32 v5;
	v5 =	vmul.f32 v7, v19  }
0x4e: {  	v21 =	vld [tilespmem:s0+$0x6060];
	v7 =	vmul.f32 v8, v19  }
0x4f: {  	v24 =	vld [tilespmem:s0+$0x6070];
	v32 =	vadd.f32 v5, v12;
	v5 =	vmul.f32 v10, v19  }
0x50: {  	v3 =	vld [tilespmem:s0+$0x5070];
	s0 =	simm.s32 $0x4100;
	v8 =	vadd.f32 v7, v12  }
0x51: {  	v7 =	vld [tilespmem:s7+$0x0];
	[tilespmem:s0+$0xFFFFFF00] =	vst v32;
	v31 =	vadd.f32 v5, v12  }
0x52: {  	[tilespmem:s0+$0x80] =	vst v8;
	v5 =	vld [tilespmem:s7+$0xFFFFFF10]  }
0x53: {  	v10 =	vmul.f32 $5.000000000e-01, v11;
	v11 =	vld [tilespmem:s7+$0x90];
	[tilespmem:s0+$0xFFFFFF80] =	vst v31  }
0x54: {  	v20 =	vld [tilespmem:s7+$0xFFFFFF90]  }
0x55: {  	v10 =	vmul.f32 $1.442695020e+00, v10  }
0x56: {  	v23 =	vpop (erf);
	v7 =	vmul.f32 v7, v19  }
0x57: {  	(erf) = vpow2.f32 v10;
	v5 =	vmul.f32 v5, v23  }
0x58: {  	v36 =	vadd.f32 v7, v12;
	v7 =	vmul.f32 v11, v23  }
0x59: {  	v33 =	vadd.f32 v5, v14;
	v10 =	vmul.f32 v20, v23  }
0x5a: {  	[tilespmem:s0+$0x0] =	vst v36;
	v5 =	vadd.f32 v7, v14  }
0x5b: {  	v7 =	vld [tilespmem:s7+$0x10];
	[tilespmem:s0+$0xFFFFFF10] =	vst v33;
	v45 =	vadd.f32 v10, v14  }
0x5c: {  	[tilespmem:s0+$0x90] =	vst v5;
	v10 =	vld [tilespmem:s7+$0xFFFFFF20]  }
0x5d: {  	v11 =	vmul.f32 $5.000000000e-01, v16;
	v16 =	vld [tilespmem:s7+$0xA0];
	[tilespmem:s0+$0xFFFFFF90] =	vst v45  }
0x5e: {  	v20 =	vld [tilespmem:s7+$0xFFFFFFA0]  }
0x5f: {  	v11 =	vmul.f32 $1.442695020e+00, v11  }
0x60: {  	v26 =	vpop (erf);
	v7 =	vmul.f32 v7, v23  }
0x61: {  	(erf) = vpow2.f32 v11;
	v10 =	vmul.f32 v10, v26  }
0x62: {  	v22 =	vadd.f32 v7, v14;
	v7 =	vmul.f32 v16, v26  }
0x63: {  	v35 =	vadd.f32 v10, v15;
	v10 =	vmul.f32 v20, v26  }
0x64: {  	[tilespmem:s0+$0x10] =	vst v22;
	v7 =	vadd.f32 v7, v15  }
0x65: {  	[tilespmem:s0+$0xFFFFFF20] =	vst v35;
	v39 =	vadd.f32 v10, v15;
	v10 =	vld [tilespmem:s7+$0x20]  }
0x66: {  	[tilespmem:s0+$0xA0] =	vst v7;
	v11 =	vld [tilespmem:s7+$0xFFFFFF30]  }
0x67: {  	v16 =	vmul.f32 $5.000000000e-01, v17;
	v17 =	vld [tilespmem:s7+$0xB0];
	[tilespmem:s0+$0xFFFFFFA0] =	vst v39  }
0x68: {  	v20 =	vld [tilespmem:s7+$0xFFFFFFB0]  }
0x69: {  	v16 =	vmul.f32 $1.442695020e+00, v16  }
0x6a: {  	v29 =	vpop (erf);
	v10 =	vmul.f32 v10, v26  }
0x6b: {  	(erf) = vpow2.f32 v16;
	v11 =	vmul.f32 v11, v29  }
0x6c: {  	v42 =	vadd.f32 v10, v15;
	v10 =	vmul.f32 v17, v29  }
0x6d: {  	v41 =	vadd.f32 v11, v13;
	v11 =	vmul.f32 v20, v29  }
0x6e: {  	[tilespmem:s0+$0x20] =	vst v42;
	v10 =	vadd.f32 v10, v13  }
0x6f: {  	[tilespmem:s0+$0xFFFFFF30] =	vst v41;
	v46 =	vadd.f32 v11, v13;
	v11 =	vld [tilespmem:s7+$0x30]  }
0x70: {  	v16 =	vld [tilespmem:s7+$0xFFFFFF40];
	[tilespmem:s0+$0xB0] =	vst v10  }
0x71: {  	v17 =	vmul.f32 $5.000000000e-01, v18;
	[tilespmem:s0+$0xFFFFFFB0] =	vst v46;
	v18 =	vld [tilespmem:s7+$0xC0]  }
0x72: {  	v25 =	vld [tilespmem:s7+$0xFFFFFFC0]  }
0x73: {  	s14 =	simm.s32 $0x7300;
	v17 =	vmul.f32 $1.442695020e+00, v17  }
0x74: {  	v27 =	vld [tilespmem:s14+$0xFFFFFF00];
	v30 =	vpop (erf);
	v11 =	vmul.f32 v11, v29  }
0x75: {  	(erf) = vpow2.f32 v17;
	v17 =	vld [tilespmem:s14+$0x80];
	v16 =	vmul.f32 v16, v30  }
0x76: {  	v28 =	vld [tilespmem:s14+$0xFFFFFF80];
	v20 =	vadd.f32 v11, v13;
	v11 =	vmul.f32 v18, v30  }
0x77: {  	v43 =	vadd.f32 v16, v9;
	v18 =	vmul.f32 v25, v30  }
0x78: {  	v25 =	vld [tilespmem:s14+$0x0];
	[tilespmem:s0+$0x30] =	vst v20;
	v16 =	vadd.f32 v11, v9  }
0x79: {  	v11 =	vmul.f32 v27, v19;
	[tilespmem:s0+$0xFFFFFF40] =	vst v43;
	v44 =	vadd.f32 v18, v9;
	v18 =	vld [tilespmem:s7+$0x40]  }
0x7a: {  	v27 =	vmul.f32 v17, v19;
	v37 =	vld [tilespmem:s7+$0xFFFFFF50];
	[tilespmem:s0+$0xC0] =	vst v16  }
0x7b: {  	v21 =	vmul.f32 $5.000000000e-01, v21;
	v28 =	vmul.f32 v28, v19;
	v17 =	vadd.f32 v11, v12;
	[tilespmem:s0+$0xFFFFFFC0] =	vst v44;
	v40 =	vld [tilespmem:s7+$0xD0]  }
0x7c: {  	s4 =	simm.s32 $0x4300;
	v11 =	vadd.f32 v27, v12;
	v27 =	vld [tilespmem:s7+$0xFFFFFFD0]  }
0x7d: {  	v38 =	vmul.f32 $1.442695020e+00, v21;
	v21 =	vadd.f32 v28, v12;
	v25 =	vmul.f32 v25, v19;
	[tilespmem:s4+$0xFFFFFF00] =	vst v17  }
0x7e: {  	v34 =	vpop (erf);
	[tilespmem:s4+$0x80] =	vst v11;
	v28 =	vld [tilespmem:s14+$0xFFFFFF10];
	v47 =	vmul.f32 v18, v30  }
0x7f: {  	[tilespmem:s4+$0xFFFFFF80] =	vst v21;
	(erf) = vpow2.f32 v38;
	v18 =	vadd.f32 v25, v12;
	v25 =	vld [tilespmem:s14+$0x90];
	v37 =	vmul.f32 v37, v34  }
0x80: {  	v24 =	vmul.f32 $5.000000000e-01, v24;
	v48 =	vld [tilespmem:s14+$0xFFFFFF90];
	v38 =	vadd.f32 v47, v9;
	v40 =	vmul.f32 v40, v34  }
0x81: {  	[tilespmem:s4+$0x0] =	vst v18;
	v47 =	vadd.f32 v37, v6;
	v27 =	vmul.f32 v27, v34  }
0x82: {  	v59 =	vmul.f32 $1.442695020e+00, v24;
	v49 =	vld [tilespmem:s14+$0x10];
	[tilespmem:s0+$0x40] =	vst v38;
	v24 =	vadd.f32 v40, v6  }
0x83: {  	v51 =	vimm.f32 $-Inf;
	v28 =	vmul.f32 v28, v23;
	[tilespmem:s0+$0xFFFFFF50] =	vst v47;
	v50 =	vadd.f32 v27, v6;
	v60 =	vld [tilespmem:s7+$0x50]  }
0x84: {  	v53 =	vimm.f32 $+Inf;
	v61 =	vmax.f32 v51, v32;
	v25 =	vmul.f32 v25, v23;
	v52 =	vld [tilespmem:s7+$0xFFFFFF60];
	[tilespmem:s0+$0xD0] =	vst v24  }
0x85: {  	v37 =	vmax.f32 v61, v35;
	v27 =	vadd.f32 v28, v14;
	v28 =	vmul.f32 v48, v23;
	[tilespmem:s0+$0xFFFFFFD0] =	vst v50;
	v62 =	vld [tilespmem:s7+$0xE0]  }
0x86: {  	v32 =	vmin.f32 v53, v32;
	v25 =	vadd.f32 v25, v14;
	v54 =	vld [tilespmem:s7+$0xFFFFFFE0]  }
0x87: {  	v56 =	vmin.f32 v53, v33;
	v33 =	vmax.f32 v51, v33;
	[tilespmem:s4+$0xFFFFFF10] =	vst v27;
	v28 =	vadd.f32 v28, v14  }
0x88: {  	v32 =	vmin.f32 v32, v35;
	v55 =	vmax.f32 v37, v43;
	v37 =	vpop (erf);
	v57 =	vld [tilespmem:s14+$0xFFFFFF20];
	[tilespmem:s4+$0x90] =	vst v25;
	v40 =	vmul.f32 v60, v34  }
0x89: {  	v56 =	vmin.f32 v56, v41;
	v32 =	vmin.f32 v32, v43;
	[tilespmem:s4+$0xFFFFFF90] =	vst v28;
	v63 =	vld [tilespmem:s14+$0xA0];
	v52 =	vmul.f32 v52, v37  }
0x8a: {  	(erf) = vpow2.f32 v59;
	v58 =	vld [tilespmem:s14+$0xFFFFFFA0];
	v40 =	vadd.f32 v40, v6;
	v48 =	vmul.f32 v62, v37  }
0x8b: {  	v49 =	vmul.f32 v49, v23;
	v60 =	vadd.f32 v52, v4;
	v61 =	vmul.f32 v54, v37  }
0x8c: {  	v56 =	vmin.f32 v56, v47;
	v54 =	vmax.f32 v33, v41;
	[tilespmem:s0+$0x50] =	vst v40;
	v33 =	vadd.f32 v48, v4  }
0x8d: {  	v41 =	vadd.f32 v49, v14;
	v62 =	vmul.f32 v57, v26;
	[tilespmem:s0+$0xFFFFFF60] =	vst v60;
	v48 =	vadd.f32 v61, v4;
	v49 =	vld [tilespmem:s7+$0x60]  }
0x8e: {  	v51 =	vmul.f32 v63, v26;
	v63 =	vmin.f32 v32, v60;
	v59 =	vmax.f32 v55, v60;
	v55 =	vld [tilespmem:s7+$0xFFFFFF70];
	[tilespmem:s0+$0xE0] =	vst v33  }
0x8f: {  	v35 =	vadd.f32 v62, v15;
	v43 =	vmul.f32 v58, v26;
	v60 =	vmax.f32 v59, v31;
	[tilespmem:s0+$0xFFFFFFE0] =	vst v48;
	v57 =	vld [tilespmem:s7+$0xF0]  }
0x90: {  	[tilespmem:s4+$0x10] =	vst v41;
	v61 =	vmin.f32 v63, v31;
	v32 =	vadd.f32 v51, v15;
	v62 =	vmax.f32 v60, v39;
	v63 =	vld [tilespmem:s7+$0xFFFFFFF0]  }
0x91: {  	v51 =	vmin.f32 v61, v39;
	[tilespmem:s4+$0xFFFFFF20] =	vst v35;
	v31 =	vadd.f32 v43, v15;
	v43 =	vld [tilespmem:s14+$0x20];
	v52 =	vmax.f32 v62, v44  }
0x92: {  	v44 =	vmin.f32 v51, v44;
	v58 =	vld [tilespmem:s14+$0xFFFFFF30];
	[tilespmem:s4+$0xA0] =	vst v32;
	v60 =	vmax.f32 v52, v48;
	v49 =	vmul.f32 v49, v37  }
0x93: {  	v47 =	vmax.f32 v54, v47;
	v39 =	vpop (erf);
	v48 =	vmin.f32 v44, v48;
	[tilespmem:s4+$0xFFFFFFA0] =	vst v31;
	v52 =	vld [tilespmem:s14+$0xB0];
	v61 =	vmax.f32 v60, v36  }
0x94: {  	v48 =	vmin.f32 v48, v36;
	v55 =	vmul.f32 v55, v39;
	v62 =	vld [tilespmem:s14+$0xFFFFFFB0];
	v44 =	vadd.f32 v49, v4  }
0x95: {  	v59 =	vmax.f32 v61, v42;
	v48 =	vmin.f32 v48, v42;
	v49 =	vmul.f32 v57, v39  }
0x96: {  	v53 =	vmul.f32 v63, v39;
	v63 =	vmax.f32 v59, v38;
	v43 =	vmul.f32 v43, v26;
	[tilespmem:s0+$0x60] =	vst v44  }
0x97: {  	v55 =	vadd.f32 v55, v3;
	v57 =	vmax.f32 v63, v44;
	v60 =	vmul.f32 v58, v29;
	v59 =	vld [tilespmem:s7+$0x70]  }
0x98: {  	v58 =	vadd.f32 v53, v3;
	v36 =	vadd.f32 v43, v15;
	v61 =	vmul.f32 v52, v29  }
0x99: {  	[tilespmem:s0+$0xFFFFFF70] =	vst v55;
	v47 =	vmax.f32 v47, v55;
	v42 =	vadd.f32 v60, v13;
	v51 =	vmul.f32 v62, v29  }
0x9a: {  	v62 =	vmin.f32 v56, v55;
	v63 =	vmax.f32 v47, v45;
	[tilespmem:s4+$0x20] =	vst v36;
	v43 =	vadd.f32 v61, v13  }
0x9b: {  	v45 =	vmin.f32 v62, v45;
	v60 =	vmax.f32 v63, v46;
	[tilespmem:s4+$0xFFFFFF30] =	vst v42;
	v47 =	vadd.f32 v51, v13;
	v53 =	vld [tilespmem:s14+$0x30]  }
0x9c: {  	v45 =	vmin.f32 v45, v46;
	v61 =	vmax.f32 v60, v50;
	v54 =	vld [tilespmem:s14+$0xFFFFFF40];
	[tilespmem:s4+$0xB0] =	vst v43;
	v62 =	vmul.f32 v59, v39  }
0x9d: {  	v46 =	vmax.f32 v57, v8;
	v45 =	vmin.f32 v45, v50;
	v63 =	vmax.f32 v61, v58;
	[tilespmem:s4+$0xFFFFFFB0] =	vst v47;
	v52 =	vld [tilespmem:s14+$0xC0]  }
0x9e: {  	s15 =	simm.s32 $0x4;
	s16 =	simm.s32 $0x7500;
	[tilespmem:s0+$0xFFFFFFF0] =	vst v58;
	v56 =	vmin.f32 v45, v58;
	v50 =	vmax.f32 v63, v22;
	v55 =	vld [tilespmem:s14+$0xFFFFFFC0];
	v45 =	vadd.f32 v62, v3  }
.LBB2_5:
0x9f: {  	v56 =	vmin.f32 v56, v22;
	v46 =	vmax.f32 v46, v7  }
0xa0: {  	v51 =	vld [tilespmem:s16+$0x0];
	s15 =	sadd.s32 $0x4, s15;
	v57 =	vadd.f32 v49, v3;
	v22 =	vmovc v41;
	v50 =	vmax.f32 v50, v20;
	v48 =	vmin.f32 v48, v38  }
0xa1: {  	v41 =	vld [tilespmem:s16+$0xFFFFFF00];
	p0 =	slt.u32 s15, $0xC;
	v49 =	vmul.f32 v53, v29;
	v53 =	vmin.f32 v56, v20;
	[tilespmem:s0+$0x70] =	vst v45;
	v60 =	vmax.f32 v46, v16  }
0xa2: {  	v50 =	vmax.f32 v50, v40;
	v56 =	vld [tilespmem:s16+$0x80];
	v54 =	vmul.f32 v54, v30;
	v58 =	vmax.f32 v60, v33;
	[tilespmem:s0+$0xF0] =	vst v57;
	s0 =	smov.u32 s4  }
0xa3: {  	v50 =	vmax.f32 v50, v45;
	v59 =	vld [tilespmem:s16+$0xFFFFFF80];
	v20 =	vadd.f32 v49, v13;
	v49 =	vmul.f32 v52, v30;
	v46 =	vmovc v47  }
0xa4: {  	v40 =	vmin.f32 v53, v40;
	v52 =	vadd.f32 v54, v9;
	v47 =	vmul.f32 v55, v30  }
0xa5: {  	v50 =	vmax.f32 v50, v5;
	v51 =	vmul.f32 v51, v19;
	[tilespmem:s4+$0x30] =	vst v20;
	v54 =	vadd.f32 v49, v9  }
0xa6: {  	v50 =	vmax.f32 v50, v10;
	v41 =	vmul.f32 v41, v19;
	[tilespmem:s4+$0xFFFFFF40] =	vst v52;
	v49 =	vadd.f32 v47, v9;
	v55 =	vld [tilespmem:s14+$0x40]  }
0xa7: {  	v50 =	vmax.f32 v50, v24;
	v47 =	vadd.f32 v51, v12;
	v51 =	vmul.f32 v56, v19;
	v56 =	vld [tilespmem:s14+$0xFFFFFF50];
	[tilespmem:s4+$0xC0] =	vst v54  }
0xa8: {  	v58 =	vmax.f32 v58, v17;
	s4 =	sadd.s32 $0x200, s4;
	v41 =	vadd.f32 v41, v12;
	v59 =	vmul.f32 v59, v19;
	[tilespmem:s0+$0xFFFFFFC0] =	vst v49;
	v60 =	vld [tilespmem:s14+$0xD0]  }
0xa9: {  	v38 =	vmin.f32 v40, v45;
	v53 =	vmax.f32 v50, v57;
	[tilespmem:s4+$0x0] =	vst v47;
	v61 =	vadd.f32 v51, v12;
	v51 =	vld [tilespmem:s14+$0xFFFFFFD0]  }
0xaa: {  	v5 =	vmin.f32 v38, v5;
	[tilespmem:s4+$0xFFFFFF00] =	vst v41;
	v50 =	vadd.f32 v59, v12;
	v59 =	vld [tilespmem:s16+$0x10]  }
0xab: {  	v45 =	vmax.f32 v58, v35;
	v40 =	vld [tilespmem:s16+$0xFFFFFF10];
	[tilespmem:s4+$0x80] =	vst v61;
	v55 =	vmul.f32 v55, v30  }
0xac: {  	v63 =	vmin.f32 v5, v10;
	v62 =	vmax.f32 v45, v52;
	[tilespmem:s4+$0xFFFFFF80] =	vst v50;
	v58 =	vld [tilespmem:s16+$0x90];
	v45 =	vmul.f32 v56, v34  }
0xad: {  	v63 =	vmin.f32 v63, v24;
	v5 =	vmovc v25;
	v56 =	vld [tilespmem:s16+$0xFFFFFF90];
	v38 =	vadd.f32 v55, v9;
	v55 =	vmul.f32 v60, v34  }
0xae: {  	v10 =	vmovc v43;
	v24 =	vmin.f32 v63, v57;
	v60 =	vadd.f32 v45, v6;
	v25 =	vmul.f32 v51, v34  }
0xaf: {  	v45 =	vmin.f32 v24, v27;
	v43 =	vmul.f32 v59, v23;
	[tilespmem:s0+$0x40] =	vst v38;
	v24 =	vadd.f32 v55, v6  }
0xb0: {  	v51 =	vmin.f32 v45, v42;
	v40 =	vmul.f32 v40, v23;
	[tilespmem:s0+$0xFFFFFF50] =	vst v60;
	v45 =	vadd.f32 v25, v6;
	v55 =	vld [tilespmem:s14+$0x50]  }
0xb1: {  	v44 =	vmin.f32 v48, v44;
	v57 =	vmin.f32 v51, v60;
	v25 =	vmul.f32 v58, v23;
	v58 =	vld [tilespmem:s14+$0xFFFFFF60];
	[tilespmem:s0+$0xD0] =	vst v24  }
0xb2: {  	v51 =	vmin.f32 v44, v8;
	v40 =	vadd.f32 v40, v14;
	v48 =	vmul.f32 v56, v23;
	[tilespmem:s0+$0xFFFFFFD0] =	vst v45;
	v56 =	vld [tilespmem:s14+$0xE0]  }
0xb3: {  	v27 =	vmax.f32 v53, v27;
	v8 =	vmovc v11;
	v7 =	vmin.f32 v51, v7;
	v25 =	vadd.f32 v25, v14;
	v44 =	vld [tilespmem:s14+$0xFFFFFFE0]  }
0xb4: {  	v42 =	vmax.f32 v27, v42;
	v7 =	vmin.f32 v7, v16;
	[tilespmem:s4+$0xFFFFFF10] =	vst v40;
	v51 =	vadd.f32 v48, v14  }
0xb5: {  	v11 =	vmovc v61;
	v16 =	vmov v54;
	v63 =	vmin.f32 v7, v33;
	v48 =	vld [tilespmem:s16+$0xFFFFFF20];
	[tilespmem:s4+$0x90] =	vst v25;
	v53 =	vmul.f32 v55, v34  }
0xb6: {  	v59 =	vmin.f32 v63, v17;
	v17 =	vmovc v41;
	v27 =	vmov v40;
	[tilespmem:s4+$0xFFFFFF90] =	vst v51;
	v54 =	vld [tilespmem:s16+$0xA0];
	v33 =	vmul.f32 v58, v37  }
0xb7: {  	v35 =	vmin.f32 v59, v35;
	v7 =	vmovc v32;
	v55 =	vld [tilespmem:s16+$0xFFFFFFA0];
	v40 =	vadd.f32 v53, v6;
	v41 =	vmul.f32 v56, v37  }
0xb8: {  	v32 =	vadd.f32 v33, v4;
	v44 =	vmul.f32 v44, v37  }
0xb9: {  	v35 =	vmin.f32 v35, v52;
	[tilespmem:s0+$0x50] =	vst v40;
	v33 =	vadd.f32 v41, v4  }
0xba: {  	v41 =	vadd.f32 v43, v14;
	v48 =	vmul.f32 v48, v26;
	[tilespmem:s0+$0xFFFFFF60] =	vst v32;
	v43 =	vadd.f32 v44, v4;
	v44 =	vld [tilespmem:s14+$0x60]  }
0xbb: {  	v53 =	vmin.f32 v35, v32;
	v32 =	vmax.f32 v62, v32;
	v52 =	vmul.f32 v54, v26;
	v54 =	vld [tilespmem:s14+$0xFFFFFF70];
	[tilespmem:s0+$0xE0] =	vst v33  }
0xbc: {  	v35 =	vadd.f32 v48, v15;
	v48 =	vmul.f32 v55, v26;
	v55 =	vmax.f32 v32, v21;
	[tilespmem:s0+$0xFFFFFFE0] =	vst v43;
	v56 =	vld [tilespmem:s14+$0xF0]  }
0xbd: {  	v21 =	vmin.f32 v53, v21;
	[tilespmem:s4+$0x10] =	vst v41;
	v32 =	vadd.f32 v52, v15;
	v52 =	vmax.f32 v55, v31;
	v53 =	vld [tilespmem:s14+$0xFFFFFFF0]  }
0xbe: {  	v21 =	vmin.f32 v21, v31;
	[tilespmem:s4+$0xFFFFFF20] =	vst v35;
	v55 =	vld [tilespmem:s16+$0x20];
	v31 =	vadd.f32 v48, v15;
	v48 =	vmax.f32 v52, v49  }
0xbf: {  	v62 =	vmin.f32 v21, v49;
	v52 =	vld [tilespmem:s16+$0xFFFFFF30];
	[tilespmem:s4+$0xA0] =	vst v32;
	v48 =	vmax.f32 v48, v43;
	v44 =	vmul.f32 v44, v37  }
0xc0: {  	v43 =	vmin.f32 v62, v43;
	[tilespmem:s4+$0xFFFFFFA0] =	vst v31;
	v58 =	vld [tilespmem:s16+$0xB0];
	v54 =	vmul.f32 v54, v39;
	v61 =	vmax.f32 v48, v18  }
0xc1: {  	v21 =	vmovc v50;
	v59 =	vld [tilespmem:s16+$0xFFFFFFB0];
	v48 =	vmax.f32 v61, v36;
	v44 =	vadd.f32 v44, v4;
	v49 =	vmul.f32 v56, v39  }
0xc2: {  	v50 =	vadd.f32 v54, v3;
	v53 =	vmul.f32 v53, v39;
	v48 =	vmax.f32 v48, v38  }
0xc3: {  	v54 =	vmul.f32 v55, v26;
	v55 =	vmax.f32 v42, v60;
	[tilespmem:s0+$0x60] =	vst v44;
	v56 =	vmax.f32 v48, v44  }
0xc4: {  	v42 =	vmul.f32 v52, v29;
	[tilespmem:s0+$0xFFFFFF70] =	vst v50;
	v60 =	vadd.f32 v53, v3;
	v53 =	vmin.f32 v43, v18;
	v52 =	vld [tilespmem:s14+$0x70];
	s14 =	smov.u32 s16  }
0xc5: {  	v18 =	vmovc v47;
	v43 =	vmul.f32 v58, v29;
	v48 =	vmin.f32 v53, v36;
	v36 =	vadd.f32 v54, v15  }
0xc6: {  	v53 =	vmax.f32 v55, v50;
	v42 =	vadd.f32 v42, v13;
	v47 =	vmul.f32 v59, v29;
	[tilespmem:s0+$0xFFFFFFF0] =	vst v60  }
.Ltmp3:
0xc7: {  	v50 =	vmin.f32 v57, v50;
	v54 =	vmax.f32 v53, v28;
	[tilespmem:s4+$0x20] =	vst v36;
	v43 =	vadd.f32 v43, v13;
	(pc) =	sbr.rel @p0 .LBB2_5-.Ltmp3, $4  }
0xc8: {  	v28 =	vmin.f32 v50, v28;
	v50 =	vmax.f32 v54, v46;
	[tilespmem:s4+$0xFFFFFF30] =	vst v42;
	v47 =	vadd.f32 v47, v13;
	v53 =	vld [tilespmem:s16+$0x30]  }
0xc9: {  	v59 =	vmin.f32 v28, v46;
	v46 =	vmax.f32 v50, v45;
	v54 =	vld [tilespmem:s16+$0xFFFFFF40];
	[tilespmem:s4+$0xB0] =	vst v43;
	v57 =	vmul.f32 v52, v39  }
0xca: {  	v58 =	vmin.f32 v59, v45;
	v45 =	vmax.f32 v46, v60;
	v46 =	vmax.f32 v56, v8;
	[tilespmem:s4+$0xFFFFFFB0] =	vst v47;
	v52 =	vld [tilespmem:s16+$0xC0]  }
0xcb: {  	v56 =	vmin.f32 v58, v60;
	v28 =	vmovc v51;
	s16 =	sadd.s32 $0x200, s16;
	v50 =	vmax.f32 v45, v22;
	v55 =	vld [tilespmem:s14+$0xFFFFFFC0];
	v45 =	vadd.f32 v57, v3  }
0xcc: {  	_ = 	snop  }
0xcd: {  	v12 =	vmul.f32 v53, v29;
	_ =	sdelay $0x1  }
0xce: {  	v14 =	vmul.f32 v54, v30;
	v12 =	vadd.f32 v12, v13;
	_ =	sdelay $0x1  }
0xcf: {  	v13 =	vadd.f32 v14, v9;
	[tilespmem:s4+$0x30] =	vst v12  }
0xd0: {  	v14 =	vld [tilespmem:s14+$0x40]  }
0xd1: {  	v15 =	vmul.f32 v55, v30;
	[tilespmem:s4+$0xFFFFFF40] =	vst v13  }
0xd2: {  	v19 =	vld [tilespmem:s14+$0xFFFFFF50]  }
0xd3: {  	v15 =	vadd.f32 v15, v9;
	_ =	sdelay $0x1  }
0xd4: {  	[tilespmem:s4+$0xFFFFFFC0] =	vst v15;
	v14 =	vmul.f32 v14, v30  }
0xd5: {  	v23 =	vld [tilespmem:s14+$0xFFFFFFD0]  }
0xd6: {  	v19 =	vmul.f32 v19, v34;
	v14 =	vadd.f32 v14, v9;
	_ =	sdelay $0x1  }
0xd7: {  	v26 =	vmul.f32 v52, v30;
	v19 =	vadd.f32 v19, v6;
	[tilespmem:s4+$0x40] =	vst v14  }
0xd8: {  	v59 =	vld [tilespmem:s14+$0x50]  }
0xd9: {  	v9 =	vadd.f32 v26, v9;
	v23 =	vmul.f32 v23, v34;
	[tilespmem:s4+$0xFFFFFF50] =	vst v19  }
0xda: {  	v60 =	vld [tilespmem:s14+$0xFFFFFF60]  }
0xdb: {  	[tilespmem:s4+$0xC0] =	vst v9;
	v23 =	vadd.f32 v23, v6  }
0xdc: {  	v61 =	vld [tilespmem:s14+$0xD0]  }
0xdd: {  	[tilespmem:s4+$0xFFFFFFD0] =	vst v23;
	v26 =	vmul.f32 v59, v34  }
0xde: {  	v51 =	vld [tilespmem:s14+$0xFFFFFFE0]  }
0xdf: {  	v29 =	vmul.f32 v60, v37;
	v26 =	vadd.f32 v26, v6  }
0xe0: {  	v22 =	vmin.f32 v56, v22  }
0xe1: {  	v38 =	vmin.f32 v48, v38;
	v30 =	vmul.f32 v61, v34;
	v29 =	vadd.f32 v29, v4;
	[tilespmem:s4+$0x50] =	vst v26  }
0xe2: {  	v22 =	vmin.f32 v22, v20;
	v38 =	vmin.f32 v38, v44;
	v62 =	vld [tilespmem:s14+$0x60]  }
0xe3: {  	v22 =	vmin.f32 v22, v40;
	v6 =	vadd.f32 v30, v6;
	v63 =	vmul.f32 v51, v37;
	[tilespmem:s4+$0xFFFFFF60] =	vst v29  }
0xe4: {  	v8 =	vmin.f32 v38, v8;
	v22 =	vmin.f32 v22, v45;
	v52 =	vld [tilespmem:s14+$0xFFFFFF70]  }
0xe5: {  	v8 =	vmin.f32 v8, v7;
	v22 =	vmin.f32 v22, v5;
	[tilespmem:s4+$0xD0] =	vst v6;
	v34 =	vadd.f32 v63, v4  }
0xe6: {  	v49 =	vadd.f32 v49, v3;
	v8 =	vmin.f32 v8, v16;
	v22 =	vmin.f32 v22, v10;
	v53 =	vld [tilespmem:s14+$0xE0]  }
0xe7: {  	v8 =	vmin.f32 v8, v33;
	v22 =	vmin.f32 v22, v24;
	[tilespmem:s4+$0xFFFFFFE0] =	vst v34;
	v30 =	vmul.f32 v62, v37  }
0xe8: {  	v8 =	vmin.f32 v8, v17;
	v22 =	vmin.f32 v22, v49;
	v54 =	vld [tilespmem:s14+$0xFFFFFFF0]  }
0xe9: {  	v8 =	vmin.f32 v8, v35;
	v48 =	vmul.f32 v52, v39;
	v30 =	vadd.f32 v30, v4  }
0xea: {  	v22 =	vmin.f32 v22, v27;
	v8 =	vmin.f32 v8, v13  }
0xeb: {  	v22 =	vmin.f32 v22, v42;
	v55 =	vmul.f32 v53, v37;
	v56 =	vadd.f32 v48, v3;
	[tilespmem:s4+$0x60] =	vst v30  }
0xec: {  	v22 =	vmin.f32 v22, v19;
	v8 =	vmin.f32 v8, v29;
	v57 =	vld [tilespmem:s14+$0x70]  }
0xed: {  	v4 =	vadd.f32 v55, v4;
	v38 =	vmul.f32 v54, v39;
	v22 =	vmin.f32 v22, v56  }
0xee: {  	v8 =	vmin.f32 v8, v21;
	v22 =	vmin.f32 v22, v28  }
0xef: {  	v8 =	vmin.f32 v8, v31;
	[tilespmem:s4+$0xE0] =	vst v4;
	v38 =	vadd.f32 v38, v3;
	v22 =	vmin.f32 v22, v47  }
0xf0: {  	v8 =	vmin.f32 v8, v15;
	v58 =	vld [tilespmem:s14+$0xF0];
	v22 =	vmin.f32 v22, v23  }
0xf1: {  	v8 =	vmin.f32 v8, v34;
	v22 =	vmin.f32 v22, v38;
	v37 =	vmul.f32 v57, v39  }
0xf2: {  	v8 =	vmin.f32 v8, v18;
	v22 =	vmin.f32 v22, v41  }
0xf3: {  	v8 =	vmin.f32 v8, v36;
	v22 =	vmin.f32 v22, v12;
	v37 =	vadd.f32 v37, v3  }
0xf4: {  	v59 =	vmax.f32 v50, v20;
	v8 =	vmin.f32 v8, v14;
	v22 =	vmin.f32 v22, v26  }
0xf5: {  	v8 =	vmin.f32 v8, v30;
	v60 =	vmul.f32 v58, v39;
	v22 =	vmin.f32 v22, v37  }
0xf6: {  	v20 =	vmax.f32 v59, v40;
	v8 =	vmin.f32 v8, v11;
	v22 =	vmin.f32 v22, v25  }
0xf7: {  	v8 =	vmin.f32 v8, v32;
	v39 =	vadd.f32 v60, v3;
	v3 =	vmin.f32 v22, v43  }
0xf8: {  	v20 =	vmax.f32 v20, v45;
	v8 =	vmin.f32 v8, v9;
	v3 =	vmin.f32 v3, v6  }
0xf9: {  	v5 =	vmax.f32 v20, v5;
	v8 =	vmin.f32 v8, v4;
	v3 =	vmin.f32 v3, v39  }
0xfa: {  	v7 =	vmax.f32 v46, v7;
	v5 =	vmax.f32 v5, v10;
	v3 =	vmin.f32 v8, v3  }
0xfb: {  	v7 =	vmax.f32 v7, v16;
	v5 =	vmax.f32 v5, v24;
	v3 =	vsub.f32 $0.0e+00, v3  }
0xfc: {  	v7 =	vmax.f32 v7, v33;
	v5 =	vmax.f32 v5, v49  }
0xfd: {  	v7 =	vmax.f32 v7, v17;
	v5 =	vmax.f32 v5, v27;
	(xrf0) =	vmax.scan.msk.f32 $0xffff, v3  }
0xfe: {  	v5 =	vmax.f32 v5, v42;
	v3 =	vmax.f32 v7, v35  }
0xff: {  	v5 =	vmax.f32 v5, v19;
	v3 =	vmax.f32 v3, v13  }
0x100: {  	v5 =	vmax.f32 v5, v56;
	v3 =	vmax.f32 v3, v29  }
0x101: {  	v5 =	vmax.f32 v5, v28;
	v3 =	vmax.f32 v3, v21  }
0x102: {  	v5 =	vmax.f32 v5, v47;
	v3 =	vmax.f32 v3, v31  }
0x103: {  	v5 =	vmax.f32 v5, v23;
	v3 =	vmax.f32 v3, v15;
	v7, _, _ =	vpop (xrf0)  }
0x104: {  	v5 =	vmax.f32 v5, v38;
	v3 =	vmax.f32 v3, v34;
	(v2sf) =	vpush v7, $0xF  }
0x105: {  	v5 =	vmax.f32 v5, v41;
	v3 =	vmax.f32 v3, v18  }
0x106: {  	v5 =	vmax.f32 v5, v12;
	v3 =	vmax.f32 v3, v36  }
0x107: {  	v5 =	vmax.f32 v5, v26;
	v3 =	vmax.f32 v3, v14  }
0x108: {  	v5 =	vmax.f32 v5, v37;
	v3 =	vmax.f32 v3, v30  }
0x109: {  	v5 =	vmax.f32 v5, v25;
	v3 =	vmax.f32 v3, v11  }
0x10a: {  	v5 =	vmax.f32 v5, v43;
	v3 =	vmax.f32 v3, v32  }
0x10b: {  	v5 =	vmax.f32 v5, v6;
	v3 =	vmax.f32 v3, v9  }
0x10c: {  	v3 =	vmax.f32 v3, v4;
	v4 =	vmax.f32 v5, v39  }
0x10d: {  	v3 =	vmax.f32 v3, v4  }
0x10e: {  	(xrf0) =	vmax.scan.msk.f32 $0xffff, v3;
	_ =	sdelay $0x4  }
0x10f: {  	s7 =	spop (v2sf)  }
0x110: {  	v3, _, _ =	vpop (xrf0);
	s7 =	ssub.f32 $0.0e+00, s7  }
0x111: {  	[tilespmem:s0+$0x70] =	vst v45;
	v4 =	vbroadcast v3, $0xF  }
0x112: {  	[tilespmem:s0+$0xF0] =	vst v49;
	v3 =	vmov s7  }
0x113: {  	[tilespmem:s4+$0xFFFFFF70] =	vst v56;
	v4 =	vsub.f32 v4, v3  }
0x114: {  	[tilespmem:s4+$0xFFFFFFF0] =	vst v38  }
0x115: {  	[tilespmem:s4+$0x70] =	vst v37;
	v4 =	vmul.f32 v4, v0  }
0x116: {  	s0 =	simm.s32 $0x4040;
	[tilespmem:s4+$0xF0] =	vst v39  }
0x117: {  	v10 =	vld [tilespmem:s0+$0x20];
	(erf) = vrcp.f32 v4  }
0x118: {  	v6 =	vld [tilespmem:s0+$0x0]  }
0x119: {  	v5 =	vld [tilespmem:s0+$0x30]  }
0x11a: {  	v4 =	vld [tilespmem:s0+$0xFFFFFFC0]  }
0x11b: {  	v8 =	vld [tilespmem:s0+$0xFFFFFFF0]  }
0x11c: {  	v12 =	vld [tilespmem:s0+$0xFFFFFFE0]  }
0x11d: {  	v7 =	vld [tilespmem:s0+$0xFFFFFFD0]  }
0x11e: {  	v5 =	vsub.f32 v5, v3  }
0x11f: {  	v6 =	vsub.f32 v6, v3;
	v9 =	vsub.f32 v4, v3  }
0x120: {  	v8 =	vsub.f32 v8, v3;
	v10 =	vsub.f32 v10, v3;
	v4 =	vpop (erf)  }
0x121: {  	v12 =	vsub.f32 v12, v3;
	v9 =	vmul.f32 v9, v4;
	v5 =	vmul.f32 v5, v4  }
0x122: {  	v7 =	vsub.f32 v7, v3;
	v6 =	vmul.f32 v6, v4;
	v8 =	vmul.f32 v8, v4  }
0x123: {  	v11 =	vld [tilespmem:s0+$0x10];
	v12 =	vmul.f32 v12, v4;
	v10 =	vmul.f32 v10, v4  }
0x124: {  	v7 =	vmul.f32 v7, v4;
	v9 =	vtrunc.f32 v9  }
0x125: {  	s16 =	simm.s32 $0x40C0;
	v5 =	vtrunc.f32 v5;
	v6 =	vtrunc.f32 v6  }
0x126: {  	v17 =	vld [tilespmem:s16+$0x0];
	v8 =	vtrunc.f32 v8;
	v12 =	vtrunc.f32 v12  }
0x127: {  	v7 =	vtrunc.f32 v7;
	v5 =	vcvt.f32.s32 v5  }
0x128: {  	v11 =	vsub.f32 v11, v3;
	v10 =	vtrunc.f32 v10;
	v9 =	vcvt.f32.s32 v9  }
0x129: {  	v13 =	vld [tilespmem:s16+$0xFFFFFFC0];
	v8 =	vcvt.f32.s32 v8;
	v12 =	vcvt.f32.s32 v12;
	vm0 =	vgt.s32 v5, $0x0  }
0x12a: {  	v63 =	vcvt.f32.s32 v10;
	v14 =	vnsel vm0, $0x0, v5;
	v5 =	vmul.f32 v11, v4;
	v11 =	vld [tilespmem:s16+$0x30]  }
0x12b: {  	v10 =	vcvt.f32.s32 v6;
	v6 =	vsub.f32 v17, v3;
	vm0 =	vgt.s32 v9, $0x0  }
0x12c: {  	v15 =	vld [tilespmem:s16+$0xFFFFFFD0];
	v61 =	vcvt.f32.s32 v7;
	vm1 =	vgt.s32 v63, $0x0;
	v9 =	vnsel vm0, $0x0, v9  }
0x12d: {  	v6 =	vmul.f32 v6, v4;
	v5 =	vtrunc.f32 v5;
	v9 =	vmin.u32 v9, $0x3FFF  }
0x12e: {  	vm0 =	vgt.s32 v8, $0x0;
	v16 =	vcvt.f32.s32 v5;
	v5 =	vsub.f32 v13, v3  }
0x12f: {  	s4 =	simm.s32 $0x4840;
	v19 =	vld [tilespmem:s16+$0x10];
	v14 =	vmin.u32 v14, $0x3FFF;
	v8 =	vnsel vm0, $0x0, v8;
	v11 =	vsub.f32 v11, v3  }
0x130: {  	[tilespmem:s4+$0x30] =	vst v14;
	v13 =	vld [tilespmem:s16+$0x20];
	v8 =	vmin.u32 v8, $0x3FFF;
	vm0 =	vgt.s32 v16, $0x0;
	v18 =	vmul.f32 v5, v4  }
0x131: {  	[tilespmem:s4+$0xFFFFFFC0] =	vst v9;
	v5 =	vsub.f32 v15, v3;
	v7 =	vnsel vm0, $0x0, v16;
	v16 =	vld [tilespmem:s16+$0xFFFFFFF0];
	v62 =	vmul.f32 v11, v4  }
0x132: {  	vm0 =	vgt.s32 v12, $0x0;
	v15 =	vtrunc.f32 v18;
	v18 =	vmin.u32 v7, $0x3FFF;
	[tilespmem:v9+s5+$0x0] =	vst.idx.add.f32.msk $0xffff, v2  }
0x133: {  	[tilespmem:s4+$0xFFFFFFF0] =	vst v8;
	v11 =	vnsel vm0, $0x0, v12;
	v12 =	vld [tilespmem:s16+$0xFFFFFFE0];
	v9 =	vcvt.f32.s32 v15;
	v15 =	vtrunc.f32 v62  }
0x134: {  	v6 =	vtrunc.f32 v6;
	[tilespmem:v14+s5+$0x0] =	vst.idx.add.f32.msk $0xffff, v2;
	vm0 =	vgt.s32 v61, $0x0;
	v17 =	vcvt.f32.s32 v15  }
0x135: {  	v7 =	vsub.f32 v13, v3;
	[tilespmem:s4+$0x10] =	vst v18;
	v13 =	vsub.f32 v19, v3;
	v19 =	vnsel vm1, $0x0, v63  }
0x136: {  	s15 =	simm.s32 $0x8;
	[tilespmem:v8+s5+$0x0] =	vst.idx.add.f32.msk $0xffff, v2;
	v14 =	vmin.u32 v19, $0x3FFF;
	v15 =	vsub.f32 v16, v3;
	vm1 =	vgt.s32 v17, $0x0  }
0x137: {  	s14 =	simm.s32 $0x4840;
	s7 =	simm.s32 $0x4840;
	s16 =	simm.s32 $0x4140;
	v16 =	vnsel vm0, $0x0, v61;
	vm0 =	vgt.s32 v10, $0x0;
	[tilespmem:v18+s5+$0x0] =	vst.idx.add.f32.msk $0xffff, v2;
	v8 =	vnsel vm1, $0x0, v17  }
.LBB2_7:
0x138: {  	v17 =	vld [tilespmem:s16+$0x0];
	s15 =	sadd.s32 $0x8, s15;
	v12 =	vsub.f32 v12, v3;
	v15 =	vmul.f32 v15, v4;
	v16 =	vmin.u32 v16, $0x3FFF;
	s14 =	sadd.s32 $0x80, s14  }
0x139: {  	v13 =	vmul.f32 v13, v4;
	v11 =	vmin.u32 v11, $0x3FFF;
	v10 =	vnsel vm0, $0x0, v10;
	v18 =	vld [tilespmem:s16+$0xFFFFFFC0];
	p0 =	slt.u32 s15, $0x78;
	[tilespmem:s7+$0xFFFFFFD0] =	vst v16  }
0x13a: {  	vm0 =	vgt.s32 v9, $0x0;
	v19 =	vld [tilespmem:s16+$0x30];
	v12 =	vmul.f32 v12, v4;
	v15 =	vtrunc.f32 v15;
	[tilespmem:s7+$0x20] =	vst v14  }
0x13b: {  	v7 =	vmul.f32 v7, v4;
	v9 =	vnsel vm0, $0x0, v9;
	v20 =	vld [tilespmem:s16+$0xFFFFFFD0];
	v15 =	vcvt.f32.s32 v15;
	[tilespmem:s7+$0xFFFFFFE0] =	vst v11  }
0x13c: {  	v10 =	vmin.u32 v10, $0x3FFF;
	v9 =	vmin.u32 v9, $0x3FFF;
	v13 =	vtrunc.f32 v13;
	[tilespmem:v14+s5+$0x0] =	vst.idx.add.f32.msk $0xffff, v2  }
0x13d: {  	v13 =	vcvt.f32.s32 v13;
	vm0 =	vgt.s32 v15, $0x0;
	[tilespmem:v16+s5+$0x0] =	vst.idx.add.f32.msk $0xffff, v2  }
0x13e: {  	v5 =	vmul.f32 v5, v4;
	v12 =	vtrunc.f32 v12;
	v14 =	vsub.f32 v18, v3;
	v16 =	vld [tilespmem:s16+$0x10];
	[tilespmem:s7+$0x0] =	vst v10;
	s7 =	smov.u32 s14  }
0x13f: {  	v12 =	vcvt.f32.s32 v12;
	v15 =	vnsel vm0, $0x0, v15;
	vm0 =	vgt.s32 v13, $0x0;
	v18 =	vld [tilespmem:s16+$0x20];
	[tilespmem:s14+$0xFFFFFFC0] =	vst v9  }
0x140: {  	v21 =	vtrunc.f32 v5;
	v19 =	vsub.f32 v19, v3;
	v14 =	vmul.f32 v14, v4;
	[tilespmem:v11+s5+$0x0] =	vst.idx.add.f32.msk $0xffff, v2  }
0x141: {  	v15 =	vmin.u32 v15, $0x3FFF;
	v5 =	vsub.f32 v20, v3;
	v20 =	vcvt.f32.s32 v21;
	[tilespmem:v10+s5+$0x0] =	vst.idx.add.f32.msk $0xffff, v2  }
0x142: {  	v11 =	vnsel vm0, $0x0, v13;
	v13 =	vtrunc.f32 v7;
	v10 =	vtrunc.f32 v14;
	v14 =	vld [tilespmem:s16+$0xFFFFFFF0];
	[tilespmem:s14+$0xFFFFFFF0] =	vst v15  }
0x143: {  	v8 =	vmin.u32 v8, $0x3FFF;
	vm0 =	vgt.s32 v12, $0x0;
	v21 =	vmin.u32 v11, $0x3FFF;
	[tilespmem:v9+s5+$0x0] =	vst.idx.add.f32.msk $0xffff, v2  }
0x144: {  	v7 =	vsub.f32 v18, v3;
	v18 =	vmul.f32 v19, v4;
	[tilespmem:s14+$0x10] =	vst v21;
	v19 =	vcvt.f32.s32 v13  }
0x145: {  	v11 =	vnsel vm0, $0x0, v12;
	v9 =	vcvt.f32.s32 v10;
	v10 =	vcvt.f32.s32 v6  }
.Ltmp4:
0x146: {  	v6 =	vsub.f32 v17, v3;
	v13 =	vsub.f32 v16, v3;
	v12 =	vld [tilespmem:s16+$0xFFFFFFE0];
	v16 =	vtrunc.f32 v18;
	[tilespmem:s14+$0x30] =	vst v8;
	(pc) =	sbr.rel @p0 .LBB2_7-.Ltmp4, $4  }
0x147: {  	vm0 =	vgt.s32 v20, $0x0;
	vm1 =	vgt.s32 v19, $0x0;
	v17 =	vcvt.f32.s32 v16;
	[tilespmem:v15+s5+$0x0] =	vst.idx.add.f32.msk $0xffff, v2  }
0x148: {  	v6 =	vmul.f32 v6, v4;
	v15 =	vsub.f32 v14, v3;
	v14 =	vnsel vm1, $0x0, v19;
	[tilespmem:v8+s5+$0x0] =	vst.idx.add.f32.msk $0xffff, v2  }
0x149: {  	v16 =	vnsel vm0, $0x0, v20;
	vm0 =	vgt.s32 v10, $0x0;
	vm1 =	vgt.s32 v17, $0x0;
	[tilespmem:v21+s5+$0x0] =	vst.idx.add.f32.msk $0xffff, v2  }
0x14a: {  	s16 =	sadd.s32 $0x80, s16;
	v6 =	vtrunc.f32 v6;
	v14 =	vmin.u32 v14, $0x3FFF;
	v8 =	vnsel vm1, $0x0, v17  }
0x14b: {  	_ = 	snop  }
0x14c: {  	v16 =	vmin.u32 v16, $0x3FFF;
	[tilespmem:s7+$0x20] =	vst v14  }
0x14d: {  	v11 =	vmin.u32 v11, $0x3FFF;
	[tilespmem:s7+$0xFFFFFFD0] =	vst v16  }
0x14e: {  	v15 =	vmul.f32 v15, v4;
	[tilespmem:s7+$0xFFFFFFE0] =	vst v11  }
0x14f: {  	v10 =	vnsel vm0, $0x0, v10;
	vm10 =	vgt.s32 v9, $0x0;
	s9 =	sadd.s32 $0x80, s14;
	v8 =	vmin.u32 v8, $0x3FFF;
	[tilespmem:v14+s5+$0x0] =	vst.idx.add.f32.msk $0xffff, v2  }
0x150: {  	v13 =	vmul.f32 v13, v4;
	v10 =	vmin.u32 v10, $0x3FFF;
	v9 =	vnsel vm10, $0x0, v9;
	[tilespmem:s9+$0x30] =	vst v8  }
0x151: {  	v3 =	vsub.f32 v12, v3;
	v6 =	vcvt.f32.s32 v6;
	v9 =	vmin.u32 v9, $0x3FFF;
	[tilespmem:s7+$0x0] =	vst v10  }
0x152: {  	v7 =	vmul.f32 v7, v4;
	v15 =	vtrunc.f32 v15;
	[tilespmem:s9+$0xFFFFFFC0] =	vst v9  }
0x153: {  	v12 =	vtrunc.f32 v13;
	v3 =	vmul.f32 v3, v4;
	vm15 =	vgt.s32 v6, $0x0;
	[tilespmem:v16+s5+$0x0] =	vst.idx.add.f32.msk $0xffff, v2  }
0x154: {  	v4 =	vmul.f32 v5, v4;
	v14 =	vcvt.f32.s32 v15;
	v6 =	vnsel vm15, $0x0, v6;
	[tilespmem:v11+s5+$0x0] =	vst.idx.add.f32.msk $0xffff, v2  }
0x155: {  	v12 =	vcvt.f32.s32 v12;
	v6 =	vmin.u32 v6, $0x3FFF;
	[tilespmem:v8+s5+$0x0] =	vst.idx.add.f32.msk $0xffff, v2  }
0x156: {  	v7 =	vtrunc.f32 v7;
	v4 =	vtrunc.f32 v4;
	vm11 =	vgt.s32 v14, $0x0;
	[tilespmem:s9+$0x0] =	vst v6  }
0x157: {  	vm12 =	vgt.s32 v12, $0x0;
	v4 =	vcvt.f32.s32 v4;
	v13 =	vnsel vm11, $0x0, v14;
	[tilespmem:v10+s5+$0x0] =	vst.idx.add.f32.msk $0xffff, v2  }
0x158: {  	v3 =	vtrunc.f32 v3;
	v10 =	vnsel vm12, $0x0, v12;
	v5 =	vmin.u32 v13, $0x3FFF;
	[tilespmem:v9+s5+$0x0] =	vst.idx.add.f32.msk $0xffff, v2  }
0x159: {  	v3 =	vcvt.f32.s32 v3;
	v9 =	vmin.u32 v10, $0x3FFF;
	vm1 =	vgt.s32 v4, $0x0;
	[tilespmem:s9+$0xFFFFFFF0] =	vst v5  }
0x15a: {  	v7 =	vcvt.f32.s32 v7;
	[tilespmem:s9+$0x10] =	vst v9;
	v4 =	vnsel vm1, $0x0, v4  }
0x15b: {  	vm14 =	vgt.s32 v3, $0x0;
	v4 =	vmin.u32 v4, $0x3FFF;
	[tilespmem:v6+s5+$0x0] =	vst.idx.add.f32.msk $0xffff, v2  }
0x15c: {  	vm13 =	vgt.s32 v7, $0x0;
	v3 =	vnsel vm14, $0x0, v3;
	[tilespmem:s9+$0xFFFFFFD0] =	vst v4  }
0x15d: {  	v3 =	vmin.u32 v3, $0x3FFF;
	[tilespmem:v5+s5+$0x0] =	vst.idx.add.f32.msk $0xffff, v2;
	v5 =	vnsel vm13, $0x0, v7  }
0x15e: {  	[tilespmem:s9+$0xFFFFFFE0] =	vst v3;
	v5 =	vmin.u32 v5, $0x3FFF  }
0x15f: {  	[tilespmem:v9+s5+$0x0] =	vst.idx.add.f32.msk $0xffff, v2  }
0x160: {  	[tilespmem:s9+$0x20] =	vst v5  }
0x161: {  	[tilespmem:v4+s5+$0x0] =	vst.idx.add.f32.msk $0xffff, v2  }
0x162: {  	[tilespmem:v3+s5+$0x0] =	vst.idx.add.f32.msk $0xffff, v2  }
0x163: {  	[tilespmem:v5+s5+$0x0] =	vst.idx.add.f32.msk $0xffff, v2  }
0x164: {  	v3 =	vld [tilespmem:s4+$0x20]  }
0x165: {  	v4 =	vld [tilespmem:s4+$0x0]  }
0x166: {  	v5 =	vld [tilespmem:s4+$0xFFFFFFE0]  }
0x167: {  	v7 =	vld [tilespmem:s4+$0xFFFFFFC0]  }
0x168: {  	v8 =	vld [tilespmem:s4+$0xFFFFFFD0]  }
0x169: {  	v9 =	vld [tilespmem:s4+$0xFFFFFFF0]  }
0x16a: {  	v13 =	vld [tilespmem:s4+$0x10]  }
0x16b: {  	v14 =	vld [tilespmem:s4+$0x30]  }
0x16c: {  	v3 =	vld.idx.msk [tilespmem:v3+s5+$0x0], $0xffff  }
0x16d: {  	v4 =	vld.idx.msk [tilespmem:v4+s5+$0x0], $0xffff  }
0x16e: {  	v6 =	vld.idx.msk [tilespmem:v5+s5+$0x0], $0xffff  }
0x16f: {  	v11 =	vld.idx.msk [tilespmem:v7+s5+$0x0], $0xffff  }
0x170: {  	v12 =	vld.idx.msk [tilespmem:v8+s5+$0x0], $0xffff  }
0x171: {  	v10 =	vld.idx.msk [tilespmem:v9+s5+$0x0], $0xffff  }
0x172: {  	v7 =	vld.idx.msk [tilespmem:v13+s5+$0x0], $0xffff  }
0x173: {  	s7 =	simm.s32 $0x48C0;
	s4 =	simm.s32 $0x0;
	v8 =	vimm.f32 $0.0e+00;
	v5 =	vld.idx.msk [tilespmem:v14+s5+$0x0], $0xffff;
	v9 =	vimm.f32 $0.0e+00;
	[tilespmem:s0+$0x0] =	vst v4  }
.LBB2_9:
0x174: {  	v13 =	vld [tilespmem:s7+$0x20];
	[tilespmem:s0+$0xFFFFFFE0] =	vst v6  }
0x175: {  	v14 =	vld [tilespmem:s7+$0x0];
	[tilespmem:s0+$0xFFFFFFC0] =	vst v11  }
0x176: {  	v8 =	vmax.f32 v8, v11;
	v9 =	vmax.f32 v9, v12;
	v15 =	vld [tilespmem:s7+$0xFFFFFFE0];
	[tilespmem:s0+$0xFFFFFFD0] =	vst v12  }
0x177: {  	v6 =	vmax.f32 v8, v6;
	v8 =	vmax.f32 v9, v10;
	v11 =	vld [tilespmem:s7+$0xFFFFFFC0];
	[tilespmem:s0+$0xFFFFFFF0] =	vst v10  }
0x178: {  	s4 =	sadd.s32 $0x4, s4;
	v4 =	vmax.f32 v6, v4;
	v6 =	vmax.f32 v8, v7;
	v10 =	vld [tilespmem:s7+$0xFFFFFFD0];
	[tilespmem:s0+$0x10] =	vst v7  }
0x179: {  	p0 =	slt.u32 s4, $0x3C;
	v8 =	vmax.f32 v4, v3;
	v9 =	vmax.f32 v6, v5;
	v7 =	vld [tilespmem:s7+$0xFFFFFFF0];
	[tilespmem:s0+$0x20] =	vst v3  }
0x17a: {  	v16 =	vld [tilespmem:s7+$0x10];
	[tilespmem:s0+$0x30] =	vst v5  }
0x17b: {  	v5 =	vld [tilespmem:s7+$0x30]  }
0x17c: {  	v3 =	vld.idx.msk [tilespmem:v13+s5+$0x0], $0xffff  }
0x17d: {  	v4 =	vld.idx.msk [tilespmem:v14+s5+$0x0], $0xffff  }
0x17e: {  	v6 =	vld.idx.msk [tilespmem:v15+s5+$0x0], $0xffff  }
.Ltmp5:
0x17f: {  	v11 =	vld.idx.msk [tilespmem:v11+s5+$0x0], $0xffff;
	(pc) =	sbr.rel @p0 .LBB2_9-.Ltmp5, $4  }
0x180: {  	v12 =	vld.idx.msk [tilespmem:v10+s5+$0x0], $0xffff  }
0x181: {  	v10 =	vld.idx.msk [tilespmem:v7+s5+$0x0], $0xffff  }
0x182: {  	s0 =	sadd.s32 $0x80, s0;
	v7 =	vld.idx.msk [tilespmem:v16+s5+$0x0], $0xffff  }
0x183: {  	s7 =	sadd.s32 $0x80, s7;
	[tilespmem:s0+$0x0] =	vst v4;
	v5 =	vld.idx.msk [tilespmem:v5+s5+$0x0], $0xffff  }
0x184: {  	[tilespmem:s0+$0xFFFFFFE0] =	vst v6  }
0x185: {  	[tilespmem:s0+$0xFFFFFFC0] =	vst v11;
	v8 =	vmax.f32 v8, v11;
	v9 =	vmax.f32 v9, v12  }
0x186: {  	[tilespmem:s0+$0x20] =	vst v3;
	v6 =	vmax.f32 v8, v6;
	v8 =	vmax.f32 v9, v10  }
0x187: {  	[tilespmem:s0+$0xFFFFFFD0] =	vst v12;
	v4 =	vmax.f32 v6, v4;
	v6 =	vmax.f32 v8, v7  }
0x188: {  	[tilespmem:s0+$0xFFFFFFF0] =	vst v10;
	v4 =	vmax.f32 v4, v3;
	v6 =	vmax.f32 v6, v5  }
0x189: {  	[tilespmem:s0+$0x10] =	vst v7;
	v3 =	vmax.f32 v4, v6  }
0x18a: {  	s7 =	simm.s32 $0x4040;
	[tilespmem:s0+$0x30] =	vst v5;
	(xrf0) =	vmax.scan.msk.f32 $0xffff, v3  }
0x18b: {  	v4 =	vld [tilespmem:s7+$0x20]  }
0x18c: {  	v5 =	vld [tilespmem:s7+$0x30]  }
0x18d: {  	v6 =	vld [tilespmem:s7+$0x10]  }
0x18e: {  	v7 =	vld [tilespmem:s7+$0x0]  }
0x18f: {  	v8 =	vld [tilespmem:s7+$0xFFFFFFD0]  }
0x190: {  	v3, _, _ =	vpop (xrf0)  }
0x191: {  	v9 =	vld [tilespmem:s7+$0xFFFFFFF0];
	(erf) = vrcp.f32 v4;
	v3 =	vbroadcast v3, $0xF  }
0x192: {  	(erf) = vrcp.f32 v5  }
0x193: {  	v10 =	vld [tilespmem:s7+$0xFFFFFFC0];
	(erf) = vrcp.f32 v7;
	v11 =	vsub.f32 v6, v3  }
0x194: {  	(erf) = vrcp.f32 v8;
	v12 =	vsub.f32 v8, v3  }
0x195: {  	(erf) = vrcp.f32 v6;
	v6 =	vmul.f32 $1.442695020e+00, v11  }
0x196: {  	v13 =	vld [tilespmem:s7+$0xFFFFFFE0];
	v5 =	vsub.f32 v5, v3;
	(erf) = vrcp.f32 v9;
	v8 =	vmul.f32 $1.442695020e+00, v12  }
0x197: {  	(erf) = vpow2.f32 v6  }
0x198: {  	v11 =	vsub.f32 v10, v3;
	v5 =	vmul.f32 $1.442695020e+00, v5;
	(erf) = vpow2.f32 v8;
	_ =	sdelay $0x1  }
0x199: {  	s0 =	simm.s32 $0x40C0;
	v6 =	vmul.f32 $1.442695020e+00, v11;
	(erf) = vpow2.f32 v5;
	v5 =	vsub.f32 v9, v3;
	v9 =	vpop (erf)  }
0x19a: {  	v15 =	vld [tilespmem:s0+$0x10];
	v11 =	vsub.f32 v4, v3;
	v8 =	vsub.f32 v13, v3;
	(erf) = vrcp.f32 v13;
	v4 =	vpop (erf)  }
0x19b: {  	(erf) = vpow2.f32 v6;
	v6 =	vsub.f32 v7, v3;
	v21 =	vpop (erf);
	v7 =	vld [tilespmem:s0+$0x20]  }
0x19c: {  	v12 =	vmul.f32 $1.442695020e+00, v8;
	v8 =	vld [tilespmem:s0+$0xFFFFFFC0];
	v13 =	vpop (erf)  }
0x19d: {  	v18 =	vld [tilespmem:s0+$0xFFFFFFD0];
	v5 =	vmul.f32 $1.442695020e+00, v5;
	(erf) = vrcp.f32 v10;
	v24 =	vpop (erf)  }
0x19e: {  	v14 =	vld [tilespmem:s0+$0x30];
	v10 =	vmul.f32 $1.442695020e+00, v11;
	(erf) = vpow2.f32 v12;
	v16 =	vpop (erf)  }
0x19f: {  	v6 =	vmul.f32 $1.442695020e+00, v6;
	(erf) = vpow2.f32 v5;
	v5 =	vld [tilespmem:s0+$0x0];
	v17 =	vpop (erf)  }
0x1a0: {  	v26 =	vsub.f32 v15, v3;
	(erf) = vpow2.f32 v10;
	v12 =	vsub.f32 v7, v3;
	v19 =	vpop (erf)  }
0x1a1: {  	v22 =	vld [tilespmem:s0+$0xFFFFFFF0];
	v10 =	vsub.f32 v8, v3;
	(erf) = vpow2.f32 v6;
	v23 =	vmul.f32 v19, v13  }
0x1a2: {  	v27 =	vsub.f32 v18, v3;
	(erf) = vrcp.f32 v7;
	v6 =	vmul.f32 v17, v24  }
0x1a3: {  	v7 =	vimm.f32 $0.0e+00;
	v11 =	vmul.f32 $1.442695020e+00, v10;
	v20 =	vpop (erf);
	(erf) = vrcp.f32 v14  }
0x1a4: {  	v10 =	vmul.f32 $1.442695020e+00, v12;
	v25 =	vadd.f32 v13, v7;
	v12 =	vpop (erf);
	(erf) = vrcp.f32 v5  }
0x1a5: {  	v28 =	vld [tilespmem:s0+$0xFFFFFFE0];
	v14 =	vsub.f32 v14, v3;
	v13 =	vadd.f32 v23, v7;
	v23 =	vpop (erf);
	(erf) = vrcp.f32 v18  }
0x1a6: {  	v30 =	vsub.f32 v22, v3;
	[tilespmem:s7+$0xFFFFFFD0] =	vst v19;
	v19 =	vmul.f32 $1.442695020e+00, v26;
	v18 =	vpop (erf);
	(erf) = vrcp.f32 v15  }
0x1a7: {  	[tilespmem:s7+$0x10] =	vst v17;
	v26 =	vmul.f32 $1.442695020e+00, v27;
	v15 =	vadd.f32 v18, v7;
	v17 =	vpop (erf);
	(erf) = vrcp.f32 v22  }
0x1a8: {  	[tilespmem:s7+$0x30] =	vst v20;
	v27 =	vmul.f32 $1.442695020e+00, v14;
	v29 =	vmul.f32 v23, v18;
	v18 =	vsub.f32 v5, v3;
	v22 =	vpop (erf)  }
0x1a9: {  	[tilespmem:s7+$0xFFFFFFC0] =	vst v23;
	(erf) = vpow2.f32 v19;
	v14 =	vpop (erf);
	v19 =	vmul.f32 v22, v16;
	v23 =	vadd.f32 v12, v15  }
0x1aa: {  	[tilespmem:s7+$0xFFFFFFE0] =	vst v17;
	(erf) = vpow2.f32 v26;
	v26 =	vsub.f32 v28, v3;
	v15 =	vmul.f32 v20, v4;
	v31 =	vpop (erf)  }
0x1ab: {  	[tilespmem:s7+$0xFFFFFFF0] =	vst v22;
	v22 =	vadd.f32 v29, v7;
	(erf) = vpow2.f32 v27;
	v27 =	vadd.f32 v16, v25;
	v5 =	vpop (erf)  }
0x1ac: {  	[tilespmem:s7+$0x20] =	vst v14;
	v20 =	vadd.f32 v21, v23;
	v25 =	vmul.f32 $1.442695020e+00, v26;
	v23 =	vmul.f32 $1.442695020e+00, v30;
	v16 =	vpop (erf)  }
0x1ad: {  	s4 =	simm.s32 $0x4;
	[tilespmem:s7+$0x0] =	vst v31;
	s7 =	simm.s32 $0x4140;
	(erf) = vrcp.f32 v28;
	v21 =	vmul.f32 v31, v21;
	v24 =	vadd.f32 v24, v27;
	v7 =	vpop (erf)  }
.LBB2_11:
0x1ae: {  	v26 =	vld [tilespmem:s7+$0xFFFFFFC0];
	s4 =	sadd.s32 $0x4, s4;
	(erf) = vpow2.f32 v11;
	v27 =	vpop (erf);
	v11 =	vmul.f32 v17, v12;
	v12 =	vadd.f32 v19, v13  }
0x1af: {  	v17 =	vadd.f32 v9, v20;
	v13 =	vld [tilespmem:s7+$0x20];
	p0 =	slt.u32 s4, $0x3C;
	(erf) = vrcp.f32 v8;
	v28 =	vpop (erf);
	v19 =	vadd.f32 v4, v24  }
0x1b0: {  	v8 =	vmul.f32 $1.442695020e+00, v18;
	v20 =	vld [tilespmem:s7+$0x30];
	(erf) = vpow2.f32 v25;
	v24 =	vpop (erf);
	v11 =	vadd.f32 v11, v22  }
0x1b1: {  	v4 =	vmov v16;
	v6 =	vadd.f32 v6, v12;
	v18 =	vld [tilespmem:s7+$0x10];
	(erf) = vpow2.f32 v23  }
0x1b2: {  	v9 =	vmul.f32 v14, v9;
	v16 =	vld [tilespmem:s7+$0x0];
	v12 =	vpop (erf);
	(erf) = vpow2.f32 v10;
	v10 =	vadd.f32 v21, v11  }
0x1b3: {  	v15 =	vadd.f32 v15, v6;
	v14 =	vld [tilespmem:s7+$0xFFFFFFD0];
	v11 =	vsub.f32 v26, v3;
	[tilespmem:s0+$0x10] =	vst v12;
	v21 =	vpop (erf);
	(erf) = vpow2.f32 v8  }
0x1b4: {  	v6 =	vmul.f32 v12, v28;
	v22 =	vsub.f32 v13, v3;
	(erf) = vrcp.f32 v13;
	[tilespmem:s0+$0xFFFFFFD0] =	vst v21;
	v23 =	vpop (erf)  }
0x1b5: {  	v8 =	vmovc v26;
	v13 =	vmul.f32 v21, v27;
	v21 =	vadd.f32 v9, v10;
	v11 =	vmul.f32 $1.442695020e+00, v11;
	v25 =	vld [tilespmem:s7+$0xFFFFFFF0];
	[tilespmem:s0+$0x30] =	vst v23  }
0x1b6: {  	v9 =	vadd.f32 v27, v19;
	v10 =	vmul.f32 $1.442695020e+00, v22;
	(erf) = vrcp.f32 v20;
	v12 =	vpop (erf)  }
0x1b7: {  	v19 =	vsub.f32 v18, v3;
	v13 =	vadd.f32 v13, v15;
	(erf) = vrcp.f32 v16;
	v15 =	vpop (erf)  }
0x1b8: {  	v20 =	vsub.f32 v20, v3;
	v22 =	vsub.f32 v14, v3;
	v26 =	vld [tilespmem:s7+$0xFFFFFFE0];
	(erf) = vrcp.f32 v14;
	[tilespmem:s0+$0xFFFFFFC0] =	vst v15;
	v14 =	vpop (erf)  }
0x1b9: {  	(erf) = vrcp.f32 v18;
	v27 =	vmul.f32 v15, v14;
	v15 =	vadd.f32 v14, v17;
	v17 =	vpop (erf)  }
0x1ba: {  	v19 =	vmul.f32 $1.442695020e+00, v19;
	v29 =	vsub.f32 v25, v3;
	(erf) = vrcp.f32 v25;
	[tilespmem:s0+$0xFFFFFFE0] =	vst v17;
	v25 =	vpop (erf)  }
0x1bb: {  	v18 =	vsub.f32 v16, v3;
	v16 =	vmul.f32 $1.442695020e+00, v20;
	v31 =	vmul.f32 $1.442695020e+00, v22;
	[tilespmem:s0+$0xFFFFFFF0] =	vst v25;
	v14 =	vpop (erf)  }
.Ltmp6:
0x1bc: {  	v20 =	vadd.f32 v12, v15;
	(erf) = vpow2.f32 v19;
	v19 =	vmul.f32 v25, v24;
	[tilespmem:s0+$0x20] =	vst v14;
	v30 =	vpop (erf);
	(pc) =	sbr.rel @p0 .LBB2_11-.Ltmp6, $4  }
0x1bd: {  	v15 =	vmul.f32 v23, v4;
	v25 =	vsub.f32 v26, v3;
	(erf) = vpow2.f32 v31;
	v22 =	vpop (erf);
	[tilespmem:s0+$0x0] =	vst v30;
	s0 =	smov.u32 s7  }
0x1be: {  	v24 =	vadd.f32 v24, v9;
	v9 =	vmovc v5;
	v20 =	vadd.f32 v7, v20;
	(erf) = vpow2.f32 v16;
	v5 =	vmovc v22  }
0x1bf: {  	v23 =	vmul.f32 $1.442695020e+00, v29;
	v22 =	vadd.f32 v27, v21;
	v25 =	vmul.f32 $1.442695020e+00, v25;
	v16 =	vpop (erf)  }
0x1c0: {  	s7 =	sadd.s32 $0x80, s7;
	v21 =	vmul.f32 v30, v7;
	v24 =	vadd.f32 v28, v24;
	(erf) = vrcp.f32 v26;
	v7 =	vpop (erf)  }
0x1c1: {  	(erf) = vpow2.f32 v11  }
0x1c2: {  	(erf) = vrcp.f32 v8  }
0x1c3: {  	v8 =	vpop (erf);
	(erf) = vpow2.f32 v25  }
0x1c4: {  	v18 =	vmul.f32 $1.442695020e+00, v18;
	v11 =	vpop (erf);
	(erf) = vpow2.f32 v23  }
0x1c5: {  	v45 =	vpop (erf);
	(erf) = vpow2.f32 v10  }
0x1c6: {  	v10 =	vmul.f32 v17, v12;
	v46 =	vpop (erf);
	(erf) = vpow2.f32 v18  }
0x1c7: {  	v13 =	vadd.f32 v19, v13;
	v47 =	vpop (erf)  }
0x1c8: {  	v10 =	vadd.f32 v10, v22;
	v48 =	vpop (erf)  }
0x1c9: {  	v6 =	vadd.f32 v6, v13;
	v49 =	vpop (erf)  }
0x1ca: {  	v14 =	vmul.f32 v14, v9;
	v10 =	vadd.f32 v21, v10;
	v50 =	vpop (erf)  }
0x1cb: {  	v9 =	vadd.f32 v9, v20;
	v6 =	vadd.f32 v15, v6;
	v51 =	vmul.f32 v47, v8;
	v52 =	vpop (erf)  }
0x1cc: {  	v10 =	vadd.f32 v14, v10;
	v53 =	vmul.f32 v50, v52;
	v54 =	vpop (erf)  }
0x1cd: {  	v4 =	vadd.f32 v4, v24;
	v6 =	vadd.f32 v51, v6;
	v55 =	vpop (erf)  }
0x1ce: {  	v58 =	vmul.f32 v54, v49;
	v56 =	vpop (erf);
	v57 =	vmul.f32 v55, v45;
	v10 =	vadd.f32 v53, v10  }
0x1cf: {  	v4 =	vadd.f32 v8, v4;
	v59 =	vmul.f32 v46, v11;
	v8 =	vadd.f32 v52, v9;
	v9 =	vpop (erf)  }
0x1d0: {  	v60 =	vmul.f32 v9, v7;
	v6 =	vadd.f32 v57, v6;
	v10 =	vadd.f32 v58, v10  }
0x1d1: {  	v4 =	vadd.f32 v45, v4;
	v61 =	vmul.f32 v48, v16;
	v8 =	vadd.f32 v49, v8  }
0x1d2: {  	v62 =	vmul.f32 v56, v5;
	v6 =	vadd.f32 v59, v6;
	v10 =	vadd.f32 v60, v10  }
0x1d3: {  	v4 =	vadd.f32 v11, v4;
	v7 =	vadd.f32 v7, v8  }
0x1d4: {  	v6 =	vadd.f32 v61, v6;
	v8 =	vadd.f32 v62, v10  }
0x1d5: {  	v4 =	vadd.f32 v16, v4;
	v5 =	vadd.f32 v5, v7  }
0x1d6: {  	v6 =	vadd.f32 v6, v8  }
0x1d7: {  	v4 =	vadd.f32 v4, v5  }
0x1d8: {  	(xrf2) =	vadd.scan.msk.f32 $0xffff, v6  }
0x1d9: {  	(xrf2) =	vadd.scan.msk.f32 $0xffff, v4  }
0x1da: {  	v3 =	vsub.f32 $0.0e+00, v3;
	_ =	sdelay $0x1  }
0x1db: {  	v3 =	vmul.f32 $1.442695020e+00, v3;
	_ =	sdelay $0x1  }
0x1dc: {  	(erf) = vpow2.f32 v3;
	_ =	sdelay $0x3  }
0x1dd: {  	v3, _, _ =	vpop (xrf2)  }
0x1de: {  	v4, _, _ =	vpop (xrf2)  }
0x1df: {  	v4 =	vsub.f32 $1.638400000e+04, v4;
	_ =	sdelay $0x1  }
0x1e0: {  	v4 =	vbroadcast v4, $0xF  }
0x1e1: {  	v5 =	vpop (erf)  }
0x1e2: {  	v3 =	vbroadcast v3, $0xF;
	v4 =	vmul.f32 v4, v5;
	_ =	sdelay $0x1  }
0x1e3: {  	v3 =	vadd.f32 v4, v3;
	_ =	sdelay $0x1  }
0x1e4: {  	(erf) = vrcp.f32 v3;
	_ =	sdelay $0x1  }
0x1e5: {  	[tilespmem:s0+$0x10] =	vst v46  }
0x1e6: {  	[tilespmem:s0+$0xFFFFFFD0] =	vst v47  }
0x1e7: {  	[tilespmem:s0+$0x30] =	vst v48  }
0x1e8: {  	[tilespmem:s0+$0xFFFFFFC0] =	vst v50  }
0x1e9: {  	[tilespmem:s0+$0xFFFFFFE0] =	vst v54  }
0x1ea: {  	[tilespmem:s0+$0xFFFFFFF0] =	vst v55  }
0x1eb: {  	[tilespmem:s0+$0x20] =	vst v56  }
0x1ec: {  	[tilespmem:s0+$0x0] =	vst v9;
	v3 =	vpop (erf)  }
0x1ed: {  	_ =	swait.ge [sflag:s23], $0x4000  }
0x1ee: {  	p0 =	seq.s32 s31, $0x0;
	[sflag:s23] =	ssyncset.done $0x0  }
0x1ef: {  	s0 =	simm.s32 @!p0 $0x4;
	[sflag:s23] =	ssyncadd.s32 $0xFFFFC000  }
0x1f0: {  	_ =	swait.ge @!p0 [sflag:s0], $0x4000  }
0x1f1: {  	[sflag:s0] =	ssyncset.done @!p0 $0x0  }
0x1f2: {  	s12 =	simm.s32 $0x7840;
	[sflag:s0] =	ssyncadd.s32 @!p0 $0xFFFFC000  }
0x1f3: {  	v4 =	vmul.f32 v3, v5;
	v8 =	vld [tilespmem:s12+$0x30]  }
0x1f4: {  	v9 =	vld [tilespmem:s12+$0xFFFFFFD0]  }
0x1f5: {  	v6 =	vmul.f32 $1.600000000e+01, v4;
	v11 =	vld [tilespmem:s12+$0xFFFFFFE0]  }
0x1f6: {  	vm0 =	vlt.f32 v4, $1.000000010e-10;
	v5 =	vld [tilespmem:s12+$0xFFFFFFF0]  }
0x1f7: {  	s9 =	sshll.u32 s31, $0x5;
	v4 =	vsel vm0, $0x0, v6;
	s0 =	sshll.u32 s31, $0x1;
	v6 =	vld [tilespmem:s12+$0x0]  }
0x1f8: {  	s16 =	simm.s32 $0xB840;
	s11 =	simm.s32 $0x0;
	s4 =	sor.u32 s6, s0;
	v7 =	vld [tilespmem:s12+$0x10];
	v63 =	vmul.f32 v8, v4  }
0x1f9: {  	s15 =	simm.s32 $0x4020;
	s14 =	sand.u32 $0x60, s9;
	s7 =	sshll.u32 s4, $0xB;
	v8 =	vld [tilespmem:s12+$0x20];
	v10 =	vmul.f32 v9, v4  }
0x1fa: {  	s9 =	simm.s32 $0x4820;
	s7 =	sand.u32 $0xFFFC000, s7;
	v9 =	vld [tilespmem:s12+$0xFFFFFFC0];
	v11 =	vmul.f32 v11, v4;
	s12 =	simm.s32 $0x78C0;
	[tilespmem:s16+$0x30] =	vst v63  }
.LBB2_13:
0x1fb: {  	v12 =	vld [tilespmem:s12+$0x30];
	s11 =	sadd.s32 $0x8, s11;
	[tilespmem:s16+$0xFFFFFFD0] =	vst v10;
	v5 =	vmul.f32 v5, v4  }
0x1fc: {  	v10 =	vld [tilespmem:s12+$0xFFFFFFD0];
	p1 =	slt.u32 s11, $0x3F8;
	[tilespmem:s16+$0xFFFFFFE0] =	vst v11;
	v6 =	vmul.f32 v6, v4  }
0x1fd: {  	v11 =	vld [tilespmem:s12+$0xFFFFFFE0];
	[tilespmem:s16+$0xFFFFFFF0] =	vst v5;
	v7 =	vmul.f32 v7, v4  }
.Ltmp7:
0x1fe: {  	v5 =	vld [tilespmem:s12+$0xFFFFFFF0];
	[tilespmem:s16+$0x0] =	vst v6;
	v8 =	vmul.f32 v8, v4;
	(pc) =	sbr.rel @p1 .LBB2_13-.Ltmp7, $4  }
0x1ff: {  	v6 =	vld [tilespmem:s12+$0x0];
	v9 =	vmul.f32 v9, v4;
	[tilespmem:s16+$0x10] =	vst v7  }
0x200: {  	v7 =	vld [tilespmem:s12+$0x10];
	v12 =	vmul.f32 v12, v4;
	[tilespmem:s16+$0x20] =	vst v8  }
0x201: {  	v10 =	vmul.f32 v10, v4;
	v8 =	vld [tilespmem:s12+$0x20];
	[tilespmem:s16+$0xFFFFFFC0] =	vst v9;
	s16 =	sadd.s32 $0x80, s16  }
0x202: {  	v9 =	vld [tilespmem:s12+$0xFFFFFFC0];
	v11 =	vmul.f32 v11, v4;
	[tilespmem:s16+$0x30] =	vst v12;
	s12 =	sadd.s32 $0x80, s12  }
0x203: {  	[tilespmem:s16+$0xFFFFFFD0] =	vst v10;
	v5 =	vmul.f32 v5, v4  }
0x204: {  	[tilespmem:s16+$0xFFFFFFE0] =	vst v11;
	v6 =	vmul.f32 v6, v4  }
0x205: {  	[tilespmem:s16+$0xFFFFFFF0] =	vst v5;
	v5 =	vmul.f32 v7, v4  }
0x206: {  	[tilespmem:s16+$0x0] =	vst v6;
	v6 =	vmul.f32 v8, v4  }
0x207: {  	v4 =	vmul.f32 v9, v4;
	[tilespmem:s16+$0x10] =	vst v5  }
0x208: {  	[tilespmem:s16+$0x20] =	vst v6  }
0x209: {  	[tilespmem:s16+$0xFFFFFFC0] =	vst v4  }
0x20a: {  	v7 =	vld [tilespmem:s9+$0x10]  }
0x20b: {  	v5 =	vld [tilespmem:s9+$0xFFFFFFF0]  }
0x20c: {  	v4 =	vld [tilespmem:s9+$0x0]  }
0x20d: {  	v6 =	vld [tilespmem:s9+$0xFFFFFFE0]  }
0x20e: {  	v8 =	vld [tilespmem:s15+$0x10]  }
0x20f: {  	v10 =	vld [tilespmem:s15+$0xFFFFFFE0]  }
0x210: {  	v15 =	vld [tilespmem:s15+$0xFFFFFFF0]  }
0x211: {  	v12 =	vld [tilespmem:s15+$0x0]  }
0x212: {  	v11 =	vld.idx.msk [tilespmem:v7+s19+$0x0], $0xffff  }
0x213: {  	v14 =	vmul.f32 v8, v3;
	v9 =	vld.idx.msk [tilespmem:v5+s19+$0x0], $0xffff  }
0x214: {  	v13 =	vmul.f32 v10, v3;
	v8 =	vld.idx.msk [tilespmem:v4+s19+$0x0], $0xffff  }
0x215: {  	s16 =	simm.s32 $0x4860;
	s9 =	simm.s32 $0x0;
	v15 =	vmul.f32 v15, v3;
	v16 =	vmul.f32 $1.600000000e+01, v14;
	v10 =	vld.idx.msk [tilespmem:v6+s19+$0x0], $0xffff  }
.LBB2_15:
0x216: {  	v17 =	vld [tilespmem:s16+$0x10];
	v18 =	vmul.f32 $1.600000000e+01, v13;
	v12 =	vmul.f32 v12, v3;
	vm0 =	vlt.f32 v14, $1.000000010e-10  }
0x217: {  	s9 =	sadd.s32 $0x4, s9;
	vm1 =	vlt.f32 v13, $1.000000010e-10;
	v19 =	vld [tilespmem:s16+$0xFFFFFFF0];
	v13 =	vmul.f32 $1.600000000e+01, v15;
	v14 =	vsel vm0, $0x0, v16  }
0x218: {  	p1 =	slt.u32 s9, $0x7C;
	vm0 =	vlt.f32 v15, $1.000000010e-10;
	v20 =	vld [tilespmem:s16+$0x0];
	v15 =	vmul.f32 $1.600000000e+01, v12;
	v11 =	vmul.f32 v14, v11  }
0x219: {  	s15 =	sadd.s32 $0x40, s15;
	v14 =	vsel vm1, $0x0, v18;
	v16 =	vld [tilespmem:s16+$0xFFFFFFE0];
	v13 =	vsel vm0, $0x0, v13;
	vm0 =	vlt.f32 v12, $1.000000010e-10  }
0x21a: {  	v18 =	vld [tilespmem:s15+$0x10];
	v9 =	vmul.f32 v13, v9;
	v12 =	vsel vm0, $0x0, v15;
	[tilespmem:v7+s24+$0x0] =	vst.idx.msk $0xffff, v11  }
0x21b: {  	v10 =	vmul.f32 v14, v10;
	v13 =	vld [tilespmem:s15+$0xFFFFFFE0];
	v15 =	vmul.f32 v12, v8;
	[tilespmem:v7+s5+$0x0] =	vst.idx.msk $0xffff, v1;
	v7 =	vmov v17  }
0x21c: {  	v21 =	vld [tilespmem:s15+$0xFFFFFFF0];
	[tilespmem:v5+s24+$0x0] =	vst.idx.msk $0xffff, v9  }
.Ltmp8:
0x21d: {  	v12 =	vld [tilespmem:s15+$0x0];
	[tilespmem:v6+s24+$0x0] =	vst.idx.msk $0xffff, v10;
	(pc) =	sbr.rel @p1 .LBB2_15-.Ltmp8, $4  }
0x21e: {  	v11 =	vld.idx.msk [tilespmem:v17+s19+$0x0], $0xffff;
	[tilespmem:v6+s5+$0x0] =	vst.idx.msk $0xffff, v1;
	v6 =	vmov v16  }
0x21f: {  	v9 =	vld.idx.msk [tilespmem:v19+s19+$0x0], $0xffff;
	v14 =	vmul.f32 v18, v3;
	[tilespmem:v5+s5+$0x0] =	vst.idx.msk $0xffff, v1;
	v5 =	vmov v19  }
0x220: {  	v13 =	vmul.f32 v13, v3;
	v8 =	vld.idx.msk [tilespmem:v20+s19+$0x0], $0xffff;
	[tilespmem:v4+s24+$0x0] =	vst.idx.msk $0xffff, v15  }
0x221: {  	s16 =	sadd.s32 $0x40, s16;
	v10 =	vld.idx.msk [tilespmem:v16+s19+$0x0], $0xffff;
	v15 =	vmul.f32 v21, v3;
	v16 =	vmul.f32 $1.600000000e+01, v14;
	[tilespmem:v4+s5+$0x0] =	vst.idx.msk $0xffff, v1;
	v4 =	vmov v20  }
0x222: {  	vm0 =	vlt.f32 v14, $1.000000010e-10  }
0x223: {  	v14 =	vmul.f32 $1.600000000e+01, v15;
	v16 =	vsel vm0, $0x0, v16  }
0x224: {  	v17 =	vmul.f32 $1.600000000e+01, v13;
	vm14 =	vlt.f32 v15, $1.000000010e-10;
	v11 =	vmul.f32 v16, v11  }
0x225: {  	v3 =	vmul.f32 v12, v3;
	vm1 =	vlt.f32 v13, $1.000000010e-10;
	v12 =	vsel vm14, $0x0, v14  }
0x226: {  	v13 =	vsel vm1, $0x0, v17;
	v9 =	vmul.f32 v12, v9;
	[tilespmem:v7+s24+$0x0] =	vst.idx.msk $0xffff, v11  }
0x227: {  	v11 =	vmul.f32 $1.600000000e+01, v3;
	v10 =	vmul.f32 v13, v10;
	[tilespmem:v7+s5+$0x0] =	vst.idx.msk $0xffff, v1  }
0x228: {  	vm15 =	vlt.f32 v3, $1.000000010e-10;
	[tilespmem:v5+s24+$0x0] =	vst.idx.msk $0xffff, v9  }
0x229: {  	v3 =	vsel vm15, $0x0, v11;
	[tilespmem:v6+s24+$0x0] =	vst.idx.msk $0xffff, v10  }
0x22a: {  	v3 =	vmul.f32 v3, v8;
	[tilespmem:v6+s5+$0x0] =	vst.idx.msk $0xffff, v1  }
0x22b: {  	[tilespmem:v5+s5+$0x0] =	vst.idx.msk $0xffff, v1  }
0x22c: {  	s9 =	sadd.s32 s3, s14;
	p1 =	seq.s32 s31, $0xF;
	[tilespmem:v4+s24+$0x0] =	vst.idx.msk $0xffff, v3  }
0x22d: {  	s7 =	sadd.s32 s7, s9;
	s4 =	sadd.s32 @!p1 $0x2, s4;
	[tilespmem:v4+s5+$0x0] =	vst.idx.msk $0xffff, v1  }
0x22e: {  	[hbm4b:s7+s17] =	stream.strided.scatter [tilespmem:s24], [sflag:$0x4], $0x4000, s18, s17, $0x38;
	[tilespmem:$0x18000] =	vst v63  }
0x22f: {  	s7 =	sshll.u32 @!p1 s4, $0x8  }
0x230: {  	s7 =	sand.u32 @!p1 $0x1FFFFE00, s7  }
0x231: {  	s9 =	simm.s32 @!p1 $0x0;
	s11 =	simm.s32 @!p1 $0x7000;
	s7 =	sadd.s32 @!p1 s2, s7  }
0x232: {  	[tilespmem:s11], [sflag:$0x2] =	stream.linear.gather @!p1 [hbm4b:s7+s9], $0x800, $0x38;
	[tilespmem:$0x18000] =	vst v63  }
0x233: {  	s7 =	sshll.u32 @!p1 s4, $0x4  }
0x234: {  	s4 =	sshll.u32 @!p1 s4, $0xB;
	s7 =	sand.u32 @!p1 $0x60, s7  }
0x235: {  	s9 =	simm.s32 @!p1 $0x400;
	s4 =	sand.u32 @!p1 $0xFFFC000, s4;
	s7 =	sadd.s32 @!p1 s1, s7  }
0x236: {  	s11 =	simm.s32 @!p1 $0x7800;
	s4 =	sadd.s32 @!p1 s4, s7;
	s7 =	simm.s32 @!p1 $0x80  }
0x237: {  	[tilespmem:s11], [sflag:$0x2] =	stream.strided.gather @!p1 [hbm4b:s4+s7], $0x4000, s9, s7, $0x38;
	[tilespmem:$0x18000] =	vst v63  }
0x238: {  	_ =	swait.ge [sflag:s25], $0x800  }
0x239: {  	s0 =	sor.u32 $0x1, s0;
	[sflag:s25] =	ssyncset.done $0x0  }
0x23a: {  	s15 =	sshll.u32 s0, $0x7;
	[sflag:s25] =	ssyncadd.s32 $0xFFFFF800  }
0x23b: {  	v3 =	vld [tilespmem:s15+$0x6000];
	_ =	sdelay $0x4  }
0x23c: {  	v12 =	vld [tilespmem:s15+$0x5000];
	v3 =	vmul.f32 $5.000000000e-01, v3  }
0x23d: {  	v14 =	vld [tilespmem:s15+$0x5010]  }
0x23e: {  	v15 =	vld [tilespmem:s15+$0x5020];
	v3 =	vmul.f32 $1.442695020e+00, v3  }
0x23f: {  	v13 =	vld [tilespmem:s15+$0x5030]  }
0x240: {  	v9 =	vld [tilespmem:s15+$0x5040];
	(erf) = vpow2.f32 v3  }
0x241: {  	v5 =	vld [tilespmem:s15+$0x6010]  }
0x242: {  	v6 =	vld [tilespmem:s15+$0x5050]  }
0x243: {  	s16 =	simm.s32 $0xF900;
	v4 =	vld [tilespmem:s15+$0x5060]  }
0x244: {  	v7 =	vld [tilespmem:s16+$0xFFFFFF00]  }
0x245: {  	v8 =	vld [tilespmem:s16+$0x80]  }
0x246: {  	v10 =	vld [tilespmem:s16+$0xFFFFFF80];
	v5 =	vmul.f32 $5.000000000e-01, v5  }
0x247: {  	v11 =	vld [tilespmem:s15+$0x6020]  }
0x248: {  	v16 =	vld [tilespmem:s15+$0x6030];
	v5 =	vmul.f32 $1.442695020e+00, v5  }
0x249: {  	v17 =	vld [tilespmem:s15+$0x6040];
	v19 =	vpop (erf)  }
0x24a: {  	v18 =	vld [tilespmem:s15+$0x6050];
	(erf) = vpow2.f32 v5;
	v5 =	vmul.f32 v7, v19  }
0x24b: {  	v21 =	vld [tilespmem:s15+$0x6060];
	v7 =	vmul.f32 v8, v19  }
0x24c: {  	v24 =	vld [tilespmem:s15+$0x6070];
	v32 =	vadd.f32 v5, v12;
	v5 =	vmul.f32 v10, v19  }
0x24d: {  	s4 =	simm.s32 $0x4100;
	v3 =	vld [tilespmem:s15+$0x5070];
	v8 =	vadd.f32 v7, v12  }
0x24e: {  	v7 =	vld [tilespmem:s16+$0x0];
	[tilespmem:s4+$0xFFFFFF00] =	vst v32;
	v31 =	vadd.f32 v5, v12  }
0x24f: {  	[tilespmem:s4+$0x80] =	vst v8;
	v5 =	vld [tilespmem:s16+$0xFFFFFF10]  }
0x250: {  	v10 =	vmul.f32 $5.000000000e-01, v11;
	v11 =	vld [tilespmem:s16+$0x90];
	[tilespmem:s4+$0xFFFFFF80] =	vst v31  }
0x251: {  	v20 =	vld [tilespmem:s16+$0xFFFFFF90]  }
0x252: {  	v10 =	vmul.f32 $1.442695020e+00, v10  }
0x253: {  	v23 =	vpop (erf);
	v7 =	vmul.f32 v7, v19  }
0x254: {  	(erf) = vpow2.f32 v10;
	v5 =	vmul.f32 v5, v23  }
0x255: {  	v36 =	vadd.f32 v7, v12;
	v7 =	vmul.f32 v11, v23  }
0x256: {  	v33 =	vadd.f32 v5, v14;
	v10 =	vmul.f32 v20, v23  }
0x257: {  	[tilespmem:s4+$0x0] =	vst v36;
	v5 =	vadd.f32 v7, v14  }
0x258: {  	v7 =	vld [tilespmem:s16+$0x10];
	[tilespmem:s4+$0xFFFFFF10] =	vst v33;
	v45 =	vadd.f32 v10, v14  }
0x259: {  	[tilespmem:s4+$0x90] =	vst v5;
	v10 =	vld [tilespmem:s16+$0xFFFFFF20]  }
0x25a: {  	v11 =	vmul.f32 $5.000000000e-01, v16;
	v16 =	vld [tilespmem:s16+$0xA0];
	[tilespmem:s4+$0xFFFFFF90] =	vst v45  }
0x25b: {  	v20 =	vld [tilespmem:s16+$0xFFFFFFA0]  }
0x25c: {  	v11 =	vmul.f32 $1.442695020e+00, v11  }
0x25d: {  	v26 =	vpop (erf);
	v7 =	vmul.f32 v7, v23  }
0x25e: {  	(erf) = vpow2.f32 v11;
	v10 =	vmul.f32 v10, v26  }
0x25f: {  	v22 =	vadd.f32 v7, v14;
	v7 =	vmul.f32 v16, v26  }
0x260: {  	v35 =	vadd.f32 v10, v15;
	v10 =	vmul.f32 v20, v26  }
0x261: {  	[tilespmem:s4+$0x10] =	vst v22;
	v7 =	vadd.f32 v7, v15  }
0x262: {  	[tilespmem:s4+$0xFFFFFF20] =	vst v35;
	v39 =	vadd.f32 v10, v15;
	v10 =	vld [tilespmem:s16+$0x20]  }
0x263: {  	[tilespmem:s4+$0xA0] =	vst v7;
	v11 =	vld [tilespmem:s16+$0xFFFFFF30]  }
0x264: {  	v16 =	vmul.f32 $5.000000000e-01, v17;
	v17 =	vld [tilespmem:s16+$0xB0];
	[tilespmem:s4+$0xFFFFFFA0] =	vst v39  }
0x265: {  	v20 =	vld [tilespmem:s16+$0xFFFFFFB0]  }
0x266: {  	v16 =	vmul.f32 $1.442695020e+00, v16  }
0x267: {  	v29 =	vpop (erf);
	v10 =	vmul.f32 v10, v26  }
0x268: {  	(erf) = vpow2.f32 v16;
	v11 =	vmul.f32 v11, v29  }
0x269: {  	v42 =	vadd.f32 v10, v15;
	v10 =	vmul.f32 v17, v29  }
0x26a: {  	v41 =	vadd.f32 v11, v13;
	v11 =	vmul.f32 v20, v29  }
0x26b: {  	[tilespmem:s4+$0x20] =	vst v42;
	v10 =	vadd.f32 v10, v13  }
0x26c: {  	[tilespmem:s4+$0xFFFFFF30] =	vst v41;
	v46 =	vadd.f32 v11, v13;
	v11 =	vld [tilespmem:s16+$0x30]  }
0x26d: {  	v16 =	vld [tilespmem:s16+$0xFFFFFF40];
	[tilespmem:s4+$0xB0] =	vst v10  }
0x26e: {  	v17 =	vmul.f32 $5.000000000e-01, v18;
	[tilespmem:s4+$0xFFFFFFB0] =	vst v46;
	v18 =	vld [tilespmem:s16+$0xC0]  }
0x26f: {  	v25 =	vld [tilespmem:s16+$0xFFFFFFC0]  }
0x270: {  	s15 =	simm.s32 $0xFB00;
	v17 =	vmul.f32 $1.442695020e+00, v17  }
0x271: {  	v27 =	vld [tilespmem:s15+$0xFFFFFF00];
	v30 =	vpop (erf);
	v11 =	vmul.f32 v11, v29  }
0x272: {  	(erf) = vpow2.f32 v17;
	v17 =	vld [tilespmem:s15+$0x80];
	v16 =	vmul.f32 v16, v30  }
0x273: {  	v28 =	vld [tilespmem:s15+$0xFFFFFF80];
	v20 =	vadd.f32 v11, v13;
	v11 =	vmul.f32 v18, v30  }
0x274: {  	v43 =	vadd.f32 v16, v9;
	v18 =	vmul.f32 v25, v30  }
0x275: {  	v25 =	vld [tilespmem:s15+$0x0];
	[tilespmem:s4+$0x30] =	vst v20;
	v16 =	vadd.f32 v11, v9  }
0x276: {  	v11 =	vmul.f32 v27, v19;
	[tilespmem:s4+$0xFFFFFF40] =	vst v43;
	v44 =	vadd.f32 v18, v9;
	v18 =	vld [tilespmem:s16+$0x40]  }
0x277: {  	v27 =	vmul.f32 v17, v19;
	v37 =	vld [tilespmem:s16+$0xFFFFFF50];
	[tilespmem:s4+$0xC0] =	vst v16  }
0x278: {  	v21 =	vmul.f32 $5.000000000e-01, v21;
	v28 =	vmul.f32 v28, v19;
	v17 =	vadd.f32 v11, v12;
	[tilespmem:s4+$0xFFFFFFC0] =	vst v44;
	v40 =	vld [tilespmem:s16+$0xD0]  }
0x279: {  	s14 =	simm.s32 $0x4300;
	v11 =	vadd.f32 v27, v12;
	v27 =	vld [tilespmem:s16+$0xFFFFFFD0]  }
0x27a: {  	v38 =	vmul.f32 $1.442695020e+00, v21;
	v21 =	vadd.f32 v28, v12;
	v25 =	vmul.f32 v25, v19;
	[tilespmem:s14+$0xFFFFFF00] =	vst v17  }
0x27b: {  	v34 =	vpop (erf);
	[tilespmem:s14+$0x80] =	vst v11;
	v28 =	vld [tilespmem:s15+$0xFFFFFF10];
	v47 =	vmul.f32 v18, v30  }
0x27c: {  	[tilespmem:s14+$0xFFFFFF80] =	vst v21;
	(erf) = vpow2.f32 v38;
	v18 =	vadd.f32 v25, v12;
	v25 =	vld [tilespmem:s15+$0x90];
	v37 =	vmul.f32 v37, v34  }
0x27d: {  	v24 =	vmul.f32 $5.000000000e-01, v24;
	v48 =	vld [tilespmem:s15+$0xFFFFFF90];
	v38 =	vadd.f32 v47, v9;
	v40 =	vmul.f32 v40, v34  }
0x27e: {  	[tilespmem:s14+$0x0] =	vst v18;
	v47 =	vadd.f32 v37, v6;
	v27 =	vmul.f32 v27, v34  }
0x27f: {  	v59 =	vmul.f32 $1.442695020e+00, v24;
	v49 =	vld [tilespmem:s15+$0x10];
	[tilespmem:s4+$0x40] =	vst v38;
	v24 =	vadd.f32 v40, v6  }
0x280: {  	v51 =	vimm.f32 $-Inf;
	v28 =	vmul.f32 v28, v23;
	[tilespmem:s4+$0xFFFFFF50] =	vst v47;
	v50 =	vadd.f32 v27, v6;
	v60 =	vld [tilespmem:s16+$0x50]  }
0x281: {  	v53 =	vimm.f32 $+Inf;
	v61 =	vmax.f32 v51, v32;
	v25 =	vmul.f32 v25, v23;
	v52 =	vld [tilespmem:s16+$0xFFFFFF60];
	[tilespmem:s4+$0xD0] =	vst v24  }
0x282: {  	v37 =	vmax.f32 v61, v35;
	v27 =	vadd.f32 v28, v14;
	v28 =	vmul.f32 v48, v23;
	[tilespmem:s4+$0xFFFFFFD0] =	vst v50;
	v62 =	vld [tilespmem:s16+$0xE0]  }
0x283: {  	v32 =	vmin.f32 v53, v32;
	v25 =	vadd.f32 v25, v14;
	v54 =	vld [tilespmem:s16+$0xFFFFFFE0]  }
0x284: {  	v56 =	vmin.f32 v53, v33;
	v33 =	vmax.f32 v51, v33;
	[tilespmem:s14+$0xFFFFFF10] =	vst v27;
	v28 =	vadd.f32 v28, v14  }
0x285: {  	v32 =	vmin.f32 v32, v35;
	v55 =	vmax.f32 v37, v43;
	v37 =	vpop (erf);
	v57 =	vld [tilespmem:s15+$0xFFFFFF20];
	[tilespmem:s14+$0x90] =	vst v25;
	v40 =	vmul.f32 v60, v34  }
0x286: {  	v56 =	vmin.f32 v56, v41;
	v32 =	vmin.f32 v32, v43;
	[tilespmem:s14+$0xFFFFFF90] =	vst v28;
	v63 =	vld [tilespmem:s15+$0xA0];
	v52 =	vmul.f32 v52, v37  }
0x287: {  	(erf) = vpow2.f32 v59;
	v58 =	vld [tilespmem:s15+$0xFFFFFFA0];
	v40 =	vadd.f32 v40, v6;
	v48 =	vmul.f32 v62, v37  }
0x288: {  	v49 =	vmul.f32 v49, v23;
	v60 =	vadd.f32 v52, v4;
	v61 =	vmul.f32 v54, v37  }
0x289: {  	v56 =	vmin.f32 v56, v47;
	v54 =	vmax.f32 v33, v41;
	[tilespmem:s4+$0x50] =	vst v40;
	v33 =	vadd.f32 v48, v4  }
0x28a: {  	v41 =	vadd.f32 v49, v14;
	v62 =	vmul.f32 v57, v26;
	[tilespmem:s4+$0xFFFFFF60] =	vst v60;
	v48 =	vadd.f32 v61, v4;
	v49 =	vld [tilespmem:s16+$0x60]  }
0x28b: {  	v51 =	vmul.f32 v63, v26;
	v63 =	vmin.f32 v32, v60;
	v59 =	vmax.f32 v55, v60;
	v55 =	vld [tilespmem:s16+$0xFFFFFF70];
	[tilespmem:s4+$0xE0] =	vst v33  }
0x28c: {  	v35 =	vadd.f32 v62, v15;
	v43 =	vmul.f32 v58, v26;
	v60 =	vmax.f32 v59, v31;
	[tilespmem:s4+$0xFFFFFFE0] =	vst v48;
	v57 =	vld [tilespmem:s16+$0xF0]  }
0x28d: {  	[tilespmem:s14+$0x10] =	vst v41;
	v61 =	vmin.f32 v63, v31;
	v32 =	vadd.f32 v51, v15;
	v62 =	vmax.f32 v60, v39;
	v63 =	vld [tilespmem:s16+$0xFFFFFFF0]  }
0x28e: {  	v51 =	vmin.f32 v61, v39;
	[tilespmem:s14+$0xFFFFFF20] =	vst v35;
	v31 =	vadd.f32 v43, v15;
	v43 =	vld [tilespmem:s15+$0x20];
	v52 =	vmax.f32 v62, v44  }
0x28f: {  	v44 =	vmin.f32 v51, v44;
	v58 =	vld [tilespmem:s15+$0xFFFFFF30];
	[tilespmem:s14+$0xA0] =	vst v32;
	v60 =	vmax.f32 v52, v48;
	v49 =	vmul.f32 v49, v37  }
0x290: {  	v47 =	vmax.f32 v54, v47;
	v39 =	vpop (erf);
	v48 =	vmin.f32 v44, v48;
	[tilespmem:s14+$0xFFFFFFA0] =	vst v31;
	v52 =	vld [tilespmem:s15+$0xB0];
	v61 =	vmax.f32 v60, v36  }
0x291: {  	v48 =	vmin.f32 v48, v36;
	v55 =	vmul.f32 v55, v39;
	v62 =	vld [tilespmem:s15+$0xFFFFFFB0];
	v44 =	vadd.f32 v49, v4  }
0x292: {  	v59 =	vmax.f32 v61, v42;
	v48 =	vmin.f32 v48, v42;
	v49 =	vmul.f32 v57, v39  }
0x293: {  	v53 =	vmul.f32 v63, v39;
	v63 =	vmax.f32 v59, v38;
	v43 =	vmul.f32 v43, v26;
	[tilespmem:s4+$0x60] =	vst v44  }
0x294: {  	v55 =	vadd.f32 v55, v3;
	v57 =	vmax.f32 v63, v44;
	v60 =	vmul.f32 v58, v29;
	v59 =	vld [tilespmem:s16+$0x70]  }
0x295: {  	v58 =	vadd.f32 v53, v3;
	v36 =	vadd.f32 v43, v15;
	v61 =	vmul.f32 v52, v29  }
0x296: {  	[tilespmem:s4+$0xFFFFFF70] =	vst v55;
	v47 =	vmax.f32 v47, v55;
	v42 =	vadd.f32 v60, v13;
	v51 =	vmul.f32 v62, v29  }
0x297: {  	v62 =	vmin.f32 v56, v55;
	v63 =	vmax.f32 v47, v45;
	[tilespmem:s14+$0x20] =	vst v36;
	v43 =	vadd.f32 v61, v13  }
0x298: {  	v45 =	vmin.f32 v62, v45;
	v60 =	vmax.f32 v63, v46;
	[tilespmem:s14+$0xFFFFFF30] =	vst v42;
	v47 =	vadd.f32 v51, v13;
	v53 =	vld [tilespmem:s15+$0x30]  }
0x299: {  	v45 =	vmin.f32 v45, v46;
	v61 =	vmax.f32 v60, v50;
	v54 =	vld [tilespmem:s15+$0xFFFFFF40];
	[tilespmem:s14+$0xB0] =	vst v43;
	v62 =	vmul.f32 v59, v39  }
0x29a: {  	v46 =	vmax.f32 v57, v8;
	v45 =	vmin.f32 v45, v50;
	v63 =	vmax.f32 v61, v58;
	[tilespmem:s14+$0xFFFFFFB0] =	vst v47;
	v52 =	vld [tilespmem:s15+$0xC0]  }
0x29b: {  	s7 =	simm.s32 $0xFD00;
	s16 =	simm.s32 $0x4;
	[tilespmem:s4+$0xFFFFFFF0] =	vst v58;
	v56 =	vmin.f32 v45, v58;
	v50 =	vmax.f32 v63, v22;
	v55 =	vld [tilespmem:s15+$0xFFFFFFC0];
	v45 =	vadd.f32 v62, v3  }
.LBB2_17:
0x29c: {  	v56 =	vmin.f32 v56, v22;
	v46 =	vmax.f32 v46, v7  }
0x29d: {  	v51 =	vld [tilespmem:s7+$0x0];
	s16 =	sadd.s32 $0x4, s16;
	v57 =	vadd.f32 v49, v3;
	v22 =	vmovc v41;
	v50 =	vmax.f32 v50, v20;
	v48 =	vmin.f32 v48, v38  }
0x29e: {  	v41 =	vld [tilespmem:s7+$0xFFFFFF00];
	p2 =	slt.u32 s16, $0xC;
	v49 =	vmul.f32 v53, v29;
	v53 =	vmin.f32 v56, v20;
	[tilespmem:s4+$0x70] =	vst v45;
	v60 =	vmax.f32 v46, v16  }
0x29f: {  	v50 =	vmax.f32 v50, v40;
	v56 =	vld [tilespmem:s7+$0x80];
	v54 =	vmul.f32 v54, v30;
	v58 =	vmax.f32 v60, v33;
	[tilespmem:s4+$0xF0] =	vst v57;
	s4 =	smov.u32 s14  }
0x2a0: {  	v50 =	vmax.f32 v50, v45;
	v59 =	vld [tilespmem:s7+$0xFFFFFF80];
	v20 =	vadd.f32 v49, v13;
	v49 =	vmul.f32 v52, v30;
	v46 =	vmovc v47  }
0x2a1: {  	v40 =	vmin.f32 v53, v40;
	v52 =	vadd.f32 v54, v9;
	v47 =	vmul.f32 v55, v30  }
0x2a2: {  	v50 =	vmax.f32 v50, v5;
	v51 =	vmul.f32 v51, v19;
	[tilespmem:s14+$0x30] =	vst v20;
	v54 =	vadd.f32 v49, v9  }
0x2a3: {  	v50 =	vmax.f32 v50, v10;
	v41 =	vmul.f32 v41, v19;
	[tilespmem:s14+$0xFFFFFF40] =	vst v52;
	v49 =	vadd.f32 v47, v9;
	v55 =	vld [tilespmem:s15+$0x40]  }
0x2a4: {  	v50 =	vmax.f32 v50, v24;
	v47 =	vadd.f32 v51, v12;
	v51 =	vmul.f32 v56, v19;
	v56 =	vld [tilespmem:s15+$0xFFFFFF50];
	[tilespmem:s14+$0xC0] =	vst v54  }
0x2a5: {  	v58 =	vmax.f32 v58, v17;
	s14 =	sadd.s32 $0x200, s14;
	v41 =	vadd.f32 v41, v12;
	v59 =	vmul.f32 v59, v19;
	[tilespmem:s4+$0xFFFFFFC0] =	vst v49;
	v60 =	vld [tilespmem:s15+$0xD0]  }
0x2a6: {  	v38 =	vmin.f32 v40, v45;
	v53 =	vmax.f32 v50, v57;
	[tilespmem:s14+$0x0] =	vst v47;
	v61 =	vadd.f32 v51, v12;
	v51 =	vld [tilespmem:s15+$0xFFFFFFD0]  }
0x2a7: {  	v5 =	vmin.f32 v38, v5;
	[tilespmem:s14+$0xFFFFFF00] =	vst v41;
	v50 =	vadd.f32 v59, v12;
	v59 =	vld [tilespmem:s7+$0x10]  }
0x2a8: {  	v45 =	vmax.f32 v58, v35;
	v40 =	vld [tilespmem:s7+$0xFFFFFF10];
	[tilespmem:s14+$0x80] =	vst v61;
	v55 =	vmul.f32 v55, v30  }
0x2a9: {  	v63 =	vmin.f32 v5, v10;
	v62 =	vmax.f32 v45, v52;
	[tilespmem:s14+$0xFFFFFF80] =	vst v50;
	v58 =	vld [tilespmem:s7+$0x90];
	v45 =	vmul.f32 v56, v34  }
0x2aa: {  	v63 =	vmin.f32 v63, v24;
	v5 =	vmovc v25;
	v56 =	vld [tilespmem:s7+$0xFFFFFF90];
	v38 =	vadd.f32 v55, v9;
	v55 =	vmul.f32 v60, v34  }
0x2ab: {  	v10 =	vmovc v43;
	v24 =	vmin.f32 v63, v57;
	v60 =	vadd.f32 v45, v6;
	v25 =	vmul.f32 v51, v34  }
0x2ac: {  	v45 =	vmin.f32 v24, v27;
	v43 =	vmul.f32 v59, v23;
	[tilespmem:s4+$0x40] =	vst v38;
	v24 =	vadd.f32 v55, v6  }
0x2ad: {  	v51 =	vmin.f32 v45, v42;
	v40 =	vmul.f32 v40, v23;
	[tilespmem:s4+$0xFFFFFF50] =	vst v60;
	v45 =	vadd.f32 v25, v6;
	v55 =	vld [tilespmem:s15+$0x50]  }
0x2ae: {  	v44 =	vmin.f32 v48, v44;
	v57 =	vmin.f32 v51, v60;
	v25 =	vmul.f32 v58, v23;
	v58 =	vld [tilespmem:s15+$0xFFFFFF60];
	[tilespmem:s4+$0xD0] =	vst v24  }
0x2af: {  	v51 =	vmin.f32 v44, v8;
	v40 =	vadd.f32 v40, v14;
	v48 =	vmul.f32 v56, v23;
	[tilespmem:s4+$0xFFFFFFD0] =	vst v45;
	v56 =	vld [tilespmem:s15+$0xE0]  }
0x2b0: {  	v27 =	vmax.f32 v53, v27;
	v8 =	vmovc v11;
	v7 =	vmin.f32 v51, v7;
	v25 =	vadd.f32 v25, v14;
	v44 =	vld [tilespmem:s15+$0xFFFFFFE0]  }
0x2b1: {  	v42 =	vmax.f32 v27, v42;
	v7 =	vmin.f32 v7, v16;
	[tilespmem:s14+$0xFFFFFF10] =	vst v40;
	v51 =	vadd.f32 v48, v14  }
0x2b2: {  	v11 =	vmovc v61;
	v16 =	vmov v54;
	v63 =	vmin.f32 v7, v33;
	v48 =	vld [tilespmem:s7+$0xFFFFFF20];
	[tilespmem:s14+$0x90] =	vst v25;
	v53 =	vmul.f32 v55, v34  }
0x2b3: {  	v59 =	vmin.f32 v63, v17;
	v17 =	vmovc v41;
	v27 =	vmov v40;
	[tilespmem:s14+$0xFFFFFF90] =	vst v51;
	v54 =	vld [tilespmem:s7+$0xA0];
	v33 =	vmul.f32 v58, v37  }
0x2b4: {  	v35 =	vmin.f32 v59, v35;
	v7 =	vmovc v32;
	v55 =	vld [tilespmem:s7+$0xFFFFFFA0];
	v40 =	vadd.f32 v53, v6;
	v41 =	vmul.f32 v56, v37  }
0x2b5: {  	v32 =	vadd.f32 v33, v4;
	v44 =	vmul.f32 v44, v37  }
0x2b6: {  	v35 =	vmin.f32 v35, v52;
	[tilespmem:s4+$0x50] =	vst v40;
	v33 =	vadd.f32 v41, v4  }
0x2b7: {  	v41 =	vadd.f32 v43, v14;
	v48 =	vmul.f32 v48, v26;
	[tilespmem:s4+$0xFFFFFF60] =	vst v32;
	v43 =	vadd.f32 v44, v4;
	v44 =	vld [tilespmem:s15+$0x60]  }
0x2b8: {  	v53 =	vmin.f32 v35, v32;
	v32 =	vmax.f32 v62, v32;
	v52 =	vmul.f32 v54, v26;
	v54 =	vld [tilespmem:s15+$0xFFFFFF70];
	[tilespmem:s4+$0xE0] =	vst v33  }
0x2b9: {  	v35 =	vadd.f32 v48, v15;
	v48 =	vmul.f32 v55, v26;
	v55 =	vmax.f32 v32, v21;
	[tilespmem:s4+$0xFFFFFFE0] =	vst v43;
	v56 =	vld [tilespmem:s15+$0xF0]  }
0x2ba: {  	v21 =	vmin.f32 v53, v21;
	[tilespmem:s14+$0x10] =	vst v41;
	v32 =	vadd.f32 v52, v15;
	v52 =	vmax.f32 v55, v31;
	v53 =	vld [tilespmem:s15+$0xFFFFFFF0]  }
0x2bb: {  	v21 =	vmin.f32 v21, v31;
	[tilespmem:s14+$0xFFFFFF20] =	vst v35;
	v55 =	vld [tilespmem:s7+$0x20];
	v31 =	vadd.f32 v48, v15;
	v48 =	vmax.f32 v52, v49  }
0x2bc: {  	v62 =	vmin.f32 v21, v49;
	v52 =	vld [tilespmem:s7+$0xFFFFFF30];
	[tilespmem:s14+$0xA0] =	vst v32;
	v48 =	vmax.f32 v48, v43;
	v44 =	vmul.f32 v44, v37  }
0x2bd: {  	v43 =	vmin.f32 v62, v43;
	[tilespmem:s14+$0xFFFFFFA0] =	vst v31;
	v58 =	vld [tilespmem:s7+$0xB0];
	v54 =	vmul.f32 v54, v39;
	v61 =	vmax.f32 v48, v18  }
0x2be: {  	v21 =	vmovc v50;
	v59 =	vld [tilespmem:s7+$0xFFFFFFB0];
	v48 =	vmax.f32 v61, v36;
	v44 =	vadd.f32 v44, v4;
	v49 =	vmul.f32 v56, v39  }
0x2bf: {  	v50 =	vadd.f32 v54, v3;
	v53 =	vmul.f32 v53, v39;
	v48 =	vmax.f32 v48, v38  }
0x2c0: {  	v54 =	vmul.f32 v55, v26;
	v55 =	vmax.f32 v42, v60;
	[tilespmem:s4+$0x60] =	vst v44;
	v56 =	vmax.f32 v48, v44  }
0x2c1: {  	v42 =	vmul.f32 v52, v29;
	[tilespmem:s4+$0xFFFFFF70] =	vst v50;
	v60 =	vadd.f32 v53, v3;
	v53 =	vmin.f32 v43, v18;
	v52 =	vld [tilespmem:s15+$0x70];
	s15 =	smov.u32 s7  }
0x2c2: {  	v18 =	vmovc v47;
	v43 =	vmul.f32 v58, v29;
	v48 =	vmin.f32 v53, v36;
	v36 =	vadd.f32 v54, v15  }
0x2c3: {  	v53 =	vmax.f32 v55, v50;
	v42 =	vadd.f32 v42, v13;
	v47 =	vmul.f32 v59, v29;
	[tilespmem:s4+$0xFFFFFFF0] =	vst v60  }
.Ltmp9:
0x2c4: {  	v50 =	vmin.f32 v57, v50;
	v54 =	vmax.f32 v53, v28;
	[tilespmem:s14+$0x20] =	vst v36;
	v43 =	vadd.f32 v43, v13;
	(pc) =	sbr.rel @p2 .LBB2_17-.Ltmp9, $4  }
0x2c5: {  	v28 =	vmin.f32 v50, v28;
	v50 =	vmax.f32 v54, v46;
	[tilespmem:s14+$0xFFFFFF30] =	vst v42;
	v47 =	vadd.f32 v47, v13;
	v53 =	vld [tilespmem:s7+$0x30]  }
0x2c6: {  	v59 =	vmin.f32 v28, v46;
	v46 =	vmax.f32 v50, v45;
	v54 =	vld [tilespmem:s7+$0xFFFFFF40];
	[tilespmem:s14+$0xB0] =	vst v43;
	v57 =	vmul.f32 v52, v39  }
0x2c7: {  	v58 =	vmin.f32 v59, v45;
	v45 =	vmax.f32 v46, v60;
	v46 =	vmax.f32 v56, v8;
	[tilespmem:s14+$0xFFFFFFB0] =	vst v47;
	v52 =	vld [tilespmem:s7+$0xC0]  }
0x2c8: {  	v56 =	vmin.f32 v58, v60;
	v28 =	vmovc v51;
	s7 =	sadd.s32 $0x200, s7;
	v50 =	vmax.f32 v45, v22;
	v55 =	vld [tilespmem:s15+$0xFFFFFFC0];
	v45 =	vadd.f32 v57, v3  }
0x2c9: {  	_ = 	snop  }
0x2ca: {  	v12 =	vmul.f32 v53, v29;
	_ =	sdelay $0x1  }
0x2cb: {  	v14 =	vmul.f32 v54, v30;
	v12 =	vadd.f32 v12, v13;
	_ =	sdelay $0x1  }
0x2cc: {  	v13 =	vadd.f32 v14, v9;
	[tilespmem:s14+$0x30] =	vst v12  }
0x2cd: {  	v14 =	vld [tilespmem:s15+$0x40]  }
0x2ce: {  	v15 =	vmul.f32 v55, v30;
	[tilespmem:s14+$0xFFFFFF40] =	vst v13  }
0x2cf: {  	v19 =	vld [tilespmem:s15+$0xFFFFFF50]  }
0x2d0: {  	v15 =	vadd.f32 v15, v9;
	_ =	sdelay $0x1  }
0x2d1: {  	[tilespmem:s14+$0xFFFFFFC0] =	vst v15;
	v14 =	vmul.f32 v14, v30  }
0x2d2: {  	v23 =	vld [tilespmem:s15+$0xFFFFFFD0]  }
0x2d3: {  	v19 =	vmul.f32 v19, v34;
	v14 =	vadd.f32 v14, v9;
	_ =	sdelay $0x1  }
0x2d4: {  	v26 =	vmul.f32 v52, v30;
	v19 =	vadd.f32 v19, v6;
	[tilespmem:s14+$0x40] =	vst v14  }
0x2d5: {  	v59 =	vld [tilespmem:s15+$0x50]  }
0x2d6: {  	v9 =	vadd.f32 v26, v9;
	v23 =	vmul.f32 v23, v34;
	[tilespmem:s14+$0xFFFFFF50] =	vst v19  }
0x2d7: {  	v60 =	vld [tilespmem:s15+$0xFFFFFF60]  }
0x2d8: {  	[tilespmem:s14+$0xC0] =	vst v9;
	v23 =	vadd.f32 v23, v6  }
0x2d9: {  	v61 =	vld [tilespmem:s15+$0xD0]  }
0x2da: {  	[tilespmem:s14+$0xFFFFFFD0] =	vst v23;
	v26 =	vmul.f32 v59, v34  }
0x2db: {  	v51 =	vld [tilespmem:s15+$0xFFFFFFE0]  }
0x2dc: {  	v29 =	vmul.f32 v60, v37;
	v26 =	vadd.f32 v26, v6  }
0x2dd: {  	v22 =	vmin.f32 v56, v22  }
0x2de: {  	v38 =	vmin.f32 v48, v38;
	v30 =	vmul.f32 v61, v34;
	v29 =	vadd.f32 v29, v4;
	[tilespmem:s14+$0x50] =	vst v26  }
0x2df: {  	v22 =	vmin.f32 v22, v20;
	v38 =	vmin.f32 v38, v44;
	v62 =	vld [tilespmem:s15+$0x60]  }
0x2e0: {  	v22 =	vmin.f32 v22, v40;
	v6 =	vadd.f32 v30, v6;
	v63 =	vmul.f32 v51, v37;
	[tilespmem:s14+$0xFFFFFF60] =	vst v29  }
0x2e1: {  	v8 =	vmin.f32 v38, v8;
	v22 =	vmin.f32 v22, v45;
	v52 =	vld [tilespmem:s15+$0xFFFFFF70]  }
0x2e2: {  	v8 =	vmin.f32 v8, v7;
	v22 =	vmin.f32 v22, v5;
	[tilespmem:s14+$0xD0] =	vst v6;
	v34 =	vadd.f32 v63, v4  }
0x2e3: {  	v49 =	vadd.f32 v49, v3;
	v8 =	vmin.f32 v8, v16;
	v22 =	vmin.f32 v22, v10;
	v53 =	vld [tilespmem:s15+$0xE0]  }
0x2e4: {  	v8 =	vmin.f32 v8, v33;
	v22 =	vmin.f32 v22, v24;
	[tilespmem:s14+$0xFFFFFFE0] =	vst v34;
	v30 =	vmul.f32 v62, v37  }
0x2e5: {  	v8 =	vmin.f32 v8, v17;
	v22 =	vmin.f32 v22, v49;
	v54 =	vld [tilespmem:s15+$0xFFFFFFF0]  }
0x2e6: {  	v8 =	vmin.f32 v8, v35;
	v48 =	vmul.f32 v52, v39;
	v30 =	vadd.f32 v30, v4  }
0x2e7: {  	v22 =	vmin.f32 v22, v27;
	v8 =	vmin.f32 v8, v13  }
0x2e8: {  	v22 =	vmin.f32 v22, v42;
	v55 =	vmul.f32 v53, v37;
	v56 =	vadd.f32 v48, v3;
	[tilespmem:s14+$0x60] =	vst v30  }
0x2e9: {  	v22 =	vmin.f32 v22, v19;
	v8 =	vmin.f32 v8, v29;
	v57 =	vld [tilespmem:s15+$0x70]  }
0x2ea: {  	v4 =	vadd.f32 v55, v4;
	v38 =	vmul.f32 v54, v39;
	v22 =	vmin.f32 v22, v56  }
0x2eb: {  	v8 =	vmin.f32 v8, v21;
	v22 =	vmin.f32 v22, v28  }
0x2ec: {  	v8 =	vmin.f32 v8, v31;
	[tilespmem:s14+$0xE0] =	vst v4;
	v38 =	vadd.f32 v38, v3;
	v22 =	vmin.f32 v22, v47  }
0x2ed: {  	v8 =	vmin.f32 v8, v15;
	v58 =	vld [tilespmem:s15+$0xF0];
	v22 =	vmin.f32 v22, v23  }
0x2ee: {  	v8 =	vmin.f32 v8, v34;
	v22 =	vmin.f32 v22, v38;
	v37 =	vmul.f32 v57, v39  }
0x2ef: {  	v8 =	vmin.f32 v8, v18;
	v22 =	vmin.f32 v22, v41  }
0x2f0: {  	v8 =	vmin.f32 v8, v36;
	v22 =	vmin.f32 v22, v12;
	v37 =	vadd.f32 v37, v3  }
0x2f1: {  	v59 =	vmax.f32 v50, v20;
	v8 =	vmin.f32 v8, v14;
	v22 =	vmin.f32 v22, v26  }
0x2f2: {  	v8 =	vmin.f32 v8, v30;
	v60 =	vmul.f32 v58, v39;
	v22 =	vmin.f32 v22, v37  }
0x2f3: {  	v20 =	vmax.f32 v59, v40;
	v8 =	vmin.f32 v8, v11;
	v22 =	vmin.f32 v22, v25  }
0x2f4: {  	v8 =	vmin.f32 v8, v32;
	v39 =	vadd.f32 v60, v3;
	v3 =	vmin.f32 v22, v43  }
0x2f5: {  	v20 =	vmax.f32 v20, v45;
	v8 =	vmin.f32 v8, v9;
	v3 =	vmin.f32 v3, v6  }
0x2f6: {  	v5 =	vmax.f32 v20, v5;
	v8 =	vmin.f32 v8, v4;
	v3 =	vmin.f32 v3, v39  }
0x2f7: {  	v7 =	vmax.f32 v46, v7;
	v5 =	vmax.f32 v5, v10;
	v3 =	vmin.f32 v8, v3  }
0x2f8: {  	v7 =	vmax.f32 v7, v16;
	v5 =	vmax.f32 v5, v24;
	v3 =	vsub.f32 $0.0e+00, v3  }
0x2f9: {  	v7 =	vmax.f32 v7, v33;
	v5 =	vmax.f32 v5, v49  }
0x2fa: {  	v7 =	vmax.f32 v7, v17;
	v5 =	vmax.f32 v5, v27;
	(xrf0) =	vmax.scan.msk.f32 $0xffff, v3  }
0x2fb: {  	v5 =	vmax.f32 v5, v42;
	v3 =	vmax.f32 v7, v35  }
0x2fc: {  	v5 =	vmax.f32 v5, v19;
	v3 =	vmax.f32 v3, v13  }
0x2fd: {  	v5 =	vmax.f32 v5, v56;
	v3 =	vmax.f32 v3, v29  }
0x2fe: {  	v5 =	vmax.f32 v5, v28;
	v3 =	vmax.f32 v3, v21  }
0x2ff: {  	v5 =	vmax.f32 v5, v47;
	v3 =	vmax.f32 v3, v31  }
0x300: {  	v5 =	vmax.f32 v5, v23;
	v3 =	vmax.f32 v3, v15;
	v7, _, _ =	vpop (xrf0)  }
0x301: {  	v5 =	vmax.f32 v5, v38;
	v3 =	vmax.f32 v3, v34;
	(v2sf) =	vpush v7, $0xF  }
0x302: {  	v5 =	vmax.f32 v5, v41;
	v3 =	vmax.f32 v3, v18  }
0x303: {  	v5 =	vmax.f32 v5, v12;
	v3 =	vmax.f32 v3, v36  }
0x304: {  	v5 =	vmax.f32 v5, v26;
	v3 =	vmax.f32 v3, v14  }
0x305: {  	v5 =	vmax.f32 v5, v37;
	v3 =	vmax.f32 v3, v30  }
0x306: {  	v5 =	vmax.f32 v5, v25;
	v3 =	vmax.f32 v3, v11  }
0x307: {  	v5 =	vmax.f32 v5, v43;
	v3 =	vmax.f32 v3, v32  }
0x308: {  	v5 =	vmax.f32 v5, v6;
	v3 =	vmax.f32 v3, v9  }
0x309: {  	v3 =	vmax.f32 v3, v4;
	v4 =	vmax.f32 v5, v39  }
0x30a: {  	v3 =	vmax.f32 v3, v4  }
0x30b: {  	(xrf0) =	vmax.scan.msk.f32 $0xffff, v3;
	_ =	sdelay $0x4  }
0x30c: {  	s7 =	spop (v2sf)  }
0x30d: {  	v3, _, _ =	vpop (xrf0);
	s7 =	ssub.f32 $0.0e+00, s7  }
0x30e: {  	[tilespmem:s4+$0x70] =	vst v45;
	v4 =	vbroadcast v3, $0xF  }
0x30f: {  	[tilespmem:s4+$0xF0] =	vst v49;
	v3 =	vmov s7  }
0x310: {  	[tilespmem:s14+$0xFFFFFF70] =	vst v56;
	v4 =	vsub.f32 v4, v3  }
0x311: {  	[tilespmem:s14+$0xFFFFFFF0] =	vst v38  }
0x312: {  	[tilespmem:s14+$0x70] =	vst v37;
	v4 =	vmul.f32 v4, v0  }
0x313: {  	s4 =	simm.s32 $0x4040;
	[tilespmem:s14+$0xF0] =	vst v39  }
0x314: {  	v10 =	vld [tilespmem:s4+$0x20];
	(erf) = vrcp.f32 v4  }
0x315: {  	v6 =	vld [tilespmem:s4+$0x0]  }
0x316: {  	v5 =	vld [tilespmem:s4+$0x30]  }
0x317: {  	v4 =	vld [tilespmem:s4+$0xFFFFFFC0]  }
0x318: {  	v8 =	vld [tilespmem:s4+$0xFFFFFFF0]  }
0x319: {  	v12 =	vld [tilespmem:s4+$0xFFFFFFE0]  }
0x31a: {  	v7 =	vld [tilespmem:s4+$0xFFFFFFD0]  }
0x31b: {  	v5 =	vsub.f32 v5, v3  }
0x31c: {  	v6 =	vsub.f32 v6, v3;
	v9 =	vsub.f32 v4, v3  }
0x31d: {  	v8 =	vsub.f32 v8, v3;
	v10 =	vsub.f32 v10, v3;
	v4 =	vpop (erf)  }
0x31e: {  	v12 =	vsub.f32 v12, v3;
	v9 =	vmul.f32 v9, v4;
	v5 =	vmul.f32 v5, v4  }
0x31f: {  	v7 =	vsub.f32 v7, v3;
	v6 =	vmul.f32 v6, v4;
	v8 =	vmul.f32 v8, v4  }
0x320: {  	v11 =	vld [tilespmem:s4+$0x10];
	v12 =	vmul.f32 v12, v4;
	v10 =	vmul.f32 v10, v4  }
0x321: {  	v7 =	vmul.f32 v7, v4;
	v9 =	vtrunc.f32 v9  }
0x322: {  	s9 =	simm.s32 $0x40C0;
	v5 =	vtrunc.f32 v5;
	v6 =	vtrunc.f32 v6  }
0x323: {  	v17 =	vld [tilespmem:s9+$0x0];
	v8 =	vtrunc.f32 v8;
	v12 =	vtrunc.f32 v12  }
0x324: {  	v7 =	vtrunc.f32 v7;
	v5 =	vcvt.f32.s32 v5  }
0x325: {  	v11 =	vsub.f32 v11, v3;
	v10 =	vtrunc.f32 v10;
	v9 =	vcvt.f32.s32 v9  }
0x326: {  	v13 =	vld [tilespmem:s9+$0xFFFFFFC0];
	v8 =	vcvt.f32.s32 v8;
	v12 =	vcvt.f32.s32 v12;
	vm0 =	vgt.s32 v5, $0x0  }
0x327: {  	v63 =	vcvt.f32.s32 v10;
	v14 =	vnsel vm0, $0x0, v5;
	v5 =	vmul.f32 v11, v4;
	v11 =	vld [tilespmem:s9+$0x30]  }
0x328: {  	v10 =	vcvt.f32.s32 v6;
	v6 =	vsub.f32 v17, v3;
	vm0 =	vgt.s32 v9, $0x0  }
0x329: {  	v15 =	vld [tilespmem:s9+$0xFFFFFFD0];
	v61 =	vcvt.f32.s32 v7;
	vm1 =	vgt.s32 v63, $0x0;
	v9 =	vnsel vm0, $0x0, v9  }
0x32a: {  	v6 =	vmul.f32 v6, v4;
	v5 =	vtrunc.f32 v5;
	v9 =	vmin.u32 v9, $0x3FFF  }
0x32b: {  	vm0 =	vgt.s32 v8, $0x0;
	v16 =	vcvt.f32.s32 v5;
	v5 =	vsub.f32 v13, v3  }
0x32c: {  	v19 =	vld [tilespmem:s9+$0x10];
	s7 =	simm.s32 $0x4840;
	v14 =	vmin.u32 v14, $0x3FFF;
	v8 =	vnsel vm0, $0x0, v8;
	v11 =	vsub.f32 v11, v3  }
0x32d: {  	[tilespmem:s7+$0x30] =	vst v14;
	v13 =	vld [tilespmem:s9+$0x20];
	v8 =	vmin.u32 v8, $0x3FFF;
	vm0 =	vgt.s32 v16, $0x0;
	v18 =	vmul.f32 v5, v4  }
0x32e: {  	[tilespmem:s7+$0xFFFFFFC0] =	vst v9;
	v5 =	vsub.f32 v15, v3;
	v7 =	vnsel vm0, $0x0, v16;
	v16 =	vld [tilespmem:s9+$0xFFFFFFF0];
	v62 =	vmul.f32 v11, v4  }
0x32f: {  	vm0 =	vgt.s32 v12, $0x0;
	v15 =	vtrunc.f32 v18;
	v18 =	vmin.u32 v7, $0x3FFF;
	[tilespmem:v9+s5+$0x0] =	vst.idx.add.f32.msk $0xffff, v2  }
0x330: {  	[tilespmem:s7+$0xFFFFFFF0] =	vst v8;
	v11 =	vnsel vm0, $0x0, v12;
	v12 =	vld [tilespmem:s9+$0xFFFFFFE0];
	v9 =	vcvt.f32.s32 v15;
	v15 =	vtrunc.f32 v62  }
0x331: {  	v6 =	vtrunc.f32 v6;
	[tilespmem:v14+s5+$0x0] =	vst.idx.add.f32.msk $0xffff, v2;
	vm0 =	vgt.s32 v61, $0x0;
	v17 =	vcvt.f32.s32 v15  }
0x332: {  	v7 =	vsub.f32 v13, v3;
	[tilespmem:s7+$0x10] =	vst v18;
	v13 =	vsub.f32 v19, v3;
	v19 =	vnsel vm1, $0x0, v63  }
0x333: {  	s16 =	simm.s32 $0x8;
	[tilespmem:v8+s5+$0x0] =	vst.idx.add.f32.msk $0xffff, v2;
	v14 =	vmin.u32 v19, $0x3FFF;
	v15 =	vsub.f32 v16, v3;
	vm1 =	vgt.s32 v17, $0x0  }
0x334: {  	s15 =	simm.s32 $0x4840;
	s14 =	simm.s32 $0x4840;
	s9 =	simm.s32 $0x4140;
	v16 =	vnsel vm0, $0x0, v61;
	vm0 =	vgt.s32 v10, $0x0;
	[tilespmem:v18+s5+$0x0] =	vst.idx.add.f32.msk $0xffff, v2;
	v8 =	vnsel vm1, $0x0, v17  }
.LBB2_19:
0x335: {  	v17 =	vld [tilespmem:s9+$0x0];
	s16 =	sadd.s32 $0x8, s16;
	v12 =	vsub.f32 v12, v3;
	v15 =	vmul.f32 v15, v4;
	v16 =	vmin.u32 v16, $0x3FFF;
	s15 =	sadd.s32 $0x80, s15  }
0x336: {  	v13 =	vmul.f32 v13, v4;
	v11 =	vmin.u32 v11, $0x3FFF;
	v10 =	vnsel vm0, $0x0, v10;
	v18 =	vld [tilespmem:s9+$0xFFFFFFC0];
	p2 =	slt.u32 s16, $0x78;
	[tilespmem:s14+$0xFFFFFFD0] =	vst v16  }
0x337: {  	vm0 =	vgt.s32 v9, $0x0;
	v19 =	vld [tilespmem:s9+$0x30];
	v12 =	vmul.f32 v12, v4;
	v15 =	vtrunc.f32 v15;
	[tilespmem:s14+$0x20] =	vst v14  }
0x338: {  	v7 =	vmul.f32 v7, v4;
	v9 =	vnsel vm0, $0x0, v9;
	v20 =	vld [tilespmem:s9+$0xFFFFFFD0];
	v15 =	vcvt.f32.s32 v15;
	[tilespmem:s14+$0xFFFFFFE0] =	vst v11  }
0x339: {  	v10 =	vmin.u32 v10, $0x3FFF;
	v9 =	vmin.u32 v9, $0x3FFF;
	v13 =	vtrunc.f32 v13;
	[tilespmem:v14+s5+$0x0] =	vst.idx.add.f32.msk $0xffff, v2  }
0x33a: {  	v13 =	vcvt.f32.s32 v13;
	vm0 =	vgt.s32 v15, $0x0;
	[tilespmem:v16+s5+$0x0] =	vst.idx.add.f32.msk $0xffff, v2  }
0x33b: {  	v5 =	vmul.f32 v5, v4;
	v12 =	vtrunc.f32 v12;
	v14 =	vsub.f32 v18, v3;
	v16 =	vld [tilespmem:s9+$0x10];
	[tilespmem:s14+$0x0] =	vst v10;
	s14 =	smov.u32 s15  }
0x33c: {  	v12 =	vcvt.f32.s32 v12;
	v15 =	vnsel vm0, $0x0, v15;
	vm0 =	vgt.s32 v13, $0x0;
	v18 =	vld [tilespmem:s9+$0x20];
	[tilespmem:s15+$0xFFFFFFC0] =	vst v9  }
0x33d: {  	v21 =	vtrunc.f32 v5;
	v19 =	vsub.f32 v19, v3;
	v14 =	vmul.f32 v14, v4;
	[tilespmem:v11+s5+$0x0] =	vst.idx.add.f32.msk $0xffff, v2  }
0x33e: {  	v15 =	vmin.u32 v15, $0x3FFF;
	v5 =	vsub.f32 v20, v3;
	v20 =	vcvt.f32.s32 v21;
	[tilespmem:v10+s5+$0x0] =	vst.idx.add.f32.msk $0xffff, v2  }
0x33f: {  	v11 =	vnsel vm0, $0x0, v13;
	v13 =	vtrunc.f32 v7;
	v10 =	vtrunc.f32 v14;
	v14 =	vld [tilespmem:s9+$0xFFFFFFF0];
	[tilespmem:s15+$0xFFFFFFF0] =	vst v15  }
0x340: {  	v8 =	vmin.u32 v8, $0x3FFF;
	vm0 =	vgt.s32 v12, $0x0;
	v21 =	vmin.u32 v11, $0x3FFF;
	[tilespmem:v9+s5+$0x0] =	vst.idx.add.f32.msk $0xffff, v2  }
0x341: {  	v7 =	vsub.f32 v18, v3;
	v18 =	vmul.f32 v19, v4;
	[tilespmem:s15+$0x10] =	vst v21;
	v19 =	vcvt.f32.s32 v13  }
0x342: {  	v11 =	vnsel vm0, $0x0, v12;
	v9 =	vcvt.f32.s32 v10;
	v10 =	vcvt.f32.s32 v6  }
.Ltmp10:
0x343: {  	v6 =	vsub.f32 v17, v3;
	v13 =	vsub.f32 v16, v3;
	v12 =	vld [tilespmem:s9+$0xFFFFFFE0];
	v16 =	vtrunc.f32 v18;
	[tilespmem:s15+$0x30] =	vst v8;
	(pc) =	sbr.rel @p2 .LBB2_19-.Ltmp10, $4  }
0x344: {  	vm0 =	vgt.s32 v20, $0x0;
	vm1 =	vgt.s32 v19, $0x0;
	v17 =	vcvt.f32.s32 v16;
	[tilespmem:v15+s5+$0x0] =	vst.idx.add.f32.msk $0xffff, v2  }
0x345: {  	v6 =	vmul.f32 v6, v4;
	v15 =	vsub.f32 v14, v3;
	v14 =	vnsel vm1, $0x0, v19;
	[tilespmem:v8+s5+$0x0] =	vst.idx.add.f32.msk $0xffff, v2  }
0x346: {  	v16 =	vnsel vm0, $0x0, v20;
	vm0 =	vgt.s32 v10, $0x0;
	vm1 =	vgt.s32 v17, $0x0;
	[tilespmem:v21+s5+$0x0] =	vst.idx.add.f32.msk $0xffff, v2  }
0x347: {  	s9 =	sadd.s32 $0x80, s9;
	v6 =	vtrunc.f32 v6;
	v14 =	vmin.u32 v14, $0x3FFF;
	v8 =	vnsel vm1, $0x0, v17  }
0x348: {  	_ = 	snop  }
0x349: {  	v16 =	vmin.u32 v16, $0x3FFF;
	[tilespmem:s14+$0x20] =	vst v14  }
0x34a: {  	v11 =	vmin.u32 v11, $0x3FFF;
	[tilespmem:s14+$0xFFFFFFD0] =	vst v16  }
0x34b: {  	v15 =	vmul.f32 v15, v4;
	[tilespmem:s14+$0xFFFFFFE0] =	vst v11  }
0x34c: {  	v10 =	vnsel vm0, $0x0, v10;
	vm10 =	vgt.s32 v9, $0x0;
	s9 =	sadd.s32 $0x80, s15;
	v8 =	vmin.u32 v8, $0x3FFF;
	[tilespmem:v14+s5+$0x0] =	vst.idx.add.f32.msk $0xffff, v2  }
0x34d: {  	v13 =	vmul.f32 v13, v4;
	v10 =	vmin.u32 v10, $0x3FFF;
	v9 =	vnsel vm10, $0x0, v9;
	[tilespmem:s9+$0x30] =	vst v8  }
0x34e: {  	v3 =	vsub.f32 v12, v3;
	v6 =	vcvt.f32.s32 v6;
	v9 =	vmin.u32 v9, $0x3FFF;
	[tilespmem:s14+$0x0] =	vst v10  }
0x34f: {  	v7 =	vmul.f32 v7, v4;
	v15 =	vtrunc.f32 v15;
	[tilespmem:s9+$0xFFFFFFC0] =	vst v9  }
0x350: {  	v12 =	vtrunc.f32 v13;
	v3 =	vmul.f32 v3, v4;
	vm15 =	vgt.s32 v6, $0x0;
	[tilespmem:v16+s5+$0x0] =	vst.idx.add.f32.msk $0xffff, v2  }
0x351: {  	v4 =	vmul.f32 v5, v4;
	v14 =	vcvt.f32.s32 v15;
	v6 =	vnsel vm15, $0x0, v6;
	[tilespmem:v11+s5+$0x0] =	vst.idx.add.f32.msk $0xffff, v2  }
0x352: {  	v12 =	vcvt.f32.s32 v12;
	v6 =	vmin.u32 v6, $0x3FFF;
	[tilespmem:v8+s5+$0x0] =	vst.idx.add.f32.msk $0xffff, v2  }
0x353: {  	v7 =	vtrunc.f32 v7;
	v4 =	vtrunc.f32 v4;
	vm11 =	vgt.s32 v14, $0x0;
	[tilespmem:s9+$0x0] =	vst v6  }
0x354: {  	vm12 =	vgt.s32 v12, $0x0;
	v4 =	vcvt.f32.s32 v4;
	v13 =	vnsel vm11, $0x0, v14;
	[tilespmem:v10+s5+$0x0] =	vst.idx.add.f32.msk $0xffff, v2  }
0x355: {  	v3 =	vtrunc.f32 v3;
	v10 =	vnsel vm12, $0x0, v12;
	v5 =	vmin.u32 v13, $0x3FFF;
	[tilespmem:v9+s5+$0x0] =	vst.idx.add.f32.msk $0xffff, v2  }
0x356: {  	v3 =	vcvt.f32.s32 v3;
	v9 =	vmin.u32 v10, $0x3FFF;
	vm1 =	vgt.s32 v4, $0x0;
	[tilespmem:s9+$0xFFFFFFF0] =	vst v5  }
0x357: {  	v7 =	vcvt.f32.s32 v7;
	[tilespmem:s9+$0x10] =	vst v9;
	v4 =	vnsel vm1, $0x0, v4  }
0x358: {  	vm14 =	vgt.s32 v3, $0x0;
	v4 =	vmin.u32 v4, $0x3FFF;
	[tilespmem:v6+s5+$0x0] =	vst.idx.add.f32.msk $0xffff, v2  }
0x359: {  	vm13 =	vgt.s32 v7, $0x0;
	v3 =	vnsel vm14, $0x0, v3;
	[tilespmem:s9+$0xFFFFFFD0] =	vst v4  }
0x35a: {  	v3 =	vmin.u32 v3, $0x3FFF;
	[tilespmem:v5+s5+$0x0] =	vst.idx.add.f32.msk $0xffff, v2;
	v5 =	vnsel vm13, $0x0, v7  }
0x35b: {  	[tilespmem:s9+$0xFFFFFFE0] =	vst v3;
	v5 =	vmin.u32 v5, $0x3FFF  }
0x35c: {  	[tilespmem:v9+s5+$0x0] =	vst.idx.add.f32.msk $0xffff, v2  }
0x35d: {  	[tilespmem:s9+$0x20] =	vst v5  }
0x35e: {  	[tilespmem:v4+s5+$0x0] =	vst.idx.add.f32.msk $0xffff, v2  }
0x35f: {  	[tilespmem:v3+s5+$0x0] =	vst.idx.add.f32.msk $0xffff, v2  }
0x360: {  	[tilespmem:v5+s5+$0x0] =	vst.idx.add.f32.msk $0xffff, v2  }
0x361: {  	v3 =	vld [tilespmem:s7+$0x20]  }
0x362: {  	v4 =	vld [tilespmem:s7+$0x0]  }
0x363: {  	v5 =	vld [tilespmem:s7+$0xFFFFFFE0]  }
0x364: {  	v7 =	vld [tilespmem:s7+$0xFFFFFFC0]  }
0x365: {  	v8 =	vld [tilespmem:s7+$0xFFFFFFD0]  }
0x366: {  	v9 =	vld [tilespmem:s7+$0xFFFFFFF0]  }
0x367: {  	v13 =	vld [tilespmem:s7+$0x10]  }
0x368: {  	v14 =	vld [tilespmem:s7+$0x30]  }
0x369: {  	v3 =	vld.idx.msk [tilespmem:v3+s5+$0x0], $0xffff  }
0x36a: {  	v4 =	vld.idx.msk [tilespmem:v4+s5+$0x0], $0xffff  }
0x36b: {  	v6 =	vld.idx.msk [tilespmem:v5+s5+$0x0], $0xffff  }
0x36c: {  	v11 =	vld.idx.msk [tilespmem:v7+s5+$0x0], $0xffff  }
0x36d: {  	v12 =	vld.idx.msk [tilespmem:v8+s5+$0x0], $0xffff  }
0x36e: {  	v10 =	vld.idx.msk [tilespmem:v9+s5+$0x0], $0xffff  }
0x36f: {  	v7 =	vld.idx.msk [tilespmem:v13+s5+$0x0], $0xffff  }
0x370: {  	s9 =	simm.s32 $0x48C0;
	s7 =	simm.s32 $0x0;
	v8 =	vimm.f32 $0.0e+00;
	v5 =	vld.idx.msk [tilespmem:v14+s5+$0x0], $0xffff;
	v9 =	vimm.f32 $0.0e+00;
	[tilespmem:s4+$0x0] =	vst v4  }
.LBB2_21:
0x371: {  	v13 =	vld [tilespmem:s9+$0x20];
	[tilespmem:s4+$0xFFFFFFE0] =	vst v6  }
0x372: {  	v14 =	vld [tilespmem:s9+$0x0];
	[tilespmem:s4+$0xFFFFFFC0] =	vst v11  }
0x373: {  	v8 =	vmax.f32 v8, v11;
	v9 =	vmax.f32 v9, v12;
	v15 =	vld [tilespmem:s9+$0xFFFFFFE0];
	[tilespmem:s4+$0xFFFFFFD0] =	vst v12  }
0x374: {  	v6 =	vmax.f32 v8, v6;
	v8 =	vmax.f32 v9, v10;
	v11 =	vld [tilespmem:s9+$0xFFFFFFC0];
	[tilespmem:s4+$0xFFFFFFF0] =	vst v10  }
0x375: {  	s7 =	sadd.s32 $0x4, s7;
	v4 =	vmax.f32 v6, v4;
	v6 =	vmax.f32 v8, v7;
	v10 =	vld [tilespmem:s9+$0xFFFFFFD0];
	[tilespmem:s4+$0x10] =	vst v7  }
0x376: {  	p2 =	slt.u32 s7, $0x3C;
	v8 =	vmax.f32 v4, v3;
	v9 =	vmax.f32 v6, v5;
	v7 =	vld [tilespmem:s9+$0xFFFFFFF0];
	[tilespmem:s4+$0x20] =	vst v3  }
0x377: {  	v16 =	vld [tilespmem:s9+$0x10];
	[tilespmem:s4+$0x30] =	vst v5  }
0x378: {  	v5 =	vld [tilespmem:s9+$0x30]  }
0x379: {  	v3 =	vld.idx.msk [tilespmem:v13+s5+$0x0], $0xffff  }
0x37a: {  	v4 =	vld.idx.msk [tilespmem:v14+s5+$0x0], $0xffff  }
0x37b: {  	v6 =	vld.idx.msk [tilespmem:v15+s5+$0x0], $0xffff  }
.Ltmp11:
0x37c: {  	v11 =	vld.idx.msk [tilespmem:v11+s5+$0x0], $0xffff;
	(pc) =	sbr.rel @p2 .LBB2_21-.Ltmp11, $4  }
0x37d: {  	v12 =	vld.idx.msk [tilespmem:v10+s5+$0x0], $0xffff  }
0x37e: {  	v10 =	vld.idx.msk [tilespmem:v7+s5+$0x0], $0xffff  }
0x37f: {  	s4 =	sadd.s32 $0x80, s4;
	v7 =	vld.idx.msk [tilespmem:v16+s5+$0x0], $0xffff  }
0x380: {  	s9 =	sadd.s32 $0x80, s9;
	[tilespmem:s4+$0x0] =	vst v4;
	v5 =	vld.idx.msk [tilespmem:v5+s5+$0x0], $0xffff  }
0x381: {  	[tilespmem:s4+$0xFFFFFFE0] =	vst v6  }
0x382: {  	[tilespmem:s4+$0xFFFFFFC0] =	vst v11;
	v8 =	vmax.f32 v8, v11;
	v9 =	vmax.f32 v9, v12  }
0x383: {  	[tilespmem:s4+$0x20] =	vst v3;
	v6 =	vmax.f32 v8, v6;
	v8 =	vmax.f32 v9, v10  }
0x384: {  	[tilespmem:s4+$0xFFFFFFD0] =	vst v12;
	v4 =	vmax.f32 v6, v4;
	v6 =	vmax.f32 v8, v7  }
0x385: {  	[tilespmem:s4+$0xFFFFFFF0] =	vst v10;
	v4 =	vmax.f32 v4, v3;
	v6 =	vmax.f32 v6, v5  }
0x386: {  	[tilespmem:s4+$0x10] =	vst v7;
	v3 =	vmax.f32 v4, v6  }
0x387: {  	s14 =	simm.s32 $0x4040;
	[tilespmem:s4+$0x30] =	vst v5;
	(xrf0) =	vmax.scan.msk.f32 $0xffff, v3  }
0x388: {  	v4 =	vld [tilespmem:s14+$0x20]  }
0x389: {  	v5 =	vld [tilespmem:s14+$0x30]  }
0x38a: {  	v6 =	vld [tilespmem:s14+$0x10]  }
0x38b: {  	v7 =	vld [tilespmem:s14+$0x0]  }
0x38c: {  	v8 =	vld [tilespmem:s14+$0xFFFFFFD0]  }
0x38d: {  	v3, _, _ =	vpop (xrf0)  }
0x38e: {  	v9 =	vld [tilespmem:s14+$0xFFFFFFF0];
	(erf) = vrcp.f32 v4;
	v3 =	vbroadcast v3, $0xF  }
0x38f: {  	(erf) = vrcp.f32 v5  }
0x390: {  	v10 =	vld [tilespmem:s14+$0xFFFFFFC0];
	(erf) = vrcp.f32 v7;
	v11 =	vsub.f32 v6, v3  }
0x391: {  	(erf) = vrcp.f32 v8;
	v12 =	vsub.f32 v8, v3  }
0x392: {  	(erf) = vrcp.f32 v6;
	v6 =	vmul.f32 $1.442695020e+00, v11  }
0x393: {  	v13 =	vld [tilespmem:s14+$0xFFFFFFE0];
	v5 =	vsub.f32 v5, v3;
	(erf) = vrcp.f32 v9;
	v8 =	vmul.f32 $1.442695020e+00, v12  }
0x394: {  	(erf) = vpow2.f32 v6  }
0x395: {  	v11 =	vsub.f32 v10, v3;
	v5 =	vmul.f32 $1.442695020e+00, v5;
	(erf) = vpow2.f32 v8;
	_ =	sdelay $0x1  }
0x396: {  	s4 =	simm.s32 $0x40C0;
	v6 =	vmul.f32 $1.442695020e+00, v11;
	(erf) = vpow2.f32 v5;
	v5 =	vsub.f32 v9, v3;
	v9 =	vpop (erf)  }
0x397: {  	v15 =	vld [tilespmem:s4+$0x10];
	v11 =	vsub.f32 v4, v3;
	v8 =	vsub.f32 v13, v3;
	(erf) = vrcp.f32 v13;
	v4 =	vpop (erf)  }
0x398: {  	(erf) = vpow2.f32 v6;
	v6 =	vsub.f32 v7, v3;
	v21 =	vpop (erf);
	v7 =	vld [tilespmem:s4+$0x20]  }
0x399: {  	v12 =	vmul.f32 $1.442695020e+00, v8;
	v8 =	vld [tilespmem:s4+$0xFFFFFFC0];
	v13 =	vpop (erf)  }
0x39a: {  	v18 =	vld [tilespmem:s4+$0xFFFFFFD0];
	v5 =	vmul.f32 $1.442695020e+00, v5;
	(erf) = vrcp.f32 v10;
	v24 =	vpop (erf)  }
0x39b: {  	v14 =	vld [tilespmem:s4+$0x30];
	v10 =	vmul.f32 $1.442695020e+00, v11;
	(erf) = vpow2.f32 v12;
	v16 =	vpop (erf)  }
0x39c: {  	v6 =	vmul.f32 $1.442695020e+00, v6;
	(erf) = vpow2.f32 v5;
	v5 =	vld [tilespmem:s4+$0x0];
	v17 =	vpop (erf)  }
0x39d: {  	v26 =	vsub.f32 v15, v3;
	(erf) = vpow2.f32 v10;
	v12 =	vsub.f32 v7, v3;
	v19 =	vpop (erf)  }
0x39e: {  	v22 =	vld [tilespmem:s4+$0xFFFFFFF0];
	v10 =	vsub.f32 v8, v3;
	(erf) = vpow2.f32 v6;
	v23 =	vmul.f32 v19, v13  }
0x39f: {  	v27 =	vsub.f32 v18, v3;
	(erf) = vrcp.f32 v7;
	v6 =	vmul.f32 v17, v24  }
0x3a0: {  	v7 =	vimm.f32 $0.0e+00;
	v11 =	vmul.f32 $1.442695020e+00, v10;
	v20 =	vpop (erf);
	(erf) = vrcp.f32 v14  }
0x3a1: {  	v10 =	vmul.f32 $1.442695020e+00, v12;
	v25 =	vadd.f32 v13, v7;
	v12 =	vpop (erf);
	(erf) = vrcp.f32 v5  }
0x3a2: {  	v28 =	vld [tilespmem:s4+$0xFFFFFFE0];
	v14 =	vsub.f32 v14, v3;
	v13 =	vadd.f32 v23, v7;
	v23 =	vpop (erf);
	(erf) = vrcp.f32 v18  }
0x3a3: {  	v30 =	vsub.f32 v22, v3;
	[tilespmem:s14+$0xFFFFFFD0] =	vst v19;
	v19 =	vmul.f32 $1.442695020e+00, v26;
	v18 =	vpop (erf);
	(erf) = vrcp.f32 v15  }
0x3a4: {  	[tilespmem:s14+$0x10] =	vst v17;
	v26 =	vmul.f32 $1.442695020e+00, v27;
	v15 =	vadd.f32 v18, v7;
	v17 =	vpop (erf);
	(erf) = vrcp.f32 v22  }
0x3a5: {  	[tilespmem:s14+$0x30] =	vst v20;
	v27 =	vmul.f32 $1.442695020e+00, v14;
	v29 =	vmul.f32 v23, v18;
	v18 =	vsub.f32 v5, v3;
	v22 =	vpop (erf)  }
0x3a6: {  	[tilespmem:s14+$0xFFFFFFC0] =	vst v23;
	(erf) = vpow2.f32 v19;
	v14 =	vpop (erf);
	v19 =	vmul.f32 v22, v16;
	v23 =	vadd.f32 v12, v15  }
0x3a7: {  	[tilespmem:s14+$0xFFFFFFE0] =	vst v17;
	(erf) = vpow2.f32 v26;
	v26 =	vsub.f32 v28, v3;
	v15 =	vmul.f32 v20, v4;
	v31 =	vpop (erf)  }
0x3a8: {  	[tilespmem:s14+$0xFFFFFFF0] =	vst v22;
	v22 =	vadd.f32 v29, v7;
	(erf) = vpow2.f32 v27;
	v27 =	vadd.f32 v16, v25;
	v5 =	vpop (erf)  }
0x3a9: {  	[tilespmem:s14+$0x20] =	vst v14;
	v20 =	vadd.f32 v21, v23;
	v25 =	vmul.f32 $1.442695020e+00, v26;
	v23 =	vmul.f32 $1.442695020e+00, v30;
	v16 =	vpop (erf)  }
0x3aa: {  	s7 =	simm.s32 $0x4;
	[tilespmem:s14+$0x0] =	vst v31;
	s14 =	simm.s32 $0x4140;
	(erf) = vrcp.f32 v28;
	v21 =	vmul.f32 v31, v21;
	v24 =	vadd.f32 v24, v27;
	v7 =	vpop (erf)  }
.LBB2_23:
0x3ab: {  	v26 =	vld [tilespmem:s14+$0xFFFFFFC0];
	s7 =	sadd.s32 $0x4, s7;
	(erf) = vpow2.f32 v11;
	v27 =	vpop (erf);
	v11 =	vmul.f32 v17, v12;
	v12 =	vadd.f32 v19, v13  }
0x3ac: {  	v17 =	vadd.f32 v9, v20;
	v13 =	vld [tilespmem:s14+$0x20];
	p2 =	slt.u32 s7, $0x3C;
	(erf) = vrcp.f32 v8;
	v28 =	vpop (erf);
	v19 =	vadd.f32 v4, v24  }
0x3ad: {  	v8 =	vmul.f32 $1.442695020e+00, v18;
	v20 =	vld [tilespmem:s14+$0x30];
	(erf) = vpow2.f32 v25;
	v24 =	vpop (erf);
	v11 =	vadd.f32 v11, v22  }
0x3ae: {  	v4 =	vmov v16;
	v6 =	vadd.f32 v6, v12;
	v18 =	vld [tilespmem:s14+$0x10];
	(erf) = vpow2.f32 v23  }
0x3af: {  	v9 =	vmul.f32 v14, v9;
	v16 =	vld [tilespmem:s14+$0x0];
	v12 =	vpop (erf);
	(erf) = vpow2.f32 v10;
	v10 =	vadd.f32 v21, v11  }
0x3b0: {  	v15 =	vadd.f32 v15, v6;
	v14 =	vld [tilespmem:s14+$0xFFFFFFD0];
	v11 =	vsub.f32 v26, v3;
	[tilespmem:s4+$0x10] =	vst v12;
	v21 =	vpop (erf);
	(erf) = vpow2.f32 v8  }
0x3b1: {  	v6 =	vmul.f32 v12, v28;
	v22 =	vsub.f32 v13, v3;
	(erf) = vrcp.f32 v13;
	[tilespmem:s4+$0xFFFFFFD0] =	vst v21;
	v23 =	vpop (erf)  }
0x3b2: {  	v8 =	vmovc v26;
	v13 =	vmul.f32 v21, v27;
	v21 =	vadd.f32 v9, v10;
	v11 =	vmul.f32 $1.442695020e+00, v11;
	v25 =	vld [tilespmem:s14+$0xFFFFFFF0];
	[tilespmem:s4+$0x30] =	vst v23  }
0x3b3: {  	v9 =	vadd.f32 v27, v19;
	v10 =	vmul.f32 $1.442695020e+00, v22;
	(erf) = vrcp.f32 v20;
	v12 =	vpop (erf)  }
0x3b4: {  	v19 =	vsub.f32 v18, v3;
	v13 =	vadd.f32 v13, v15;
	(erf) = vrcp.f32 v16;
	v15 =	vpop (erf)  }
0x3b5: {  	v20 =	vsub.f32 v20, v3;
	v22 =	vsub.f32 v14, v3;
	v26 =	vld [tilespmem:s14+$0xFFFFFFE0];
	(erf) = vrcp.f32 v14;
	[tilespmem:s4+$0xFFFFFFC0] =	vst v15;
	v14 =	vpop (erf)  }
0x3b6: {  	(erf) = vrcp.f32 v18;
	v27 =	vmul.f32 v15, v14;
	v15 =	vadd.f32 v14, v17;
	v17 =	vpop (erf)  }
0x3b7: {  	v19 =	vmul.f32 $1.442695020e+00, v19;
	v29 =	vsub.f32 v25, v3;
	(erf) = vrcp.f32 v25;
	[tilespmem:s4+$0xFFFFFFE0] =	vst v17;
	v25 =	vpop (erf)  }
0x3b8: {  	v18 =	vsub.f32 v16, v3;
	v16 =	vmul.f32 $1.442695020e+00, v20;
	v31 =	vmul.f32 $1.442695020e+00, v22;
	[tilespmem:s4+$0xFFFFFFF0] =	vst v25;
	v14 =	vpop (erf)  }
.Ltmp12:
0x3b9: {  	v20 =	vadd.f32 v12, v15;
	(erf) = vpow2.f32 v19;
	v19 =	vmul.f32 v25, v24;
	[tilespmem:s4+$0x20] =	vst v14;
	v30 =	vpop (erf);
	(pc) =	sbr.rel @p2 .LBB2_23-.Ltmp12, $4  }
0x3ba: {  	v15 =	vmul.f32 v23, v4;
	v25 =	vsub.f32 v26, v3;
	(erf) = vpow2.f32 v31;
	v22 =	vpop (erf);
	[tilespmem:s4+$0x0] =	vst v30;
	s4 =	smov.u32 s14  }
0x3bb: {  	v24 =	vadd.f32 v24, v9;
	v9 =	vmovc v5;
	v20 =	vadd.f32 v7, v20;
	(erf) = vpow2.f32 v16;
	v5 =	vmovc v22  }
0x3bc: {  	v23 =	vmul.f32 $1.442695020e+00, v29;
	v22 =	vadd.f32 v27, v21;
	v25 =	vmul.f32 $1.442695020e+00, v25;
	v16 =	vpop (erf)  }
0x3bd: {  	s14 =	sadd.s32 $0x80, s14;
	v21 =	vmul.f32 v30, v7;
	v24 =	vadd.f32 v28, v24;
	(erf) = vrcp.f32 v26;
	v7 =	vpop (erf)  }
0x3be: {  	(erf) = vpow2.f32 v11  }
0x3bf: {  	(erf) = vrcp.f32 v8  }
0x3c0: {  	v8 =	vpop (erf);
	(erf) = vpow2.f32 v25  }
0x3c1: {  	v18 =	vmul.f32 $1.442695020e+00, v18;
	v11 =	vpop (erf);
	(erf) = vpow2.f32 v23  }
0x3c2: {  	v45 =	vpop (erf);
	(erf) = vpow2.f32 v10  }
0x3c3: {  	v10 =	vmul.f32 v17, v12;
	v46 =	vpop (erf);
	(erf) = vpow2.f32 v18  }
0x3c4: {  	v13 =	vadd.f32 v19, v13;
	v47 =	vpop (erf)  }
0x3c5: {  	v10 =	vadd.f32 v10, v22;
	v48 =	vpop (erf)  }
0x3c6: {  	v6 =	vadd.f32 v6, v13;
	v49 =	vpop (erf)  }
0x3c7: {  	v14 =	vmul.f32 v14, v9;
	v10 =	vadd.f32 v21, v10;
	v50 =	vpop (erf)  }
0x3c8: {  	v9 =	vadd.f32 v9, v20;
	v6 =	vadd.f32 v15, v6;
	v51 =	vmul.f32 v47, v8;
	v52 =	vpop (erf)  }
0x3c9: {  	v10 =	vadd.f32 v14, v10;
	v53 =	vmul.f32 v50, v52;
	v54 =	vpop (erf)  }
0x3ca: {  	v4 =	vadd.f32 v4, v24;
	v6 =	vadd.f32 v51, v6;
	v55 =	vpop (erf)  }
0x3cb: {  	v58 =	vmul.f32 v54, v49;
	v56 =	vpop (erf);
	v57 =	vmul.f32 v55, v45;
	v10 =	vadd.f32 v53, v10  }
0x3cc: {  	v4 =	vadd.f32 v8, v4;
	v59 =	vmul.f32 v46, v11;
	v8 =	vadd.f32 v52, v9;
	v9 =	vpop (erf)  }
0x3cd: {  	v60 =	vmul.f32 v9, v7;
	v6 =	vadd.f32 v57, v6;
	v10 =	vadd.f32 v58, v10  }
0x3ce: {  	v4 =	vadd.f32 v45, v4;
	v61 =	vmul.f32 v48, v16;
	v8 =	vadd.f32 v49, v8  }
0x3cf: {  	v62 =	vmul.f32 v56, v5;
	v6 =	vadd.f32 v59, v6;
	v10 =	vadd.f32 v60, v10  }
0x3d0: {  	v4 =	vadd.f32 v11, v4;
	v7 =	vadd.f32 v7, v8  }
0x3d1: {  	v6 =	vadd.f32 v61, v6;
	v8 =	vadd.f32 v62, v10  }
0x3d2: {  	v4 =	vadd.f32 v16, v4;
	v5 =	vadd.f32 v5, v7  }
0x3d3: {  	v6 =	vadd.f32 v6, v8  }
0x3d4: {  	v4 =	vadd.f32 v4, v5  }
0x3d5: {  	(xrf2) =	vadd.scan.msk.f32 $0xffff, v6  }
0x3d6: {  	(xrf2) =	vadd.scan.msk.f32 $0xffff, v4  }
0x3d7: {  	v3 =	vsub.f32 $0.0e+00, v3;
	_ =	sdelay $0x1  }
0x3d8: {  	v3 =	vmul.f32 $1.442695020e+00, v3;
	_ =	sdelay $0x1  }
0x3d9: {  	(erf) = vpow2.f32 v3;
	_ =	sdelay $0x3  }
0x3da: {  	v3, _, _ =	vpop (xrf2)  }
0x3db: {  	v4, _, _ =	vpop (xrf2)  }
0x3dc: {  	v4 =	vsub.f32 $1.638400000e+04, v4;
	_ =	sdelay $0x1  }
0x3dd: {  	v4 =	vbroadcast v4, $0xF  }
0x3de: {  	v5 =	vpop (erf)  }
0x3df: {  	v3 =	vbroadcast v3, $0xF;
	v4 =	vmul.f32 v4, v5;
	_ =	sdelay $0x1  }
0x3e0: {  	v3 =	vadd.f32 v4, v3;
	_ =	sdelay $0x1  }
0x3e1: {  	(erf) = vrcp.f32 v3;
	_ =	sdelay $0x1  }
0x3e2: {  	[tilespmem:s4+$0x10] =	vst v46  }
0x3e3: {  	[tilespmem:s4+$0xFFFFFFD0] =	vst v47  }
0x3e4: {  	[tilespmem:s4+$0x30] =	vst v48  }
0x3e5: {  	[tilespmem:s4+$0xFFFFFFC0] =	vst v50  }
0x3e6: {  	[tilespmem:s4+$0xFFFFFFE0] =	vst v54  }
0x3e7: {  	[tilespmem:s4+$0xFFFFFFF0] =	vst v55  }
0x3e8: {  	[tilespmem:s4+$0x20] =	vst v56  }
0x3e9: {  	[tilespmem:s4+$0x0] =	vst v9;
	v3 =	vpop (erf)  }
0x3ea: {  	_ =	swait.ge [sflag:s25], $0x4000  }
0x3eb: {  	[sflag:s25] =	ssyncset.done $0x0  }
0x3ec: {  	s4 =	simm.s32 @!p0 $0x5;
	[sflag:s25] =	ssyncadd.s32 $0xFFFFC000  }
0x3ed: {  	_ =	swait.ge @!p0 [sflag:s4], $0x4000  }
0x3ee: {  	[sflag:s4] =	ssyncset.done @!p0 $0x0  }
0x3ef: {  	s9 =	simm.s32 $0x10040;
	[sflag:s4] =	ssyncadd.s32 @!p0 $0xFFFFC000  }
0x3f0: {  	v4 =	vmul.f32 v3, v5;
	v8 =	vld [tilespmem:s9+$0x30]  }
0x3f1: {  	v9 =	vld [tilespmem:s9+$0xFFFFFFD0]  }
0x3f2: {  	v6 =	vmul.f32 $1.600000000e+01, v4;
	v11 =	vld [tilespmem:s9+$0xFFFFFFE0]  }
0x3f3: {  	vm0 =	vlt.f32 v4, $1.000000010e-10;
	v5 =	vld [tilespmem:s9+$0xFFFFFFF0]  }
0x3f4: {  	v4 =	vsel vm0, $0x0, v6;
	v6 =	vld [tilespmem:s9+$0x0]  }
0x3f5: {  	s16 =	sshll.u32 s0, $0x4;
	s4 =	sor.u32 s6, s0;
	v7 =	vld [tilespmem:s9+$0x10];
	v63 =	vmul.f32 v8, v4  }
0x3f6: {  	s14 =	simm.s32 $0x14040;
	s11 =	simm.s32 $0x0;
	s7 =	sshll.u32 s4, $0xB;
	v8 =	vld [tilespmem:s9+$0x20];
	v10 =	vmul.f32 v9, v4  }
0x3f7: {  	s15 =	simm.s32 $0x100C0;
	s0 =	sand.u32 $0x70, s16;
	s7 =	sand.u32 $0xFFFC000, s7;
	v9 =	vld [tilespmem:s9+$0xFFFFFFC0];
	v11 =	vmul.f32 v11, v4;
	[tilespmem:s14+$0x30] =	vst v63  }
.LBB2_25:
0x3f8: {  	v12 =	vld [tilespmem:s15+$0x30];
	s11 =	sadd.s32 $0x8, s11;
	[tilespmem:s14+$0xFFFFFFD0] =	vst v10;
	v5 =	vmul.f32 v5, v4  }
0x3f9: {  	v10 =	vld [tilespmem:s15+$0xFFFFFFD0];
	p0 =	slt.u32 s11, $0x3F8;
	[tilespmem:s14+$0xFFFFFFE0] =	vst v11;
	v6 =	vmul.f32 v6, v4  }
0x3fa: {  	v11 =	vld [tilespmem:s15+$0xFFFFFFE0];
	[tilespmem:s14+$0xFFFFFFF0] =	vst v5;
	v7 =	vmul.f32 v7, v4  }
.Ltmp13:
0x3fb: {  	v5 =	vld [tilespmem:s15+$0xFFFFFFF0];
	[tilespmem:s14+$0x0] =	vst v6;
	v8 =	vmul.f32 v8, v4;
	(pc) =	sbr.rel @p0 .LBB2_25-.Ltmp13, $4  }
0x3fc: {  	v6 =	vld [tilespmem:s15+$0x0];
	v9 =	vmul.f32 v9, v4;
	[tilespmem:s14+$0x10] =	vst v7  }
0x3fd: {  	v7 =	vld [tilespmem:s15+$0x10];
	v12 =	vmul.f32 v12, v4;
	[tilespmem:s14+$0x20] =	vst v8  }
0x3fe: {  	s12 =	simm.s32 $0x4820;
	v10 =	vmul.f32 v10, v4;
	v8 =	vld [tilespmem:s15+$0x20];
	[tilespmem:s14+$0xFFFFFFC0] =	vst v9;
	s14 =	sadd.s32 $0x80, s14  }
0x3ff: {  	s9 =	simm.s32 $0x4020;
	v9 =	vld [tilespmem:s15+$0xFFFFFFC0];
	v11 =	vmul.f32 v11, v4;
	[tilespmem:s14+$0x30] =	vst v12;
	s15 =	sadd.s32 $0x80, s15  }
0x400: {  	[tilespmem:s14+$0xFFFFFFD0] =	vst v10;
	v5 =	vmul.f32 v5, v4  }
0x401: {  	[tilespmem:s14+$0xFFFFFFE0] =	vst v11;
	v6 =	vmul.f32 v6, v4  }
0x402: {  	[tilespmem:s14+$0xFFFFFFF0] =	vst v5;
	v5 =	vmul.f32 v7, v4  }
0x403: {  	[tilespmem:s14+$0x0] =	vst v6;
	v6 =	vmul.f32 v8, v4  }
0x404: {  	v4 =	vmul.f32 v9, v4;
	[tilespmem:s14+$0x10] =	vst v5  }
0x405: {  	[tilespmem:s14+$0x20] =	vst v6  }
0x406: {  	[tilespmem:s14+$0xFFFFFFC0] =	vst v4  }
0x407: {  	v7 =	vld [tilespmem:s12+$0x10]  }
0x408: {  	v5 =	vld [tilespmem:s12+$0xFFFFFFF0]  }
0x409: {  	v4 =	vld [tilespmem:s12+$0x0]  }
0x40a: {  	v6 =	vld [tilespmem:s12+$0xFFFFFFE0]  }
0x40b: {  	v8 =	vld [tilespmem:s9+$0x10]  }
0x40c: {  	v10 =	vld [tilespmem:s9+$0xFFFFFFE0]  }
0x40d: {  	v15 =	vld [tilespmem:s9+$0xFFFFFFF0]  }
0x40e: {  	v12 =	vld [tilespmem:s9+$0x0]  }
0x40f: {  	v11 =	vld.idx.msk [tilespmem:v7+s21+$0x0], $0xffff  }
0x410: {  	v14 =	vmul.f32 v8, v3;
	v9 =	vld.idx.msk [tilespmem:v5+s21+$0x0], $0xffff  }
0x411: {  	v13 =	vmul.f32 v10, v3;
	v8 =	vld.idx.msk [tilespmem:v4+s21+$0x0], $0xffff  }
0x412: {  	s15 =	simm.s32 $0x4860;
	s14 =	simm.s32 $0x0;
	v15 =	vmul.f32 v15, v3;
	v16 =	vmul.f32 $1.600000000e+01, v14;
	v10 =	vld.idx.msk [tilespmem:v6+s21+$0x0], $0xffff  }
.LBB2_27:
0x413: {  	v17 =	vld [tilespmem:s15+$0x10];
	v18 =	vmul.f32 $1.600000000e+01, v13;
	v12 =	vmul.f32 v12, v3;
	vm0 =	vlt.f32 v14, $1.000000010e-10  }
0x414: {  	s14 =	sadd.s32 $0x4, s14;
	vm1 =	vlt.f32 v13, $1.000000010e-10;
	v19 =	vld [tilespmem:s15+$0xFFFFFFF0];
	v13 =	vmul.f32 $1.600000000e+01, v15;
	v14 =	vsel vm0, $0x0, v16  }
0x415: {  	p0 =	slt.u32 s14, $0x7C;
	vm0 =	vlt.f32 v15, $1.000000010e-10;
	v20 =	vld [tilespmem:s15+$0x0];
	v15 =	vmul.f32 $1.600000000e+01, v12;
	v11 =	vmul.f32 v14, v11  }
0x416: {  	s9 =	sadd.s32 $0x40, s9;
	v14 =	vsel vm1, $0x0, v18;
	v16 =	vld [tilespmem:s15+$0xFFFFFFE0];
	v13 =	vsel vm0, $0x0, v13;
	vm0 =	vlt.f32 v12, $1.000000010e-10  }
0x417: {  	v18 =	vld [tilespmem:s9+$0x10];
	v9 =	vmul.f32 v13, v9;
	v12 =	vsel vm0, $0x0, v15;
	[tilespmem:v7+s26+$0x0] =	vst.idx.msk $0xffff, v11  }
0x418: {  	v10 =	vmul.f32 v14, v10;
	v13 =	vld [tilespmem:s9+$0xFFFFFFE0];
	v15 =	vmul.f32 v12, v8;
	[tilespmem:v7+s5+$0x0] =	vst.idx.msk $0xffff, v1;
	v7 =	vmov v17  }
0x419: {  	v21 =	vld [tilespmem:s9+$0xFFFFFFF0];
	[tilespmem:v5+s26+$0x0] =	vst.idx.msk $0xffff, v9  }
.Ltmp14:
0x41a: {  	v12 =	vld [tilespmem:s9+$0x0];
	[tilespmem:v6+s26+$0x0] =	vst.idx.msk $0xffff, v10;
	(pc) =	sbr.rel @p0 .LBB2_27-.Ltmp14, $4  }
0x41b: {  	v11 =	vld.idx.msk [tilespmem:v17+s21+$0x0], $0xffff;
	[tilespmem:v6+s5+$0x0] =	vst.idx.msk $0xffff, v1;
	v6 =	vmov v16  }
0x41c: {  	v9 =	vld.idx.msk [tilespmem:v19+s21+$0x0], $0xffff;
	v14 =	vmul.f32 v18, v3;
	[tilespmem:v5+s5+$0x0] =	vst.idx.msk $0xffff, v1;
	v5 =	vmov v19  }
0x41d: {  	v13 =	vmul.f32 v13, v3;
	v8 =	vld.idx.msk [tilespmem:v20+s21+$0x0], $0xffff;
	[tilespmem:v4+s26+$0x0] =	vst.idx.msk $0xffff, v15  }
0x41e: {  	s15 =	sadd.s32 $0x40, s15;
	v10 =	vld.idx.msk [tilespmem:v16+s21+$0x0], $0xffff;
	v15 =	vmul.f32 v21, v3;
	v16 =	vmul.f32 $1.600000000e+01, v14;
	[tilespmem:v4+s5+$0x0] =	vst.idx.msk $0xffff, v1;
	v4 =	vmov v20  }
0x41f: {  	vm0 =	vlt.f32 v14, $1.000000010e-10  }
0x420: {  	v61 =	vmul.f32 $1.600000000e+01, v15;
	v16 =	vsel vm0, $0x0, v16  }
0x421: {  	v17 =	vmul.f32 $1.600000000e+01, v13;
	vm14 =	vlt.f32 v15, $1.000000010e-10;
	v11 =	vmul.f32 v16, v11  }
0x422: {  	v3 =	vmul.f32 v12, v3;
	vm1 =	vlt.f32 v13, $1.000000010e-10;
	v62 =	vsel vm14, $0x0, v61  }
0x423: {  	v13 =	vsel vm1, $0x0, v17;
	v9 =	vmul.f32 v62, v9;
	[tilespmem:v7+s26+$0x0] =	vst.idx.msk $0xffff, v11  }
0x424: {  	v63 =	vmul.f32 $1.600000000e+01, v3;
	v10 =	vmul.f32 v13, v10;
	[tilespmem:v7+s5+$0x0] =	vst.idx.msk $0xffff, v1  }
0x425: {  	vm15 =	vlt.f32 v3, $1.000000010e-10;
	[tilespmem:v5+s26+$0x0] =	vst.idx.msk $0xffff, v9  }
0x426: {  	v3 =	vsel vm15, $0x0, v63;
	[tilespmem:v6+s26+$0x0] =	vst.idx.msk $0xffff, v10  }
.Ltmp15:
0x427: {  	v3 =	vmul.f32 v3, v8;
	[tilespmem:v6+s5+$0x0] =	vst.idx.msk $0xffff, v1;
	(pc) =	sbr.rel @p1 .LBB2_30-.Ltmp15, $4  }
0x428: {  	[tilespmem:v5+s5+$0x0] =	vst.idx.msk $0xffff, v1  }
0x429: {  	s0 =	sadd.s32 s3, s0;
	[tilespmem:v4+s26+$0x0] =	vst.idx.msk $0xffff, v3  }
0x42a: {  	s0 =	sadd.s32 s7, s0;
	[tilespmem:v4+s5+$0x0] =	vst.idx.msk $0xffff, v1  }
0x42b: {  	[hbm4b:s0+s17] =	stream.strided.scatter [tilespmem:s26], [sflag:$0x5], $0x4000, s18, s17, $0x38;
	[tilespmem:$0x18000] =	vst v63  }
0x42c: {  	s0 =	sadd.s32 $0x2, s4  }
0x42d: {  	s4 =	sshll.u32 s0, $0x8  }
0x42e: {  	s4 =	sand.u32 $0x1FFFFF00, s4  }
0x42f: {  	s4 =	sadd.s32 s2, s4  }
0x430: {  	[tilespmem:s20], [sflag:$0x3] =	stream.linear.gather [hbm4b:s4+s5], $0x800, $0x38;
	[tilespmem:$0x18000] =	vst v63  }
.Ltmp16:
0x431: {  	s16 =	sshll.u32 s0, $0x4;
	(pc) =	sbr.rel .LBB2_4-.Ltmp16, $4  }
0x432: {  	s0 =	sshll.u32 s0, $0xB;
	s4 =	sand.u32 $0x70, s16  }
0x433: {  	s0 =	sand.u32 $0xFFFC000, s0;
	s4 =	sadd.s32 s1, s4  }
0x434: {  	s31 =	sadd.s32 $0x1, s31;
	s0 =	sadd.s32 s0, s4  }
0x435: {  	[tilespmem:s21], [sflag:$0x3] =	stream.strided.gather [hbm4b:s0+s17], $0x4000, s18, s17, $0x38;
	[tilespmem:$0x18000] =	vst v63  }
.LBB2_31:
0x436: {  	_ =	sfence.sel $0x180000  }
0x437: {  	[bflag:$0x0] =	sbarrier.arrive $0xFFFF  }
0x438: {  	_ =	strace $0x90000047  }
0x439: {  	s0 =	stileid.u32;
	[bflag:$0x2] =	sbarrier.arrive $0xFFFF  }
0x43a: {  	p0 =	sne.s32 s0, $0x0;
	s0 =	rddreg [dreg:$0x5]  }
0x43b: {  	s0 =	sadd.s32 @!p0 $0x100000, s0  }
0x43c: {  	[sflag:s0] =	ssyncadd.tile.s32 @!p0 $0x1;
	_ =	shalt  }
.Lfunc_end2:
_tile_overlayer_lowered:
.L_overlay_start_2:
0x43d: {  	(tag) =	ssettag $0x2  }
0x43e: {  	s0 =	rddreg [dreg:$0x0];
	s2 =	stileid.u32  }
0x43f: {  	s1 =	rddreg [dreg:$0x1];
	p0 =	sne.s32 s2, $0x0  }
0x440: {  	s3 =	rddreg [dreg:$0x2];
	[bflag:$0x3] =	sbarrier.arrive $0xFFFF;
	s2 =	simm.s32 @!p0 $0x1C06  }
0x441: {  	[timem:s3], [sflag:s2] =	dma.local @!p0 [hbm:s0], s1  }
0x442: {  	s0 =	simm.s32 @!p0 $0x6  }
0x443: {  	_ =	swait.ge @!p0 [sflag:s0], s1  }
0x444: {  	s1 =	ssub.s32 @!p0 $0x0, s1;
	[sflag:s0] =	ssyncset.done @!p0 $0x0  }
0x445: {  	[sflag:s0] =	ssyncadd.s32 @!p0 s1  }
0x446: {  	[bflag:$0x3] =	sbarrier.arrive $0xFFFF  }
0x447: {  	_ =	shalt  }

</sc_bundles>
